<compile_context>
chip_gen: v7x
topology: tpu7x:2x2x1
jax: 0.10.2.dev20260603
libtpu: 0.0.44.dev20260713+nightly
codegen_flags: <defaults>
</compile_context>

<pallas_src>
import functools

import jax
import jax.numpy as jnp
from jax import lax
from jax.experimental import pallas as pl
from jax.experimental.pallas import tpu as pltpu
from jax.experimental.pallas import tpu_sc as plsc

BATCH = 16384
EMBED_K = 32
NUM_WORKERS = 32
B_PER_W = BATCH // NUM_WORKERS
LANES = 16
PACK = 128 // EMBED_K
PACK_BLK = 4096
PACK_SUB = PACK_BLK // PACK
PACK_GRID = -(-1000000 // PACK_BLK)
N_LINES = PACK_GRID * PACK_SUB


def _sc_fused(p_u, p_i, user_idx, item_idx):
    mesh = plsc.VectorSubcoreMesh(core_axis_name="c", subcore_axis_name="s")
    emb_t = jax.ShapeDtypeStruct((EMBED_K, BATCH), jnp.float32)
    dot_t = jax.ShapeDtypeStruct((BATCH,), jnp.float32)

    @functools.partial(
        pl.kernel,
        mesh=mesh,
        out_type=[dot_t, emb_t, emb_t],
        compiler_params=pltpu.CompilerParams(needs_layout_passes=False),
        scratch_types=[
            pltpu.VMEM((B_PER_W,), jnp.int32),
            pltpu.VMEM((B_PER_W,), jnp.int32),
            pltpu.VMEM((B_PER_W,), jnp.int32),
            pltpu.VMEM((B_PER_W, 128), jnp.float32),
            pltpu.VMEM((EMBED_K, B_PER_W), jnp.float32),
            pltpu.VMEM((EMBED_K, B_PER_W), jnp.float32),
            pltpu.VMEM((B_PER_W,), jnp.float32),
            pltpu.SemaphoreType.DMA,
        ],
    )
    def fused_kernel(u_tab, i_tab, u_idx, i_idx, dot_out, uc_out, ic_out,
                     idx_v, g_v, idx2_v, lines_v, s_u, s_i, dot_v, sem):
        wid = lax.axis_index("s") * 2 + lax.axis_index("c")
        base = wid * B_PER_W

        iota = lax.iota(jnp.int32, LANES)

        def gather_extract(tab, idx_hbm, s_out):
            pltpu.sync_copy(idx_hbm.at[pl.ds(base, B_PER_W)], idx_v)

            @pl.loop(0, B_PER_W, step=LANES)
            def _(j):
                sl = pl.ds(j, LANES)
                r_vec = idx_v[sl]
                g_v[sl] = lax.shift_left(
                    lax.shift_right_logical(r_vec, 12), 10) + (r_vec & 1023)
            pltpu.async_copy(tab.at[g_v], lines_v, sem).wait()

            @pl.loop(0, B_PER_W, step=LANES)
            def _(j):
                sl = pl.ds(j, LANES)
                r_vec = idx_v[sl]
                o_vec = (lax.shift_right_logical(r_vec, 10) & 3) * EMBED_K
                row_vec = iota + j
                for c in range(EMBED_K):
                    s_out[c, sl] = plsc.load_gather(
                        lines_v, [row_vec, o_vec + c])

        gather_extract(u_tab, u_idx, s_u)
        gather_extract(i_tab, i_idx, s_i)

        @pl.loop(0, B_PER_W, step=LANES)
        def _(j):
            sl = pl.ds(j, LANES)
            u_sum = s_u[0, sl]
            i_sum = s_i[0, sl]
            for c in range(1, EMBED_K):
                u_sum = u_sum + s_u[c, sl]
                i_sum = i_sum + s_i[c, sl]
            u_mean = u_sum * (1.0 / EMBED_K)
            i_mean = i_sum * (1.0 / EMBED_K)
            acc = jnp.zeros((LANES,), jnp.float32)
            for c in range(EMBED_K):
                u_cent = s_u[c, sl] - u_mean
                i_cent = s_i[c, sl] - i_mean
                s_u[c, sl] = u_cent
                s_i[c, sl] = i_cent
                acc = acc + u_cent * i_cent
            dot_v[sl] = acc

        pltpu.sync_copy(s_u, uc_out.at[:, pl.ds(base, B_PER_W)])
        pltpu.sync_copy(s_i, ic_out.at[:, pl.ds(base, B_PER_W)])
        pltpu.sync_copy(dot_v, dot_out.at[pl.ds(base, B_PER_W)])

    return fused_kernel(p_u, p_i, user_idx, item_idx)


def _tc_pack_body(t_ref, p_ref):
    x = t_ref[...]
    p_ref[...] = jnp.concatenate(
        [x[:, a * PACK_SUB:(a + 1) * PACK_SUB].T for a in range(PACK)], axis=1)


def _tc_pack(tab_t):
    return pl.pallas_call(
        _tc_pack_body,
        grid=(PACK_GRID,),
        in_specs=[pl.BlockSpec((EMBED_K, PACK_BLK), lambda k: (0, k))],
        out_specs=pl.BlockSpec((PACK_SUB, 128), lambda k: (k, 0)),
        out_shape=jax.ShapeDtypeStruct((N_LINES, 128), jnp.float32),
    )(tab_t)


def kernel(x, user_table, item_table, scale_param):
    user_idx = x[:, 0]
    item_idx = x[:, 1]
    p_u = _tc_pack(user_table.T)
    p_i = _tc_pack(item_table.T)
    dot, uc_t, ic_t = _sc_fused(p_u, p_i, user_idx, item_idx)
    return (dot[:, None], uc_t.T, ic_t.T)

# --- scband reference (transcript-rebuilt; emitter-appended) ---
"""Pipeline reference for scband-exposure-62130996903982 (READ-ONLY COPY).

The authoritative reference and input builder live on the scoring server;
editing this copy changes nothing except your own understanding.
"""

import jax, jax.numpy as jnp
import numpy as np

NUM_USERS = 1000000
NUM_ITEMS = 1000000
EMBED_K = 32
BATCH = 16384


def setup_inputs(seed: int = 0) -> dict:
    key = jax.random.key(seed)
    k1, k2, k3 = jax.random.split(key, 3)
    x = jax.random.randint(k1, (BATCH, 2), 0, NUM_USERS, dtype=jnp.int32)
    user_table = jax.random.normal(k2, (NUM_USERS, EMBED_K), dtype=jnp.float32) * 0.01
    item_table = jax.random.normal(k3, (NUM_ITEMS, EMBED_K), dtype=jnp.float32) * 0.01
    scale_param = jnp.ones((1,), dtype=jnp.float32)
    return {"x": x, "user_table": user_table, "item_table": item_table, "scale_param": scale_param}


def reference(x, user_table, item_table, scale_param):
    user_idx = x[:, 0]
    item_idx = x[:, 1]
    user_embed = jnp.take(user_table, user_idx, axis=0)
    item_embed = jnp.take(item_table, item_idx, axis=0)
    user_embed = user_embed - jnp.mean(user_embed, axis=1, keepdims=True)
    item_embed = item_embed - jnp.mean(item_embed, axis=1, keepdims=True)
    out = jnp.sum(user_embed * item_embed, axis=1)[:, None]
    return (out, user_embed, item_embed)

if __name__ == "__main__":
    import jax
    _d = setup_inputs()
    print(jax.jit(kernel)(*tuple(_d.values())))

</pallas_src>

<mosaic_0001>
#map = affine_map<(d0, d1) -> (0, 0)>
#map1 = affine_map<(d0, d1) -> (0)>
module attributes {stable_mosaic.version = 14 : i64} {
  func.func @fused_kernel(%arg0: i32, %arg1: i32, %arg2: memref<250880x128xf32, #tpu.memory_space<hbm>>, %arg3: memref<250880x128xf32, #tpu.memory_space<hbm>>, %arg4: memref<16384xi32, #tpu.memory_space<hbm>>, %arg5: memref<16384xi32, #tpu.memory_space<hbm>>, %arg6: memref<16384xf32, #tpu.memory_space<hbm>>, %arg7: memref<32x16384xf32, #tpu.memory_space<hbm>>, %arg8: memref<32x16384xf32, #tpu.memory_space<hbm>>, %arg9: memref<512xi32, #tpu.memory_space<vmem>>, %arg10: memref<512xi32, #tpu.memory_space<vmem>>, %arg11: memref<512xi32, #tpu.memory_space<vmem>>, %arg12: memref<512x128xf32, #tpu.memory_space<vmem>>, %arg13: memref<32x512xf32, #tpu.memory_space<vmem>>, %arg14: memref<32x512xf32, #tpu.memory_space<vmem>>, %arg15: memref<512xf32, #tpu.memory_space<vmem>>, %arg16: memref<!tpu.dma_semaphore, #tpu.memory_space<semaphore_mem>>) attributes {dimension_semantics = [#tpu.dimension_semantics<core_parallel>, #tpu.dimension_semantics<subcore_parallel>], iteration_bounds = array<i64: 2, 16>, scalar_prefetch = 0 : i64, scratch_operands = 8 : i64, tpu.core_type = #tpu.core_type<sc_vector_subcore>, window_params = [{transform_indices = #map}, {transform_indices = #map}, {transform_indices = #map1}, {transform_indices = #map1}, {transform_indices = #map1}, {transform_indices = #map}, {transform_indices = #map}]} {
    %mul3A = arith.constant 2 : i32
    %mul3A_0 = arith.muli %arg1, %mul3A : i32
    %add3A = arith.addi %mul3A_0, %arg0 : i32
    %mul3A_1 = arith.constant 512 : i32
    %mul3A_2 = arith.muli %add3A, %mul3A_1 : i32
    %iota3A = tpu.iota {dimensions = array<i32: 0>} : vector<16xi32>
    "tpu.region"() ({
      %run_scoped3A = tpu.sem_alloc : memref<!tpu.dma_semaphore, #tpu.memory_space<semaphore_mem>>
      %dma_start3A_37 = tpu.memref_slice %arg4[%mul3A_2] : memref<16384xi32, #tpu.memory_space<hbm>> -> memref<512xi32, #tpu.memory_space<hbm>>
      %dma_start3A_38 = tpu.memref_slice %arg4[%mul3A_2] : memref<16384xi32, #tpu.memory_space<hbm>> -> memref<512xi32, #tpu.memory_space<hbm>>
      tpu.enqueue_dma source(%dma_start3A_38 : memref<512xi32, #tpu.memory_space<hbm>>) target(%arg9 : memref<512xi32, #tpu.memory_space<vmem>>) target_semaphore(%run_scoped3A : memref<!tpu.dma_semaphore, #tpu.memory_space<semaphore_mem>>)
      %dma_wait3A_39 = tpu.memref_slice %arg4[%mul3A_2] : memref<16384xi32, #tpu.memory_space<hbm>> -> memref<512xi32, #tpu.memory_space<hbm>>
      %dma_wait3A_40 = tpu.memref_slice %arg4[%mul3A_2] : memref<16384xi32, #tpu.memory_space<hbm>> -> memref<512xi32, #tpu.memory_space<hbm>>
      tpu.wait_dma2 semaphore(%run_scoped3A : memref<!tpu.dma_semaphore, #tpu.memory_space<semaphore_mem>>) src(%dma_wait3A_40 : memref<512xi32, #tpu.memory_space<hbm>>) dst(%arg9 : memref<512xi32, #tpu.memory_space<vmem>>)
      tpu.yield
    }) : () -> ()
    %scan3A = arith.constant 0 : i32
    %scan3A_3 = arith.constant 32 : i32
    %scan3A_4 = arith.addi %scan3A, %scan3A_3 : i32
    %scan3A_5 = arith.constant 1 : i32
    scf.for %scan3A_37 = %scan3A to %scan3A_4 step %scan3A_5  : i32 {
      %mul3A_38 = arith.constant 16 : i32
      %mul3A_39 = arith.muli %scan3A_37, %mul3A_38 : i32
      %add3A_40 = arith.constant 0 : i32
      %add3A_41 = arith.addi %add3A_40, %mul3A_39 : i32
      %get3A = arith.index_cast %add3A_41 : i32 to index
      %get3A_42 = tpu.vector_load %arg9[%get3A] {strides = array<i32>} : memref<512xi32, #tpu.memory_space<vmem>>, vector<16xi32>,
      %shift_right_logical3A = arith.constant 12 : i32
      %shift_right_logical3A_43 = vector.broadcast %shift_right_logical3A : i32 to vector<16xi32>
      %shift_right_logical3A_44 = arith.shrui %get3A_42, %shift_right_logical3A_43 : vector<16xi32>
      %shift_left3A = arith.constant 10 : i32
      %shift_left3A_45 = vector.broadcast %shift_left3A : i32 to vector<16xi32>
      %shift_left3A_46 = arith.shli %shift_right_logical3A_44, %shift_left3A_45 : vector<16xi32>
      %and3A = arith.constant 1023 : i32
      %and3A_47 = vector.broadcast %and3A : i32 to vector<16xi32>
      %and3A_48 = arith.andi %get3A_42, %and3A_47 : vector<16xi32>
      %add3A_49 = arith.addi %shift_left3A_46, %and3A_48 : vector<16xi32>
      %swap3A = arith.index_cast %add3A_41 : i32 to index
      %swap3A_50 = tpu.vector_load %arg10[%swap3A] {strides = array<i32>} : memref<512xi32, #tpu.memory_space<vmem>>, vector<16xi32>,
      tpu.vector_store %arg10[%swap3A], %add3A_49 {strides = array<i32>} : memref<512xi32, #tpu.memory_space<vmem>>, vector<16xi32>,
    }
    %scan3A_6 = arith.constant 32 : i32
    %dma_start3A = arith.constant 0 : i32
    %dma_start3A_7 = arith.constant 0 : i32
    %dma_start3A_8 = tpu.memref_slice %arg2[%dma_start3A, %dma_start3A_7] : memref<250880x128xf32, #tpu.memory_space<hbm>> -> memref<250880x128xf32, #tpu.memory_space<hbm>>
    tpu.enqueue_indirect_dma source(%dma_start3A_8 : memref<250880x128xf32, #tpu.memory_space<hbm>>) target(%arg12 : memref<512x128xf32, #tpu.memory_space<vmem>>) offsets(%arg10 : memref<512xi32, #tpu.memory_space<vmem>>) semaphore(%arg16 : memref<!tpu.dma_semaphore, #tpu.memory_space<semaphore_mem>>)
    %dma_wait3A = arith.constant 0 : i32
    %dma_wait3A_9 = arith.constant 0 : i32
    %dma_wait3A_10 = tpu.memref_slice %arg2[%dma_wait3A, %dma_wait3A_9] : memref<250880x128xf32, #tpu.memory_space<hbm>> -> memref<250880x128xf32, #tpu.memory_space<hbm>>
    tpu.wait_indirect_dma semaphore(%arg16 : memref<!tpu.dma_semaphore, #tpu.memory_space<semaphore_mem>>) src(%dma_wait3A_10 : memref<250880x128xf32, #tpu.memory_space<hbm>>) dst(%arg12 : memref<512x128xf32, #tpu.memory_space<vmem>>)
    %scan3A_11 = arith.constant 0 : i32
    %scan3A_12 = arith.constant 32 : i32
    %scan3A_13 = arith.addi %scan3A_11, %scan3A_12 : i32
    %scan3A_14 = arith.constant 1 : i32
    scf.for %scan3A_37 = %scan3A_11 to %scan3A_13 step %scan3A_14  : i32 {
      %mul3A_38 = arith.constant 16 : i32
      %mul3A_39 = arith.muli %scan3A_37, %mul3A_38 : i32
      %add3A_40 = arith.constant 0 : i32
      %add3A_41 = arith.addi %add3A_40, %mul3A_39 : i32
      %get3A = arith.index_cast %add3A_41 : i32 to index
      %get3A_42 = tpu.vector_load %arg9[%get3A] {strides = array<i32>} : memref<512xi32, #tpu.memory_space<vmem>>, vector<16xi32>,
      %shift_right_logical3A = arith.constant 10 : i32
      %shift_right_logical3A_43 = vector.broadcast %shift_right_logical3A : i32 to vector<16xi32>
      %shift_right_logical3A_44 = arith.shrui %get3A_42, %shift_right_logical3A_43 : vector<16xi32>
      %and3A = arith.constant 3 : i32
      %and3A_45 = vector.broadcast %and3A : i32 to vector<16xi32>
      %and3A_46 = arith.andi %shift_right_logical3A_44, %and3A_45 : vector<16xi32>
      %mul3A_47 = arith.constant 32 : i32
      %mul3A_48 = vector.broadcast %mul3A_47 : i32 to vector<16xi32>
      %mul3A_49 = arith.muli %and3A_46, %mul3A_48 : vector<16xi32>
      %add3A_50 = vector.broadcast %add3A_41 : i32 to vector<16xi32>
      %add3A_51 = arith.addi %iota3A, %add3A_50 : vector<16xi32>
      %add3A_52 = arith.constant 0 : i32
      %add3A_53 = vector.broadcast %add3A_52 : i32 to vector<16xi32>
      %add3A_54 = arith.addi %mul3A_49, %add3A_53 : vector<16xi32>
      %gather3A = tpu.vector_load_idx %arg12[%add3A_51, %add3A_54] : memref<512x128xf32, #tpu.memory_space<vmem>>[vector<16xi32>, vector<16xi32>], vector<16xf32>,
      %swap3A = arith.constant 0 : i32
      %swap3A_55 = arith.index_cast %swap3A : i32 to index
      %swap3A_56 = arith.index_cast %add3A_41 : i32 to index
      %swap3A_57 = tpu.vector_load %arg13[%swap3A_55, %swap3A_56] {strides = array<i32>} : memref<32x512xf32, #tpu.memory_space<vmem>>, vector<16xf32>,
      tpu.vector_store %arg13[%swap3A_55, %swap3A_56], %gather3A {strides = array<i32>} : memref<32x512xf32, #tpu.memory_space<vmem>>, vector<16xf32>,
      %add3A_58 = arith.constant 1 : i32
      %add3A_59 = vector.broadcast %add3A_58 : i32 to vector<16xi32>
      %add3A_60 = arith.addi %mul3A_49, %add3A_59 : vector<16xi32>
      %gather3A_61 = tpu.vector_load_idx %arg12[%add3A_51, %add3A_60] : memref<512x128xf32, #tpu.memory_space<vmem>>[vector<16xi32>, vector<16xi32>], vector<16xf32>,
      %swap3A_62 = arith.constant 1 : i32
      %swap3A_63 = arith.index_cast %swap3A_62 : i32 to index
      %swap3A_64 = arith.index_cast %add3A_41 : i32 to index
      %swap3A_65 = tpu.vector_load %arg13[%swap3A_63, %swap3A_64] {strides = array<i32>} : memref<32x512xf32, #tpu.memory_space<vmem>>, vector<16xf32>,
      tpu.vector_store %arg13[%swap3A_63, %swap3A_64], %gather3A_61 {strides = array<i32>} : memref<32x512xf32, #tpu.memory_space<vmem>>, vector<16xf32>,
      %add3A_66 = arith.constant 2 : i32
      %add3A_67 = vector.broadcast %add3A_66 : i32 to vector<16xi32>
      %add3A_68 = arith.addi %mul3A_49, %add3A_67 : vector<16xi32>
      %gather3A_69 = tpu.vector_load_idx %arg12[%add3A_51, %add3A_68] : memref<512x128xf32, #tpu.memory_space<vmem>>[vector<16xi32>, vector<16xi32>], vector<16xf32>,
      %swap3A_70 = arith.constant 2 : i32
      %swap3A_71 = arith.index_cast %swap3A_70 : i32 to index
      %swap3A_72 = arith.index_cast %add3A_41 : i32 to index
      %swap3A_73 = tpu.vector_load %arg13[%swap3A_71, %swap3A_72] {strides = array<i32>} : memref<32x512xf32, #tpu.memory_space<vmem>>, vector<16xf32>,
      tpu.vector_store %arg13[%swap3A_71, %swap3A_72], %gather3A_69 {strides = array<i32>} : memref<32x512xf32, #tpu.memory_space<vmem>>, vector<16xf32>,
      %add3A_74 = arith.constant 3 : i32
      %add3A_75 = vector.broadcast %add3A_74 : i32 to vector<16xi32>
      %add3A_76 = arith.addi %mul3A_49, %add3A_75 : vector<16xi32>
      %gather3A_77 = tpu.vector_load_idx %arg12[%add3A_51, %add3A_76] : memref<512x128xf32, #tpu.memory_space<vmem>>[vector<16xi32>, vector<16xi32>], vector<16xf32>,
      %swap3A_78 = arith.constant 3 : i32
      %swap3A_79 = arith.index_cast %swap3A_78 : i32 to index
      %swap3A_80 = arith.index_cast %add3A_41 : i32 to index
      %swap3A_81 = tpu.vector_load %arg13[%swap3A_79, %swap3A_80] {strides = array<i32>} : memref<32x512xf32, #tpu.memory_space<vmem>>, vector<16xf32>,
      tpu.vector_store %arg13[%swap3A_79, %swap3A_80], %gather3A_77 {strides = array<i32>} : memref<32x512xf32, #tpu.memory_space<vmem>>, vector<16xf32>,
      %add3A_82 = arith.constant 4 : i32
      %add3A_83 = vector.broadcast %add3A_82 : i32 to vector<16xi32>
      %add3A_84 = arith.addi %mul3A_49, %add3A_83 : vector<16xi32>
      %gather3A_85 = tpu.vector_load_idx %arg12[%add3A_51, %add3A_84] : memref<512x128xf32, #tpu.memory_space<vmem>>[vector<16xi32>, vector<16xi32>], vector<16xf32>,
      %swap3A_86 = arith.constant 4 : i32
      %swap3A_87 = arith.index_cast %swap3A_86 : i32 to index
      %swap3A_88 = arith.index_cast %add3A_41 : i32 to index
      %swap3A_89 = tpu.vector_load %arg13[%swap3A_87, %swap3A_88] {strides = array<i32>} : memref<32x512xf32, #tpu.memory_space<vmem>>, vector<16xf32>,
      tpu.vector_store %arg13[%swap3A_87, %swap3A_88], %gather3A_85 {strides = array<i32>} : memref<32x512xf32, #tpu.memory_space<vmem>>, vector<16xf32>,
      %add3A_90 = arith.constant 5 : i32
      %add3A_91 = vector.broadcast %add3A_90 : i32 to vector<16xi32>
      %add3A_92 = arith.addi %mul3A_49, %add3A_91 : vector<16xi32>
      %gather3A_93 = tpu.vector_load_idx %arg12[%add3A_51, %add3A_92] : memref<512x128xf32, #tpu.memory_space<vmem>>[vector<16xi32>, vector<16xi32>], vector<16xf32>,
      %swap3A_94 = arith.constant 5 : i32
      %swap3A_95 = arith.index_cast %swap3A_94 : i32 to index
      %swap3A_96 = arith.index_cast %add3A_41 : i32 to index
      %swap3A_97 = tpu.vector_load %arg13[%swap3A_95, %swap3A_96] {strides = array<i32>} : memref<32x512xf32, #tpu.memory_space<vmem>>, vector<16xf32>,
      tpu.vector_store %arg13[%swap3A_95, %swap3A_96], %gather3A_93 {strides = array<i32>} : memref<32x512xf32, #tpu.memory_space<vmem>>, vector<16xf32>,
      %add3A_98 = arith.constant 6 : i32
      %add3A_99 = vector.broadcast %add3A_98 : i32 to vector<16xi32>
      %add3A_100 = arith.addi %mul3A_49, %add3A_99 : vector<16xi32>
      %gather3A_101 = tpu.vector_load_idx %arg12[%add3A_51, %add3A_100] : memref<512x128xf32, #tpu.memory_space<vmem>>[vector<16xi32>, vector<16xi32>], vector<16xf32>,
      %swap3A_102 = arith.constant 6 : i32
      %swap3A_103 = arith.index_cast %swap3A_102 : i32 to index
      %swap3A_104 = arith.index_cast %add3A_41 : i32 to index
      %swap3A_105 = tpu.vector_load %arg13[%swap3A_103, %swap3A_104] {strides = array<i32>} : memref<32x512xf32, #tpu.memory_space<vmem>>, vector<16xf32>,
      tpu.vector_store %arg13[%swap3A_103, %swap3A_104], %gather3A_101 {strides = array<i32>} : memref<32x512xf32, #tpu.memory_space<vmem>>, vector<16xf32>,
      %add3A_106 = arith.constant 7 : i32
      %add3A_107 = vector.broadcast %add3A_106 : i32 to vector<16xi32>
      %add3A_108 = arith.addi %mul3A_49, %add3A_107 : vector<16xi32>
      %gather3A_109 = tpu.vector_load_idx %arg12[%add3A_51, %add3A_108] : memref<512x128xf32, #tpu.memory_space<vmem>>[vector<16xi32>, vector<16xi32>], vector<16xf32>,
      %swap3A_110 = arith.constant 7 : i32
      %swap3A_111 = arith.index_cast %swap3A_110 : i32 to index
      %swap3A_112 = arith.index_cast %add3A_41 : i32 to index
      %swap3A_113 = tpu.vector_load %arg13[%swap3A_111, %swap3A_112] {strides = array<i32>} : memref<32x512xf32, #tpu.memory_space<vmem>>, vector<16xf32>,
      tpu.vector_store %arg13[%swap3A_111, %swap3A_112], %gather3A_109 {strides = array<i32>} : memref<32x512xf32, #tpu.memory_space<vmem>>, vector<16xf32>,
      %add3A_114 = arith.constant 8 : i32
      %add3A_115 = vector.broadcast %add3A_114 : i32 to vector<16xi32>
      %add3A_116 = arith.addi %mul3A_49, %add3A_115 : vector<16xi32>
      %gather3A_117 = tpu.vector_load_idx %arg12[%add3A_51, %add3A_116] : memref<512x128xf32, #tpu.memory_space<vmem>>[vector<16xi32>, vector<16xi32>], vector<16xf32>,
      %swap3A_118 = arith.constant 8 : i32
      %swap3A_119 = arith.index_cast %swap3A_118 : i32 to index
      %swap3A_120 = arith.index_cast %add3A_41 : i32 to index
      %swap3A_121 = tpu.vector_load %arg13[%swap3A_119, %swap3A_120] {strides = array<i32>} : memref<32x512xf32, #tpu.memory_space<vmem>>, vector<16xf32>,
      tpu.vector_store %arg13[%swap3A_119, %swap3A_120], %gather3A_117 {strides = array<i32>} : memref<32x512xf32, #tpu.memory_space<vmem>>, vector<16xf32>,
      %add3A_122 = arith.constant 9 : i32
      %add3A_123 = vector.broadcast %add3A_122 : i32 to vector<16xi32>
      %add3A_124 = arith.addi %mul3A_49, %add3A_123 : vector<16xi32>
      %gather3A_125 = tpu.vector_load_idx %arg12[%add3A_51, %add3A_124] : memref<512x128xf32, #tpu.memory_space<vmem>>[vector<16xi32>, vector<16xi32>], vector<16xf32>,
      %swap3A_126 = arith.constant 9 : i32
      %swap3A_127 = arith.index_cast %swap3A_126 : i32 to index
      %swap3A_128 = arith.index_cast %add3A_41 : i32 to index
      %swap3A_129 = tpu.vector_load %arg13[%swap3A_127, %swap3A_128] {strides = array<i32>} : memref<32x512xf32, #tpu.memory_space<vmem>>, vector<16xf32>,
      tpu.vector_store %arg13[%swap3A_127, %swap3A_128], %gather3A_125 {strides = array<i32>} : memref<32x512xf32, #tpu.memory_space<vmem>>, vector<16xf32>,
      %add3A_130 = arith.constant 10 : i32
      %add3A_131 = vector.broadcast %add3A_130 : i32 to vector<16xi32>
      %add3A_132 = arith.addi %mul3A_49, %add3A_131 : vector<16xi32>
      %gather3A_133 = tpu.vector_load_idx %arg12[%add3A_51, %add3A_132] : memref<512x128xf32, #tpu.memory_space<vmem>>[vector<16xi32>, vector<16xi32>], vector<16xf32>,
      %swap3A_134 = arith.constant 10 : i32
      %swap3A_135 = arith.index_cast %swap3A_134 : i32 to index
      %swap3A_136 = arith.index_cast %add3A_41 : i32 to index
      %swap3A_137 = tpu.vector_load %arg13[%swap3A_135, %swap3A_136] {strides = array<i32>} : memref<32x512xf32, #tpu.memory_space<vmem>>, vector<16xf32>,
      tpu.vector_store %arg13[%swap3A_135, %swap3A_136], %gather3A_133 {strides = array<i32>} : memref<32x512xf32, #tpu.memory_space<vmem>>, vector<16xf32>,
      %add3A_138 = arith.constant 11 : i32
      %add3A_139 = vector.broadcast %add3A_138 : i32 to vector<16xi32>
      %add3A_140 = arith.addi %mul3A_49, %add3A_139 : vector<16xi32>
      %gather3A_141 = tpu.vector_load_idx %arg12[%add3A_51, %add3A_140] : memref<512x128xf32, #tpu.memory_space<vmem>>[vector<16xi32>, vector<16xi32>], vector<16xf32>,
      %swap3A_142 = arith.constant 11 : i32
      %swap3A_143 = arith.index_cast %swap3A_142 : i32 to index
      %swap3A_144 = arith.index_cast %add3A_41 : i32 to index
      %swap3A_145 = tpu.vector_load %arg13[%swap3A_143, %swap3A_144] {strides = array<i32>} : memref<32x512xf32, #tpu.memory_space<vmem>>, vector<16xf32>,
      tpu.vector_store %arg13[%swap3A_143, %swap3A_144], %gather3A_141 {strides = array<i32>} : memref<32x512xf32, #tpu.memory_space<vmem>>, vector<16xf32>,
      %add3A_146 = arith.constant 12 : i32
      %add3A_147 = vector.broadcast %add3A_146 : i32 to vector<16xi32>
      %add3A_148 = arith.addi %mul3A_49, %add3A_147 : vector<16xi32>
      %gather3A_149 = tpu.vector_load_idx %arg12[%add3A_51, %add3A_148] : memref<512x128xf32, #tpu.memory_space<vmem>>[vector<16xi32>, vector<16xi32>], vector<16xf32>,
      %swap3A_150 = arith.constant 12 : i32
      %swap3A_151 = arith.index_cast %swap3A_150 : i32 to index
      %swap3A_152 = arith.index_cast %add3A_41 : i32 to index
      %swap3A_153 = tpu.vector_load %arg13[%swap3A_151, %swap3A_152] {strides = array<i32>} : memref<32x512xf32, #tpu.memory_space<vmem>>, vector<16xf32>,
      tpu.vector_store %arg13[%swap3A_151, %swap3A_152], %gather3A_149 {strides = array<i32>} : memref<32x512xf32, #tpu.memory_space<vmem>>, vector<16xf32>,
      %add3A_154 = arith.constant 13 : i32
      %add3A_155 = vector.broadcast %add3A_154 : i32 to vector<16xi32>
      %add3A_156 = arith.addi %mul3A_49, %add3A_155 : vector<16xi32>
      %gather3A_157 = tpu.vector_load_idx %arg12[%add3A_51, %add3A_156] : memref<512x128xf32, #tpu.memory_space<vmem>>[vector<16xi32>, vector<16xi32>], vector<16xf32>,
      %swap3A_158 = arith.constant 13 : i32
      %swap3A_159 = arith.index_cast %swap3A_158 : i32 to index
      %swap3A_160 = arith.index_cast %add3A_41 : i32 to index
      %swap3A_161 = tpu.vector_load %arg13[%swap3A_159, %swap3A_160] {strides = array<i32>} : memref<32x512xf32, #tpu.memory_space<vmem>>, vector<16xf32>,
      tpu.vector_store %arg13[%swap3A_159, %swap3A_160], %gather3A_157 {strides = array<i32>} : memref<32x512xf32, #tpu.memory_space<vmem>>, vector<16xf32>,
      %add3A_162 = arith.constant 14 : i32
      %add3A_163 = vector.broadcast %add3A_162 : i32 to vector<16xi32>
      %add3A_164 = arith.addi %mul3A_49, %add3A_163 : vector<16xi32>
      %gather3A_165 = tpu.vector_load_idx %arg12[%add3A_51, %add3A_164] : memref<512x128xf32, #tpu.memory_space<vmem>>[vector<16xi32>, vector<16xi32>], vector<16xf32>,
      %swap3A_166 = arith.constant 14 : i32
      %swap3A_167 = arith.index_cast %swap3A_166 : i32 to index
      %swap3A_168 = arith.index_cast %add3A_41 : i32 to index
      %swap3A_169 = tpu.vector_load %arg13[%swap3A_167, %swap3A_168] {strides = array<i32>} : memref<32x512xf32, #tpu.memory_space<vmem>>, vector<16xf32>,
      tpu.vector_store %arg13[%swap3A_167, %swap3A_168], %gather3A_165 {strides = array<i32>} : memref<32x512xf32, #tpu.memory_space<vmem>>, vector<16xf32>,
      %add3A_170 = arith.constant 15 : i32
      %add3A_171 = vector.broadcast %add3A_170 : i32 to vector<16xi32>
      %add3A_172 = arith.addi %mul3A_49, %add3A_171 : vector<16xi32>
      %gather3A_173 = tpu.vector_load_idx %arg12[%add3A_51, %add3A_172] : memref<512x128xf32, #tpu.memory_space<vmem>>[vector<16xi32>, vector<16xi32>], vector<16xf32>,
      %swap3A_174 = arith.constant 15 : i32
      %swap3A_175 = arith.index_cast %swap3A_174 : i32 to index
      %swap3A_176 = arith.index_cast %add3A_41 : i32 to index
      %swap3A_177 = tpu.vector_load %arg13[%swap3A_175, %swap3A_176] {strides = array<i32>} : memref<32x512xf32, #tpu.memory_space<vmem>>, vector<16xf32>,
      tpu.vector_store %arg13[%swap3A_175, %swap3A_176], %gather3A_173 {strides = array<i32>} : memref<32x512xf32, #tpu.memory_space<vmem>>, vector<16xf32>,
      %add3A_178 = arith.constant 16 : i32
      %add3A_179 = vector.broadcast %add3A_178 : i32 to vector<16xi32>
      %add3A_180 = arith.addi %mul3A_49, %add3A_179 : vector<16xi32>
      %gather3A_181 = tpu.vector_load_idx %arg12[%add3A_51, %add3A_180] : memref<512x128xf32, #tpu.memory_space<vmem>>[vector<16xi32>, vector<16xi32>], vector<16xf32>,
      %swap3A_182 = arith.constant 16 : i32
      %swap3A_183 = arith.index_cast %swap3A_182 : i32 to index
      %swap3A_184 = arith.index_cast %add3A_41 : i32 to index
      %swap3A_185 = tpu.vector_load %arg13[%swap3A_183, %swap3A_184] {strides = array<i32>} : memref<32x512xf32, #tpu.memory_space<vmem>>, vector<16xf32>,
      tpu.vector_store %arg13[%swap3A_183, %swap3A_184], %gather3A_181 {strides = array<i32>} : memref<32x512xf32, #tpu.memory_space<vmem>>, vector<16xf32>,
      %add3A_186 = arith.constant 17 : i32
      %add3A_187 = vector.broadcast %add3A_186 : i32 to vector<16xi32>
      %add3A_188 = arith.addi %mul3A_49, %add3A_187 : vector<16xi32>
      %gather3A_189 = tpu.vector_load_idx %arg12[%add3A_51, %add3A_188] : memref<512x128xf32, #tpu.memory_space<vmem>>[vector<16xi32>, vector<16xi32>], vector<16xf32>,
      %swap3A_190 = arith.constant 17 : i32
      %swap3A_191 = arith.index_cast %swap3A_190 : i32 to index
      %swap3A_192 = arith.index_cast %add3A_41 : i32 to index
      %swap3A_193 = tpu.vector_load %arg13[%swap3A_191, %swap3A_192] {strides = array<i32>} : memref<32x512xf32, #tpu.memory_space<vmem>>, vector<16xf32>,
      tpu.vector_store %arg13[%swap3A_191, %swap3A_192], %gather3A_189 {strides = array<i32>} : memref<32x512xf32, #tpu.memory_space<vmem>>, vector<16xf32>,
      %add3A_194 = arith.constant 18 : i32
      %add3A_195 = vector.broadcast %add3A_194 : i32 to vector<16xi32>
      %add3A_196 = arith.addi %mul3A_49, %add3A_195 : vector<16xi32>
      %gather3A_197 = tpu.vector_load_idx %arg12[%add3A_51, %add3A_196] : memref<512x128xf32, #tpu.memory_space<vmem>>[vector<16xi32>, vector<16xi32>], vector<16xf32>,
      %swap3A_198 = arith.constant 18 : i32
      %swap3A_199 = arith.index_cast %swap3A_198 : i32 to index
      %swap3A_200 = arith.index_cast %add3A_41 : i32 to index
      %swap3A_201 = tpu.vector_load %arg13[%swap3A_199, %swap3A_200] {strides = array<i32>} : memref<32x512xf32, #tpu.memory_space<vmem>>, vector<16xf32>,
      tpu.vector_store %arg13[%swap3A_199, %swap3A_200], %gather3A_197 {strides = array<i32>} : memref<32x512xf32, #tpu.memory_space<vmem>>, vector<16xf32>,
      %add3A_202 = arith.constant 19 : i32
      %add3A_203 = vector.broadcast %add3A_202 : i32 to vector<16xi32>
      %add3A_204 = arith.addi %mul3A_49, %add3A_203 : vector<16xi32>
      %gather3A_205 = tpu.vector_load_idx %arg12[%add3A_51, %add3A_204] : memref<512x128xf32, #tpu.memory_space<vmem>>[vector<16xi32>, vector<16xi32>], vector<16xf32>,
      %swap3A_206 = arith.constant 19 : i32
      %swap3A_207 = arith.index_cast %swap3A_206 : i32 to index
      %swap3A_208 = arith.index_cast %add3A_41 : i32 to index
      %swap3A_209 = tpu.vector_load %arg13[%swap3A_207, %swap3A_208] {strides = array<i32>} : memref<32x512xf32, #tpu.memory_space<vmem>>, vector<16xf32>,
      tpu.vector_store %arg13[%swap3A_207, %swap3A_208], %gather3A_205 {strides = array<i32>} : memref<32x512xf32, #tpu.memory_space<vmem>>, vector<16xf32>,
      %add3A_210 = arith.constant 20 : i32
      %add3A_211 = vector.broadcast %add3A_210 : i32 to vector<16xi32>
      %add3A_212 = arith.addi %mul3A_49, %add3A_211 : vector<16xi32>
      %gather3A_213 = tpu.vector_load_idx %arg12[%add3A_51, %add3A_212] : memref<512x128xf32, #tpu.memory_space<vmem>>[vector<16xi32>, vector<16xi32>], vector<16xf32>,
      %swap3A_214 = arith.constant 20 : i32
      %swap3A_215 = arith.index_cast %swap3A_214 : i32 to index
      %swap3A_216 = arith.index_cast %add3A_41 : i32 to index
      %swap3A_217 = tpu.vector_load %arg13[%swap3A_215, %swap3A_216] {strides = array<i32>} : memref<32x512xf32, #tpu.memory_space<vmem>>, vector<16xf32>,
      tpu.vector_store %arg13[%swap3A_215, %swap3A_216], %gather3A_213 {strides = array<i32>} : memref<32x512xf32, #tpu.memory_space<vmem>>, vector<16xf32>,
      %add3A_218 = arith.constant 21 : i32
      %add3A_219 = vector.broadcast %add3A_218 : i32 to vector<16xi32>
      %add3A_220 = arith.addi %mul3A_49, %add3A_219 : vector<16xi32>
      %gather3A_221 = tpu.vector_load_idx %arg12[%add3A_51, %add3A_220] : memref<512x128xf32, #tpu.memory_space<vmem>>[vector<16xi32>, vector<16xi32>], vector<16xf32>,
      %swap3A_222 = arith.constant 21 : i32
      %swap3A_223 = arith.index_cast %swap3A_222 : i32 to index
      %swap3A_224 = arith.index_cast %add3A_41 : i32 to index
      %swap3A_225 = tpu.vector_load %arg13[%swap3A_223, %swap3A_224] {strides = array<i32>} : memref<32x512xf32, #tpu.memory_space<vmem>>, vector<16xf32>,
      tpu.vector_store %arg13[%swap3A_223, %swap3A_224], %gather3A_221 {strides = array<i32>} : memref<32x512xf32, #tpu.memory_space<vmem>>, vector<16xf32>,
      %add3A_226 = arith.constant 22 : i32
      %add3A_227 = vector.broadcast %add3A_226 : i32 to vector<16xi32>
      %add3A_228 = arith.addi %mul3A_49, %add3A_227 : vector<16xi32>
      %gather3A_229 = tpu.vector_load_idx %arg12[%add3A_51, %add3A_228] : memref<512x128xf32, #tpu.memory_space<vmem>>[vector<16xi32>, vector<16xi32>], vector<16xf32>,
      %swap3A_230 = arith.constant 22 : i32
      %swap3A_231 = arith.index_cast %swap3A_230 : i32 to index
      %swap3A_232 = arith.index_cast %add3A_41 : i32 to index
      %swap3A_233 = tpu.vector_load %arg13[%swap3A_231, %swap3A_232] {strides = array<i32>} : memref<32x512xf32, #tpu.memory_space<vmem>>, vector<16xf32>,
      tpu.vector_store %arg13[%swap3A_231, %swap3A_232], %gather3A_229 {strides = array<i32>} : memref<32x512xf32, #tpu.memory_space<vmem>>, vector<16xf32>,
      %add3A_234 = arith.constant 23 : i32
      %add3A_235 = vector.broadcast %add3A_234 : i32 to vector<16xi32>
      %add3A_236 = arith.addi %mul3A_49, %add3A_235 : vector<16xi32>
      %gather3A_237 = tpu.vector_load_idx %arg12[%add3A_51, %add3A_236] : memref<512x128xf32, #tpu.memory_space<vmem>>[vector<16xi32>, vector<16xi32>], vector<16xf32>,
      %swap3A_238 = arith.constant 23 : i32
      %swap3A_239 = arith.index_cast %swap3A_238 : i32 to index
      %swap3A_240 = arith.index_cast %add3A_41 : i32 to index
      %swap3A_241 = tpu.vector_load %arg13[%swap3A_239, %swap3A_240] {strides = array<i32>} : memref<32x512xf32, #tpu.memory_space<vmem>>, vector<16xf32>,
      tpu.vector_store %arg13[%swap3A_239, %swap3A_240], %gather3A_237 {strides = array<i32>} : memref<32x512xf32, #tpu.memory_space<vmem>>, vector<16xf32>,
      %add3A_242 = arith.constant 24 : i32
      %add3A_243 = vector.broadcast %add3A_242 : i32 to vector<16xi32>
      %add3A_244 = arith.addi %mul3A_49, %add3A_243 : vector<16xi32>
      %gather3A_245 = tpu.vector_load_idx %arg12[%add3A_51, %add3A_244] : memref<512x128xf32, #tpu.memory_space<vmem>>[vector<16xi32>, vector<16xi32>], vector<16xf32>,
      %swap3A_246 = arith.constant 24 : i32
      %swap3A_247 = arith.index_cast %swap3A_246 : i32 to index
      %swap3A_248 = arith.index_cast %add3A_41 : i32 to index
      %swap3A_249 = tpu.vector_load %arg13[%swap3A_247, %swap3A_248] {strides = array<i32>} : memref<32x512xf32, #tpu.memory_space<vmem>>, vector<16xf32>,
      tpu.vector_store %arg13[%swap3A_247, %swap3A_248], %gather3A_245 {strides = array<i32>} : memref<32x512xf32, #tpu.memory_space<vmem>>, vector<16xf32>,
      %add3A_250 = arith.constant 25 : i32
      %add3A_251 = vector.broadcast %add3A_250 : i32 to vector<16xi32>
      %add3A_252 = arith.addi %mul3A_49, %add3A_251 : vector<16xi32>
      %gather3A_253 = tpu.vector_load_idx %arg12[%add3A_51, %add3A_252] : memref<512x128xf32, #tpu.memory_space<vmem>>[vector<16xi32>, vector<16xi32>], vector<16xf32>,
      %swap3A_254 = arith.constant 25 : i32
      %swap3A_255 = arith.index_cast %swap3A_254 : i32 to index
      %swap3A_256 = arith.index_cast %add3A_41 : i32 to index
      %swap3A_257 = tpu.vector_load %arg13[%swap3A_255, %swap3A_256] {strides = array<i32>} : memref<32x512xf32, #tpu.memory_space<vmem>>, vector<16xf32>,
      tpu.vector_store %arg13[%swap3A_255, %swap3A_256], %gather3A_253 {strides = array<i32>} : memref<32x512xf32, #tpu.memory_space<vmem>>, vector<16xf32>,
      %add3A_258 = arith.constant 26 : i32
      %add3A_259 = vector.broadcast %add3A_258 : i32 to vector<16xi32>
      %add3A_260 = arith.addi %mul3A_49, %add3A_259 : vector<16xi32>
      %gather3A_261 = tpu.vector_load_idx %arg12[%add3A_51, %add3A_260] : memref<512x128xf32, #tpu.memory_space<vmem>>[vector<16xi32>, vector<16xi32>], vector<16xf32>,
      %swap3A_262 = arith.constant 26 : i32
      %swap3A_263 = arith.index_cast %swap3A_262 : i32 to index
      %swap3A_264 = arith.index_cast %add3A_41 : i32 to index
      %swap3A_265 = tpu.vector_load %arg13[%swap3A_263, %swap3A_264] {strides = array<i32>} : memref<32x512xf32, #tpu.memory_space<vmem>>, vector<16xf32>,
      tpu.vector_store %arg13[%swap3A_263, %swap3A_264], %gather3A_261 {strides = array<i32>} : memref<32x512xf32, #tpu.memory_space<vmem>>, vector<16xf32>,
      %add3A_266 = arith.constant 27 : i32
      %add3A_267 = vector.broadcast %add3A_266 : i32 to vector<16xi32>
      %add3A_268 = arith.addi %mul3A_49, %add3A_267 : vector<16xi32>
      %gather3A_269 = tpu.vector_load_idx %arg12[%add3A_51, %add3A_268] : memref<512x128xf32, #tpu.memory_space<vmem>>[vector<16xi32>, vector<16xi32>], vector<16xf32>,
      %swap3A_270 = arith.constant 27 : i32
      %swap3A_271 = arith.index_cast %swap3A_270 : i32 to index
      %swap3A_272 = arith.index_cast %add3A_41 : i32 to index
      %swap3A_273 = tpu.vector_load %arg13[%swap3A_271, %swap3A_272] {strides = array<i32>} : memref<32x512xf32, #tpu.memory_space<vmem>>, vector<16xf32>,
      tpu.vector_store %arg13[%swap3A_271, %swap3A_272], %gather3A_269 {strides = array<i32>} : memref<32x512xf32, #tpu.memory_space<vmem>>, vector<16xf32>,
      %add3A_274 = arith.constant 28 : i32
      %add3A_275 = vector.broadcast %add3A_274 : i32 to vector<16xi32>
      %add3A_276 = arith.addi %mul3A_49, %add3A_275 : vector<16xi32>
      %gather3A_277 = tpu.vector_load_idx %arg12[%add3A_51, %add3A_276] : memref<512x128xf32, #tpu.memory_space<vmem>>[vector<16xi32>, vector<16xi32>], vector<16xf32>,
      %swap3A_278 = arith.constant 28 : i32
      %swap3A_279 = arith.index_cast %swap3A_278 : i32 to index
      %swap3A_280 = arith.index_cast %add3A_41 : i32 to index
      %swap3A_281 = tpu.vector_load %arg13[%swap3A_279, %swap3A_280] {strides = array<i32>} : memref<32x512xf32, #tpu.memory_space<vmem>>, vector<16xf32>,
      tpu.vector_store %arg13[%swap3A_279, %swap3A_280], %gather3A_277 {strides = array<i32>} : memref<32x512xf32, #tpu.memory_space<vmem>>, vector<16xf32>,
      %add3A_282 = arith.constant 29 : i32
      %add3A_283 = vector.broadcast %add3A_282 : i32 to vector<16xi32>
      %add3A_284 = arith.addi %mul3A_49, %add3A_283 : vector<16xi32>
      %gather3A_285 = tpu.vector_load_idx %arg12[%add3A_51, %add3A_284] : memref<512x128xf32, #tpu.memory_space<vmem>>[vector<16xi32>, vector<16xi32>], vector<16xf32>,
      %swap3A_286 = arith.constant 29 : i32
      %swap3A_287 = arith.index_cast %swap3A_286 : i32 to index
      %swap3A_288 = arith.index_cast %add3A_41 : i32 to index
      %swap3A_289 = tpu.vector_load %arg13[%swap3A_287, %swap3A_288] {strides = array<i32>} : memref<32x512xf32, #tpu.memory_space<vmem>>, vector<16xf32>,
      tpu.vector_store %arg13[%swap3A_287, %swap3A_288], %gather3A_285 {strides = array<i32>} : memref<32x512xf32, #tpu.memory_space<vmem>>, vector<16xf32>,
      %add3A_290 = arith.constant 30 : i32
      %add3A_291 = vector.broadcast %add3A_290 : i32 to vector<16xi32>
      %add3A_292 = arith.addi %mul3A_49, %add3A_291 : vector<16xi32>
      %gather3A_293 = tpu.vector_load_idx %arg12[%add3A_51, %add3A_292] : memref<512x128xf32, #tpu.memory_space<vmem>>[vector<16xi32>, vector<16xi32>], vector<16xf32>,
      %swap3A_294 = arith.constant 30 : i32
      %swap3A_295 = arith.index_cast %swap3A_294 : i32 to index
      %swap3A_296 = arith.index_cast %add3A_41 : i32 to index
      %swap3A_297 = tpu.vector_load %arg13[%swap3A_295, %swap3A_296] {strides = array<i32>} : memref<32x512xf32, #tpu.memory_space<vmem>>, vector<16xf32>,
      tpu.vector_store %arg13[%swap3A_295, %swap3A_296], %gather3A_293 {strides = array<i32>} : memref<32x512xf32, #tpu.memory_space<vmem>>, vector<16xf32>,
      %add3A_298 = arith.constant 31 : i32
      %add3A_299 = vector.broadcast %add3A_298 : i32 to vector<16xi32>
      %add3A_300 = arith.addi %mul3A_49, %add3A_299 : vector<16xi32>
      %gather3A_301 = tpu.vector_load_idx %arg12[%add3A_51, %add3A_300] : memref<512x128xf32, #tpu.memory_space<vmem>>[vector<16xi32>, vector<16xi32>], vector<16xf32>,
      %swap3A_302 = arith.constant 31 : i32
      %swap3A_303 = arith.index_cast %swap3A_302 : i32 to index
      %swap3A_304 = arith.index_cast %add3A_41 : i32 to index
      %swap3A_305 = tpu.vector_load %arg13[%swap3A_303, %swap3A_304] {strides = array<i32>} : memref<32x512xf32, #tpu.memory_space<vmem>>, vector<16xf32>,
      tpu.vector_store %arg13[%swap3A_303, %swap3A_304], %gather3A_301 {strides = array<i32>} : memref<32x512xf32, #tpu.memory_space<vmem>>, vector<16xf32>,
    }
    %scan3A_15 = arith.constant 32 : i32
    "tpu.region"() ({
      %run_scoped3A = tpu.sem_alloc : memref<!tpu.dma_semaphore, #tpu.memory_space<semaphore_mem>>
      %dma_start3A_37 = tpu.memref_slice %arg5[%mul3A_2] : memref<16384xi32, #tpu.memory_space<hbm>> -> memref<512xi32, #tpu.memory_space<hbm>>
      %dma_start3A_38 = tpu.memref_slice %arg5[%mul3A_2] : memref<16384xi32, #tpu.memory_space<hbm>> -> memref<512xi32, #tpu.memory_space<hbm>>
      tpu.enqueue_dma source(%dma_start3A_38 : memref<512xi32, #tpu.memory_space<hbm>>) target(%arg9 : memref<512xi32, #tpu.memory_space<vmem>>) target_semaphore(%run_scoped3A : memref<!tpu.dma_semaphore, #tpu.memory_space<semaphore_mem>>)
      %dma_wait3A_39 = tpu.memref_slice %arg5[%mul3A_2] : memref<16384xi32, #tpu.memory_space<hbm>> -> memref<512xi32, #tpu.memory_space<hbm>>
      %dma_wait3A_40 = tpu.memref_slice %arg5[%mul3A_2] : memref<16384xi32, #tpu.memory_space<hbm>> -> memref<512xi32, #tpu.memory_space<hbm>>
      tpu.wait_dma2 semaphore(%run_scoped3A : memref<!tpu.dma_semaphore, #tpu.memory_space<semaphore_mem>>) src(%dma_wait3A_40 : memref<512xi32, #tpu.memory_space<hbm>>) dst(%arg9 : memref<512xi32, #tpu.memory_space<vmem>>)
      tpu.yield
    }) : () -> ()
    %scan3A_16 = arith.constant 0 : i32
    %scan3A_17 = arith.constant 32 : i32
    %scan3A_18 = arith.addi %scan3A_16, %scan3A_17 : i32
    %scan3A_19 = arith.constant 1 : i32
    scf.for %scan3A_37 = %scan3A_16 to %scan3A_18 step %scan3A_19  : i32 {
      %mul3A_38 = arith.constant 16 : i32
      %mul3A_39 = arith.muli %scan3A_37, %mul3A_38 : i32
      %add3A_40 = arith.constant 0 : i32
      %add3A_41 = arith.addi %add3A_40, %mul3A_39 : i32
      %get3A = arith.index_cast %add3A_41 : i32 to index
      %get3A_42 = tpu.vector_load %arg9[%get3A] {strides = array<i32>} : memref<512xi32, #tpu.memory_space<vmem>>, vector<16xi32>,
      %shift_right_logical3A = arith.constant 12 : i32
      %shift_right_logical3A_43 = vector.broadcast %shift_right_logical3A : i32 to vector<16xi32>
      %shift_right_logical3A_44 = arith.shrui %get3A_42, %shift_right_logical3A_43 : vector<16xi32>
      %shift_left3A = arith.constant 10 : i32
      %shift_left3A_45 = vector.broadcast %shift_left3A : i32 to vector<16xi32>
      %shift_left3A_46 = arith.shli %shift_right_logical3A_44, %shift_left3A_45 : vector<16xi32>
      %and3A = arith.constant 1023 : i32
      %and3A_47 = vector.broadcast %and3A : i32 to vector<16xi32>
      %and3A_48 = arith.andi %get3A_42, %and3A_47 : vector<16xi32>
      %add3A_49 = arith.addi %shift_left3A_46, %and3A_48 : vector<16xi32>
      %swap3A = arith.index_cast %add3A_41 : i32 to index
      %swap3A_50 = tpu.vector_load %arg10[%swap3A] {strides = array<i32>} : memref<512xi32, #tpu.memory_space<vmem>>, vector<16xi32>,
      tpu.vector_store %arg10[%swap3A], %add3A_49 {strides = array<i32>} : memref<512xi32, #tpu.memory_space<vmem>>, vector<16xi32>,
    }
    %scan3A_20 = arith.constant 32 : i32
    %dma_start3A_21 = arith.constant 0 : i32
    %dma_start3A_22 = arith.constant 0 : i32
    %dma_start3A_23 = tpu.memref_slice %arg3[%dma_start3A_21, %dma_start3A_22] : memref<250880x128xf32, #tpu.memory_space<hbm>> -> memref<250880x128xf32, #tpu.memory_space<hbm>>
    tpu.enqueue_indirect_dma source(%dma_start3A_23 : memref<250880x128xf32, #tpu.memory_space<hbm>>) target(%arg12 : memref<512x128xf32, #tpu.memory_space<vmem>>) offsets(%arg10 : memref<512xi32, #tpu.memory_space<vmem>>) semaphore(%arg16 : memref<!tpu.dma_semaphore, #tpu.memory_space<semaphore_mem>>)
    %dma_wait3A_24 = arith.constant 0 : i32
    %dma_wait3A_25 = arith.constant 0 : i32
    %dma_wait3A_26 = tpu.memref_slice %arg3[%dma_wait3A_24, %dma_wait3A_25] : memref<250880x128xf32, #tpu.memory_space<hbm>> -> memref<250880x128xf32, #tpu.memory_space<hbm>>
    tpu.wait_indirect_dma semaphore(%arg16 : memref<!tpu.dma_semaphore, #tpu.memory_space<semaphore_mem>>) src(%dma_wait3A_26 : memref<250880x128xf32, #tpu.memory_space<hbm>>) dst(%arg12 : memref<512x128xf32, #tpu.memory_space<vmem>>)
    %scan3A_27 = arith.constant 0 : i32
    %scan3A_28 = arith.constant 32 : i32
    %scan3A_29 = arith.addi %scan3A_27, %scan3A_28 : i32
    %scan3A_30 = arith.constant 1 : i32
    scf.for %scan3A_37 = %scan3A_27 to %scan3A_29 step %scan3A_30  : i32 {
      %mul3A_38 = arith.constant 16 : i32
      %mul3A_39 = arith.muli %scan3A_37, %mul3A_38 : i32
      %add3A_40 = arith.constant 0 : i32
      %add3A_41 = arith.addi %add3A_40, %mul3A_39 : i32
      %get3A = arith.index_cast %add3A_41 : i32 to index
      %get3A_42 = tpu.vector_load %arg9[%get3A] {strides = array<i32>} : memref<512xi32, #tpu.memory_space<vmem>>, vector<16xi32>,
      %shift_right_logical3A = arith.constant 10 : i32
      %shift_right_logical3A_43 = vector.broadcast %shift_right_logical3A : i32 to vector<16xi32>
      %shift_right_logical3A_44 = arith.shrui %get3A_42, %shift_right_logical3A_43 : vector<16xi32>
      %and3A = arith.constant 3 : i32
      %and3A_45 = vector.broadcast %and3A : i32 to vector<16xi32>
      %and3A_46 = arith.andi %shift_right_logical3A_44, %and3A_45 : vector<16xi32>
      %mul3A_47 = arith.constant 32 : i32
      %mul3A_48 = vector.broadcast %mul3A_47 : i32 to vector<16xi32>
      %mul3A_49 = arith.muli %and3A_46, %mul3A_48 : vector<16xi32>
      %add3A_50 = vector.broadcast %add3A_41 : i32 to vector<16xi32>
      %add3A_51 = arith.addi %iota3A, %add3A_50 : vector<16xi32>
      %add3A_52 = arith.constant 0 : i32
      %add3A_53 = vector.broadcast %add3A_52 : i32 to vector<16xi32>
      %add3A_54 = arith.addi %mul3A_49, %add3A_53 : vector<16xi32>
      %gather3A = tpu.vector_load_idx %arg12[%add3A_51, %add3A_54] : memref<512x128xf32, #tpu.memory_space<vmem>>[vector<16xi32>, vector<16xi32>], vector<16xf32>,
      %swap3A = arith.constant 0 : i32
      %swap3A_55 = arith.index_cast %swap3A : i32 to index
      %swap3A_56 = arith.index_cast %add3A_41 : i32 to index
      %swap3A_57 = tpu.vector_load %arg14[%swap3A_55, %swap3A_56] {strides = array<i32>} : memref<32x512xf32, #tpu.memory_space<vmem>>, vector<16xf32>,
      tpu.vector_store %arg14[%swap3A_55, %swap3A_56], %gather3A {strides = array<i32>} : memref<32x512xf32, #tpu.memory_space<vmem>>, vector<16xf32>,
      %add3A_58 = arith.constant 1 : i32
      %add3A_59 = vector.broadcast %add3A_58 : i32 to vector<16xi32>
      %add3A_60 = arith.addi %mul3A_49, %add3A_59 : vector<16xi32>
      %gather3A_61 = tpu.vector_load_idx %arg12[%add3A_51, %add3A_60] : memref<512x128xf32, #tpu.memory_space<vmem>>[vector<16xi32>, vector<16xi32>], vector<16xf32>,
      %swap3A_62 = arith.constant 1 : i32
      %swap3A_63 = arith.index_cast %swap3A_62 : i32 to index
      %swap3A_64 = arith.index_cast %add3A_41 : i32 to index
      %swap3A_65 = tpu.vector_load %arg14[%swap3A_63, %swap3A_64] {strides = array<i32>} : memref<32x512xf32, #tpu.memory_space<vmem>>, vector<16xf32>,
      tpu.vector_store %arg14[%swap3A_63, %swap3A_64], %gather3A_61 {strides = array<i32>} : memref<32x512xf32, #tpu.memory_space<vmem>>, vector<16xf32>,
      %add3A_66 = arith.constant 2 : i32
      %add3A_67 = vector.broadcast %add3A_66 : i32 to vector<16xi32>
      %add3A_68 = arith.addi %mul3A_49, %add3A_67 : vector<16xi32>
      %gather3A_69 = tpu.vector_load_idx %arg12[%add3A_51, %add3A_68] : memref<512x128xf32, #tpu.memory_space<vmem>>[vector<16xi32>, vector<16xi32>], vector<16xf32>,
      %swap3A_70 = arith.constant 2 : i32
      %swap3A_71 = arith.index_cast %swap3A_70 : i32 to index
      %swap3A_72 = arith.index_cast %add3A_41 : i32 to index
      %swap3A_73 = tpu.vector_load %arg14[%swap3A_71, %swap3A_72] {strides = array<i32>} : memref<32x512xf32, #tpu.memory_space<vmem>>, vector<16xf32>,
      tpu.vector_store %arg14[%swap3A_71, %swap3A_72], %gather3A_69 {strides = array<i32>} : memref<32x512xf32, #tpu.memory_space<vmem>>, vector<16xf32>,
      %add3A_74 = arith.constant 3 : i32
      %add3A_75 = vector.broadcast %add3A_74 : i32 to vector<16xi32>
      %add3A_76 = arith.addi %mul3A_49, %add3A_75 : vector<16xi32>
      %gather3A_77 = tpu.vector_load_idx %arg12[%add3A_51, %add3A_76] : memref<512x128xf32, #tpu.memory_space<vmem>>[vector<16xi32>, vector<16xi32>], vector<16xf32>,
      %swap3A_78 = arith.constant 3 : i32
      %swap3A_79 = arith.index_cast %swap3A_78 : i32 to index
      %swap3A_80 = arith.index_cast %add3A_41 : i32 to index
      %swap3A_81 = tpu.vector_load %arg14[%swap3A_79, %swap3A_80] {strides = array<i32>} : memref<32x512xf32, #tpu.memory_space<vmem>>, vector<16xf32>,
      tpu.vector_store %arg14[%swap3A_79, %swap3A_80], %gather3A_77 {strides = array<i32>} : memref<32x512xf32, #tpu.memory_space<vmem>>, vector<16xf32>,
      %add3A_82 = arith.constant 4 : i32
      %add3A_83 = vector.broadcast %add3A_82 : i32 to vector<16xi32>
      %add3A_84 = arith.addi %mul3A_49, %add3A_83 : vector<16xi32>
      %gather3A_85 = tpu.vector_load_idx %arg12[%add3A_51, %add3A_84] : memref<512x128xf32, #tpu.memory_space<vmem>>[vector<16xi32>, vector<16xi32>], vector<16xf32>,
      %swap3A_86 = arith.constant 4 : i32
      %swap3A_87 = arith.index_cast %swap3A_86 : i32 to index
      %swap3A_88 = arith.index_cast %add3A_41 : i32 to index
      %swap3A_89 = tpu.vector_load %arg14[%swap3A_87, %swap3A_88] {strides = array<i32>} : memref<32x512xf32, #tpu.memory_space<vmem>>, vector<16xf32>,
      tpu.vector_store %arg14[%swap3A_87, %swap3A_88], %gather3A_85 {strides = array<i32>} : memref<32x512xf32, #tpu.memory_space<vmem>>, vector<16xf32>,
      %add3A_90 = arith.constant 5 : i32
      %add3A_91 = vector.broadcast %add3A_90 : i32 to vector<16xi32>
      %add3A_92 = arith.addi %mul3A_49, %add3A_91 : vector<16xi32>
      %gather3A_93 = tpu.vector_load_idx %arg12[%add3A_51, %add3A_92] : memref<512x128xf32, #tpu.memory_space<vmem>>[vector<16xi32>, vector<16xi32>], vector<16xf32>,
      %swap3A_94 = arith.constant 5 : i32
      %swap3A_95 = arith.index_cast %swap3A_94 : i32 to index
      %swap3A_96 = arith.index_cast %add3A_41 : i32 to index
      %swap3A_97 = tpu.vector_load %arg14[%swap3A_95, %swap3A_96] {strides = array<i32>} : memref<32x512xf32, #tpu.memory_space<vmem>>, vector<16xf32>,
      tpu.vector_store %arg14[%swap3A_95, %swap3A_96], %gather3A_93 {strides = array<i32>} : memref<32x512xf32, #tpu.memory_space<vmem>>, vector<16xf32>,
      %add3A_98 = arith.constant 6 : i32
      %add3A_99 = vector.broadcast %add3A_98 : i32 to vector<16xi32>
      %add3A_100 = arith.addi %mul3A_49, %add3A_99 : vector<16xi32>
      %gather3A_101 = tpu.vector_load_idx %arg12[%add3A_51, %add3A_100] : memref<512x128xf32, #tpu.memory_space<vmem>>[vector<16xi32>, vector<16xi32>], vector<16xf32>,
      %swap3A_102 = arith.constant 6 : i32
      %swap3A_103 = arith.index_cast %swap3A_102 : i32 to index
      %swap3A_104 = arith.index_cast %add3A_41 : i32 to index
      %swap3A_105 = tpu.vector_load %arg14[%swap3A_103, %swap3A_104] {strides = array<i32>} : memref<32x512xf32, #tpu.memory_space<vmem>>, vector<16xf32>,
      tpu.vector_store %arg14[%swap3A_103, %swap3A_104], %gather3A_101 {strides = array<i32>} : memref<32x512xf32, #tpu.memory_space<vmem>>, vector<16xf32>,
      %add3A_106 = arith.constant 7 : i32
      %add3A_107 = vector.broadcast %add3A_106 : i32 to vector<16xi32>
      %add3A_108 = arith.addi %mul3A_49, %add3A_107 : vector<16xi32>
      %gather3A_109 = tpu.vector_load_idx %arg12[%add3A_51, %add3A_108] : memref<512x128xf32, #tpu.memory_space<vmem>>[vector<16xi32>, vector<16xi32>], vector<16xf32>,
      %swap3A_110 = arith.constant 7 : i32
      %swap3A_111 = arith.index_cast %swap3A_110 : i32 to index
      %swap3A_112 = arith.index_cast %add3A_41 : i32 to index
      %swap3A_113 = tpu.vector_load %arg14[%swap3A_111, %swap3A_112] {strides = array<i32>} : memref<32x512xf32, #tpu.memory_space<vmem>>, vector<16xf32>,
      tpu.vector_store %arg14[%swap3A_111, %swap3A_112], %gather3A_109 {strides = array<i32>} : memref<32x512xf32, #tpu.memory_space<vmem>>, vector<16xf32>,
      %add3A_114 = arith.constant 8 : i32
      %add3A_115 = vector.broadcast %add3A_114 : i32 to vector<16xi32>
      %add3A_116 = arith.addi %mul3A_49, %add3A_115 : vector<16xi32>
      %gather3A_117 = tpu.vector_load_idx %arg12[%add3A_51, %add3A_116] : memref<512x128xf32, #tpu.memory_space<vmem>>[vector<16xi32>, vector<16xi32>], vector<16xf32>,
      %swap3A_118 = arith.constant 8 : i32
      %swap3A_119 = arith.index_cast %swap3A_118 : i32 to index
      %swap3A_120 = arith.index_cast %add3A_41 : i32 to index
      %swap3A_121 = tpu.vector_load %arg14[%swap3A_119, %swap3A_120] {strides = array<i32>} : memref<32x512xf32, #tpu.memory_space<vmem>>, vector<16xf32>,
      tpu.vector_store %arg14[%swap3A_119, %swap3A_120], %gather3A_117 {strides = array<i32>} : memref<32x512xf32, #tpu.memory_space<vmem>>, vector<16xf32>,
      %add3A_122 = arith.constant 9 : i32
      %add3A_123 = vector.broadcast %add3A_122 : i32 to vector<16xi32>
      %add3A_124 = arith.addi %mul3A_49, %add3A_123 : vector<16xi32>
      %gather3A_125 = tpu.vector_load_idx %arg12[%add3A_51, %add3A_124] : memref<512x128xf32, #tpu.memory_space<vmem>>[vector<16xi32>, vector<16xi32>], vector<16xf32>,
      %swap3A_126 = arith.constant 9 : i32
      %swap3A_127 = arith.index_cast %swap3A_126 : i32 to index
      %swap3A_128 = arith.index_cast %add3A_41 : i32 to index
      %swap3A_129 = tpu.vector_load %arg14[%swap3A_127, %swap3A_128] {strides = array<i32>} : memref<32x512xf32, #tpu.memory_space<vmem>>, vector<16xf32>,
      tpu.vector_store %arg14[%swap3A_127, %swap3A_128], %gather3A_125 {strides = array<i32>} : memref<32x512xf32, #tpu.memory_space<vmem>>, vector<16xf32>,
      %add3A_130 = arith.constant 10 : i32
      %add3A_131 = vector.broadcast %add3A_130 : i32 to vector<16xi32>
      %add3A_132 = arith.addi %mul3A_49, %add3A_131 : vector<16xi32>
      %gather3A_133 = tpu.vector_load_idx %arg12[%add3A_51, %add3A_132] : memref<512x128xf32, #tpu.memory_space<vmem>>[vector<16xi32>, vector<16xi32>], vector<16xf32>,
      %swap3A_134 = arith.constant 10 : i32
      %swap3A_135 = arith.index_cast %swap3A_134 : i32 to index
      %swap3A_136 = arith.index_cast %add3A_41 : i32 to index
      %swap3A_137 = tpu.vector_load %arg14[%swap3A_135, %swap3A_136] {strides = array<i32>} : memref<32x512xf32, #tpu.memory_space<vmem>>, vector<16xf32>,
      tpu.vector_store %arg14[%swap3A_135, %swap3A_136], %gather3A_133 {strides = array<i32>} : memref<32x512xf32, #tpu.memory_space<vmem>>, vector<16xf32>,
      %add3A_138 = arith.constant 11 : i32
      %add3A_139 = vector.broadcast %add3A_138 : i32 to vector<16xi32>
      %add3A_140 = arith.addi %mul3A_49, %add3A_139 : vector<16xi32>
      %gather3A_141 = tpu.vector_load_idx %arg12[%add3A_51, %add3A_140] : memref<512x128xf32, #tpu.memory_space<vmem>>[vector<16xi32>, vector<16xi32>], vector<16xf32>,
      %swap3A_142 = arith.constant 11 : i32
      %swap3A_143 = arith.index_cast %swap3A_142 : i32 to index
      %swap3A_144 = arith.index_cast %add3A_41 : i32 to index
      %swap3A_145 = tpu.vector_load %arg14[%swap3A_143, %swap3A_144] {strides = array<i32>} : memref<32x512xf32, #tpu.memory_space<vmem>>, vector<16xf32>,
      tpu.vector_store %arg14[%swap3A_143, %swap3A_144], %gather3A_141 {strides = array<i32>} : memref<32x512xf32, #tpu.memory_space<vmem>>, vector<16xf32>,
      %add3A_146 = arith.constant 12 : i32
      %add3A_147 = vector.broadcast %add3A_146 : i32 to vector<16xi32>
      %add3A_148 = arith.addi %mul3A_49, %add3A_147 : vector<16xi32>
      %gather3A_149 = tpu.vector_load_idx %arg12[%add3A_51, %add3A_148] : memref<512x128xf32, #tpu.memory_space<vmem>>[vector<16xi32>, vector<16xi32>], vector<16xf32>,
      %swap3A_150 = arith.constant 12 : i32
      %swap3A_151 = arith.index_cast %swap3A_150 : i32 to index
      %swap3A_152 = arith.index_cast %add3A_41 : i32 to index
      %swap3A_153 = tpu.vector_load %arg14[%swap3A_151, %swap3A_152] {strides = array<i32>} : memref<32x512xf32, #tpu.memory_space<vmem>>, vector<16xf32>,
      tpu.vector_store %arg14[%swap3A_151, %swap3A_152], %gather3A_149 {strides = array<i32>} : memref<32x512xf32, #tpu.memory_space<vmem>>, vector<16xf32>,
      %add3A_154 = arith.constant 13 : i32
      %add3A_155 = vector.broadcast %add3A_154 : i32 to vector<16xi32>
      %add3A_156 = arith.addi %mul3A_49, %add3A_155 : vector<16xi32>
      %gather3A_157 = tpu.vector_load_idx %arg12[%add3A_51, %add3A_156] : memref<512x128xf32, #tpu.memory_space<vmem>>[vector<16xi32>, vector<16xi32>], vector<16xf32>,
      %swap3A_158 = arith.constant 13 : i32
      %swap3A_159 = arith.index_cast %swap3A_158 : i32 to index
      %swap3A_160 = arith.index_cast %add3A_41 : i32 to index
      %swap3A_161 = tpu.vector_load %arg14[%swap3A_159, %swap3A_160] {strides = array<i32>} : memref<32x512xf32, #tpu.memory_space<vmem>>, vector<16xf32>,
      tpu.vector_store %arg14[%swap3A_159, %swap3A_160], %gather3A_157 {strides = array<i32>} : memref<32x512xf32, #tpu.memory_space<vmem>>, vector<16xf32>,
      %add3A_162 = arith.constant 14 : i32
      %add3A_163 = vector.broadcast %add3A_162 : i32 to vector<16xi32>
      %add3A_164 = arith.addi %mul3A_49, %add3A_163 : vector<16xi32>
      %gather3A_165 = tpu.vector_load_idx %arg12[%add3A_51, %add3A_164] : memref<512x128xf32, #tpu.memory_space<vmem>>[vector<16xi32>, vector<16xi32>], vector<16xf32>,
      %swap3A_166 = arith.constant 14 : i32
      %swap3A_167 = arith.index_cast %swap3A_166 : i32 to index
      %swap3A_168 = arith.index_cast %add3A_41 : i32 to index
      %swap3A_169 = tpu.vector_load %arg14[%swap3A_167, %swap3A_168] {strides = array<i32>} : memref<32x512xf32, #tpu.memory_space<vmem>>, vector<16xf32>,
      tpu.vector_store %arg14[%swap3A_167, %swap3A_168], %gather3A_165 {strides = array<i32>} : memref<32x512xf32, #tpu.memory_space<vmem>>, vector<16xf32>,
      %add3A_170 = arith.constant 15 : i32
      %add3A_171 = vector.broadcast %add3A_170 : i32 to vector<16xi32>
      %add3A_172 = arith.addi %mul3A_49, %add3A_171 : vector<16xi32>
      %gather3A_173 = tpu.vector_load_idx %arg12[%add3A_51, %add3A_172] : memref<512x128xf32, #tpu.memory_space<vmem>>[vector<16xi32>, vector<16xi32>], vector<16xf32>,
      %swap3A_174 = arith.constant 15 : i32
      %swap3A_175 = arith.index_cast %swap3A_174 : i32 to index
      %swap3A_176 = arith.index_cast %add3A_41 : i32 to index
      %swap3A_177 = tpu.vector_load %arg14[%swap3A_175, %swap3A_176] {strides = array<i32>} : memref<32x512xf32, #tpu.memory_space<vmem>>, vector<16xf32>,
      tpu.vector_store %arg14[%swap3A_175, %swap3A_176], %gather3A_173 {strides = array<i32>} : memref<32x512xf32, #tpu.memory_space<vmem>>, vector<16xf32>,
      %add3A_178 = arith.constant 16 : i32
      %add3A_179 = vector.broadcast %add3A_178 : i32 to vector<16xi32>
      %add3A_180 = arith.addi %mul3A_49, %add3A_179 : vector<16xi32>
      %gather3A_181 = tpu.vector_load_idx %arg12[%add3A_51, %add3A_180] : memref<512x128xf32, #tpu.memory_space<vmem>>[vector<16xi32>, vector<16xi32>], vector<16xf32>,
      %swap3A_182 = arith.constant 16 : i32
      %swap3A_183 = arith.index_cast %swap3A_182 : i32 to index
      %swap3A_184 = arith.index_cast %add3A_41 : i32 to index
      %swap3A_185 = tpu.vector_load %arg14[%swap3A_183, %swap3A_184] {strides = array<i32>} : memref<32x512xf32, #tpu.memory_space<vmem>>, vector<16xf32>,
      tpu.vector_store %arg14[%swap3A_183, %swap3A_184], %gather3A_181 {strides = array<i32>} : memref<32x512xf32, #tpu.memory_space<vmem>>, vector<16xf32>,
      %add3A_186 = arith.constant 17 : i32
      %add3A_187 = vector.broadcast %add3A_186 : i32 to vector<16xi32>
      %add3A_188 = arith.addi %mul3A_49, %add3A_187 : vector<16xi32>
      %gather3A_189 = tpu.vector_load_idx %arg12[%add3A_51, %add3A_188] : memref<512x128xf32, #tpu.memory_space<vmem>>[vector<16xi32>, vector<16xi32>], vector<16xf32>,
      %swap3A_190 = arith.constant 17 : i32
      %swap3A_191 = arith.index_cast %swap3A_190 : i32 to index
      %swap3A_192 = arith.index_cast %add3A_41 : i32 to index
      %swap3A_193 = tpu.vector_load %arg14[%swap3A_191, %swap3A_192] {strides = array<i32>} : memref<32x512xf32, #tpu.memory_space<vmem>>, vector<16xf32>,
      tpu.vector_store %arg14[%swap3A_191, %swap3A_192], %gather3A_189 {strides = array<i32>} : memref<32x512xf32, #tpu.memory_space<vmem>>, vector<16xf32>,
      %add3A_194 = arith.constant 18 : i32
      %add3A_195 = vector.broadcast %add3A_194 : i32 to vector<16xi32>
      %add3A_196 = arith.addi %mul3A_49, %add3A_195 : vector<16xi32>
      %gather3A_197 = tpu.vector_load_idx %arg12[%add3A_51, %add3A_196] : memref<512x128xf32, #tpu.memory_space<vmem>>[vector<16xi32>, vector<16xi32>], vector<16xf32>,
      %swap3A_198 = arith.constant 18 : i32
      %swap3A_199 = arith.index_cast %swap3A_198 : i32 to index
      %swap3A_200 = arith.index_cast %add3A_41 : i32 to index
      %swap3A_201 = tpu.vector_load %arg14[%swap3A_199, %swap3A_200] {strides = array<i32>} : memref<32x512xf32, #tpu.memory_space<vmem>>, vector<16xf32>,
      tpu.vector_store %arg14[%swap3A_199, %swap3A_200], %gather3A_197 {strides = array<i32>} : memref<32x512xf32, #tpu.memory_space<vmem>>, vector<16xf32>,
      %add3A_202 = arith.constant 19 : i32
      %add3A_203 = vector.broadcast %add3A_202 : i32 to vector<16xi32>
      %add3A_204 = arith.addi %mul3A_49, %add3A_203 : vector<16xi32>
      %gather3A_205 = tpu.vector_load_idx %arg12[%add3A_51, %add3A_204] : memref<512x128xf32, #tpu.memory_space<vmem>>[vector<16xi32>, vector<16xi32>], vector<16xf32>,
      %swap3A_206 = arith.constant 19 : i32
      %swap3A_207 = arith.index_cast %swap3A_206 : i32 to index
      %swap3A_208 = arith.index_cast %add3A_41 : i32 to index
      %swap3A_209 = tpu.vector_load %arg14[%swap3A_207, %swap3A_208] {strides = array<i32>} : memref<32x512xf32, #tpu.memory_space<vmem>>, vector<16xf32>,
      tpu.vector_store %arg14[%swap3A_207, %swap3A_208], %gather3A_205 {strides = array<i32>} : memref<32x512xf32, #tpu.memory_space<vmem>>, vector<16xf32>,
      %add3A_210 = arith.constant 20 : i32
      %add3A_211 = vector.broadcast %add3A_210 : i32 to vector<16xi32>
      %add3A_212 = arith.addi %mul3A_49, %add3A_211 : vector<16xi32>
      %gather3A_213 = tpu.vector_load_idx %arg12[%add3A_51, %add3A_212] : memref<512x128xf32, #tpu.memory_space<vmem>>[vector<16xi32>, vector<16xi32>], vector<16xf32>,
      %swap3A_214 = arith.constant 20 : i32
      %swap3A_215 = arith.index_cast %swap3A_214 : i32 to index
      %swap3A_216 = arith.index_cast %add3A_41 : i32 to index
      %swap3A_217 = tpu.vector_load %arg14[%swap3A_215, %swap3A_216] {strides = array<i32>} : memref<32x512xf32, #tpu.memory_space<vmem>>, vector<16xf32>,
      tpu.vector_store %arg14[%swap3A_215, %swap3A_216], %gather3A_213 {strides = array<i32>} : memref<32x512xf32, #tpu.memory_space<vmem>>, vector<16xf32>,
      %add3A_218 = arith.constant 21 : i32
      %add3A_219 = vector.broadcast %add3A_218 : i32 to vector<16xi32>
      %add3A_220 = arith.addi %mul3A_49, %add3A_219 : vector<16xi32>
      %gather3A_221 = tpu.vector_load_idx %arg12[%add3A_51, %add3A_220] : memref<512x128xf32, #tpu.memory_space<vmem>>[vector<16xi32>, vector<16xi32>], vector<16xf32>,
      %swap3A_222 = arith.constant 21 : i32
      %swap3A_223 = arith.index_cast %swap3A_222 : i32 to index
      %swap3A_224 = arith.index_cast %add3A_41 : i32 to index
      %swap3A_225 = tpu.vector_load %arg14[%swap3A_223, %swap3A_224] {strides = array<i32>} : memref<32x512xf32, #tpu.memory_space<vmem>>, vector<16xf32>,
      tpu.vector_store %arg14[%swap3A_223, %swap3A_224], %gather3A_221 {strides = array<i32>} : memref<32x512xf32, #tpu.memory_space<vmem>>, vector<16xf32>,
      %add3A_226 = arith.constant 22 : i32
      %add3A_227 = vector.broadcast %add3A_226 : i32 to vector<16xi32>
      %add3A_228 = arith.addi %mul3A_49, %add3A_227 : vector<16xi32>
      %gather3A_229 = tpu.vector_load_idx %arg12[%add3A_51, %add3A_228] : memref<512x128xf32, #tpu.memory_space<vmem>>[vector<16xi32>, vector<16xi32>], vector<16xf32>,
      %swap3A_230 = arith.constant 22 : i32
      %swap3A_231 = arith.index_cast %swap3A_230 : i32 to index
      %swap3A_232 = arith.index_cast %add3A_41 : i32 to index
      %swap3A_233 = tpu.vector_load %arg14[%swap3A_231, %swap3A_232] {strides = array<i32>} : memref<32x512xf32, #tpu.memory_space<vmem>>, vector<16xf32>,
      tpu.vector_store %arg14[%swap3A_231, %swap3A_232], %gather3A_229 {strides = array<i32>} : memref<32x512xf32, #tpu.memory_space<vmem>>, vector<16xf32>,
      %add3A_234 = arith.constant 23 : i32
      %add3A_235 = vector.broadcast %add3A_234 : i32 to vector<16xi32>
      %add3A_236 = arith.addi %mul3A_49, %add3A_235 : vector<16xi32>
      %gather3A_237 = tpu.vector_load_idx %arg12[%add3A_51, %add3A_236] : memref<512x128xf32, #tpu.memory_space<vmem>>[vector<16xi32>, vector<16xi32>], vector<16xf32>,
      %swap3A_238 = arith.constant 23 : i32
      %swap3A_239 = arith.index_cast %swap3A_238 : i32 to index
      %swap3A_240 = arith.index_cast %add3A_41 : i32 to index
      %swap3A_241 = tpu.vector_load %arg14[%swap3A_239, %swap3A_240] {strides = array<i32>} : memref<32x512xf32, #tpu.memory_space<vmem>>, vector<16xf32>,
      tpu.vector_store %arg14[%swap3A_239, %swap3A_240], %gather3A_237 {strides = array<i32>} : memref<32x512xf32, #tpu.memory_space<vmem>>, vector<16xf32>,
      %add3A_242 = arith.constant 24 : i32
      %add3A_243 = vector.broadcast %add3A_242 : i32 to vector<16xi32>
      %add3A_244 = arith.addi %mul3A_49, %add3A_243 : vector<16xi32>
      %gather3A_245 = tpu.vector_load_idx %arg12[%add3A_51, %add3A_244] : memref<512x128xf32, #tpu.memory_space<vmem>>[vector<16xi32>, vector<16xi32>], vector<16xf32>,
      %swap3A_246 = arith.constant 24 : i32
      %swap3A_247 = arith.index_cast %swap3A_246 : i32 to index
      %swap3A_248 = arith.index_cast %add3A_41 : i32 to index
      %swap3A_249 = tpu.vector_load %arg14[%swap3A_247, %swap3A_248] {strides = array<i32>} : memref<32x512xf32, #tpu.memory_space<vmem>>, vector<16xf32>,
      tpu.vector_store %arg14[%swap3A_247, %swap3A_248], %gather3A_245 {strides = array<i32>} : memref<32x512xf32, #tpu.memory_space<vmem>>, vector<16xf32>,
      %add3A_250 = arith.constant 25 : i32
      %add3A_251 = vector.broadcast %add3A_250 : i32 to vector<16xi32>
      %add3A_252 = arith.addi %mul3A_49, %add3A_251 : vector<16xi32>
      %gather3A_253 = tpu.vector_load_idx %arg12[%add3A_51, %add3A_252] : memref<512x128xf32, #tpu.memory_space<vmem>>[vector<16xi32>, vector<16xi32>], vector<16xf32>,
      %swap3A_254 = arith.constant 25 : i32
      %swap3A_255 = arith.index_cast %swap3A_254 : i32 to index
      %swap3A_256 = arith.index_cast %add3A_41 : i32 to index
      %swap3A_257 = tpu.vector_load %arg14[%swap3A_255, %swap3A_256] {strides = array<i32>} : memref<32x512xf32, #tpu.memory_space<vmem>>, vector<16xf32>,
      tpu.vector_store %arg14[%swap3A_255, %swap3A_256], %gather3A_253 {strides = array<i32>} : memref<32x512xf32, #tpu.memory_space<vmem>>, vector<16xf32>,
      %add3A_258 = arith.constant 26 : i32
      %add3A_259 = vector.broadcast %add3A_258 : i32 to vector<16xi32>
      %add3A_260 = arith.addi %mul3A_49, %add3A_259 : vector<16xi32>
      %gather3A_261 = tpu.vector_load_idx %arg12[%add3A_51, %add3A_260] : memref<512x128xf32, #tpu.memory_space<vmem>>[vector<16xi32>, vector<16xi32>], vector<16xf32>,
      %swap3A_262 = arith.constant 26 : i32
      %swap3A_263 = arith.index_cast %swap3A_262 : i32 to index
      %swap3A_264 = arith.index_cast %add3A_41 : i32 to index
      %swap3A_265 = tpu.vector_load %arg14[%swap3A_263, %swap3A_264] {strides = array<i32>} : memref<32x512xf32, #tpu.memory_space<vmem>>, vector<16xf32>,
      tpu.vector_store %arg14[%swap3A_263, %swap3A_264], %gather3A_261 {strides = array<i32>} : memref<32x512xf32, #tpu.memory_space<vmem>>, vector<16xf32>,
      %add3A_266 = arith.constant 27 : i32
      %add3A_267 = vector.broadcast %add3A_266 : i32 to vector<16xi32>
      %add3A_268 = arith.addi %mul3A_49, %add3A_267 : vector<16xi32>
      %gather3A_269 = tpu.vector_load_idx %arg12[%add3A_51, %add3A_268] : memref<512x128xf32, #tpu.memory_space<vmem>>[vector<16xi32>, vector<16xi32>], vector<16xf32>,
      %swap3A_270 = arith.constant 27 : i32
      %swap3A_271 = arith.index_cast %swap3A_270 : i32 to index
      %swap3A_272 = arith.index_cast %add3A_41 : i32 to index
      %swap3A_273 = tpu.vector_load %arg14[%swap3A_271, %swap3A_272] {strides = array<i32>} : memref<32x512xf32, #tpu.memory_space<vmem>>, vector<16xf32>,
      tpu.vector_store %arg14[%swap3A_271, %swap3A_272], %gather3A_269 {strides = array<i32>} : memref<32x512xf32, #tpu.memory_space<vmem>>, vector<16xf32>,
      %add3A_274 = arith.constant 28 : i32
      %add3A_275 = vector.broadcast %add3A_274 : i32 to vector<16xi32>
      %add3A_276 = arith.addi %mul3A_49, %add3A_275 : vector<16xi32>
      %gather3A_277 = tpu.vector_load_idx %arg12[%add3A_51, %add3A_276] : memref<512x128xf32, #tpu.memory_space<vmem>>[vector<16xi32>, vector<16xi32>], vector<16xf32>,
      %swap3A_278 = arith.constant 28 : i32
      %swap3A_279 = arith.index_cast %swap3A_278 : i32 to index
      %swap3A_280 = arith.index_cast %add3A_41 : i32 to index
      %swap3A_281 = tpu.vector_load %arg14[%swap3A_279, %swap3A_280] {strides = array<i32>} : memref<32x512xf32, #tpu.memory_space<vmem>>, vector<16xf32>,
      tpu.vector_store %arg14[%swap3A_279, %swap3A_280], %gather3A_277 {strides = array<i32>} : memref<32x512xf32, #tpu.memory_space<vmem>>, vector<16xf32>,
      %add3A_282 = arith.constant 29 : i32
      %add3A_283 = vector.broadcast %add3A_282 : i32 to vector<16xi32>
      %add3A_284 = arith.addi %mul3A_49, %add3A_283 : vector<16xi32>
      %gather3A_285 = tpu.vector_load_idx %arg12[%add3A_51, %add3A_284] : memref<512x128xf32, #tpu.memory_space<vmem>>[vector<16xi32>, vector<16xi32>], vector<16xf32>,
      %swap3A_286 = arith.constant 29 : i32
      %swap3A_287 = arith.index_cast %swap3A_286 : i32 to index
      %swap3A_288 = arith.index_cast %add3A_41 : i32 to index
      %swap3A_289 = tpu.vector_load %arg14[%swap3A_287, %swap3A_288] {strides = array<i32>} : memref<32x512xf32, #tpu.memory_space<vmem>>, vector<16xf32>,
      tpu.vector_store %arg14[%swap3A_287, %swap3A_288], %gather3A_285 {strides = array<i32>} : memref<32x512xf32, #tpu.memory_space<vmem>>, vector<16xf32>,
      %add3A_290 = arith.constant 30 : i32
      %add3A_291 = vector.broadcast %add3A_290 : i32 to vector<16xi32>
      %add3A_292 = arith.addi %mul3A_49, %add3A_291 : vector<16xi32>
      %gather3A_293 = tpu.vector_load_idx %arg12[%add3A_51, %add3A_292] : memref<512x128xf32, #tpu.memory_space<vmem>>[vector<16xi32>, vector<16xi32>], vector<16xf32>,
      %swap3A_294 = arith.constant 30 : i32
      %swap3A_295 = arith.index_cast %swap3A_294 : i32 to index
      %swap3A_296 = arith.index_cast %add3A_41 : i32 to index
      %swap3A_297 = tpu.vector_load %arg14[%swap3A_295, %swap3A_296] {strides = array<i32>} : memref<32x512xf32, #tpu.memory_space<vmem>>, vector<16xf32>,
      tpu.vector_store %arg14[%swap3A_295, %swap3A_296], %gather3A_293 {strides = array<i32>} : memref<32x512xf32, #tpu.memory_space<vmem>>, vector<16xf32>,
      %add3A_298 = arith.constant 31 : i32
      %add3A_299 = vector.broadcast %add3A_298 : i32 to vector<16xi32>
      %add3A_300 = arith.addi %mul3A_49, %add3A_299 : vector<16xi32>
      %gather3A_301 = tpu.vector_load_idx %arg12[%add3A_51, %add3A_300] : memref<512x128xf32, #tpu.memory_space<vmem>>[vector<16xi32>, vector<16xi32>], vector<16xf32>,
      %swap3A_302 = arith.constant 31 : i32
      %swap3A_303 = arith.index_cast %swap3A_302 : i32 to index
      %swap3A_304 = arith.index_cast %add3A_41 : i32 to index
      %swap3A_305 = tpu.vector_load %arg14[%swap3A_303, %swap3A_304] {strides = array<i32>} : memref<32x512xf32, #tpu.memory_space<vmem>>, vector<16xf32>,
      tpu.vector_store %arg14[%swap3A_303, %swap3A_304], %gather3A_301 {strides = array<i32>} : memref<32x512xf32, #tpu.memory_space<vmem>>, vector<16xf32>,
    }
    %scan3A_31 = arith.constant 32 : i32
    %scan3A_32 = arith.constant 0 : i32
    %scan3A_33 = arith.constant 32 : i32
    %scan3A_34 = arith.addi %scan3A_32, %scan3A_33 : i32
    %scan3A_35 = arith.constant 1 : i32
    scf.for %scan3A_37 = %scan3A_32 to %scan3A_34 step %scan3A_35  : i32 {
      %mul3A_38 = arith.constant 16 : i32
      %mul3A_39 = arith.muli %scan3A_37, %mul3A_38 : i32
      %add3A_40 = arith.constant 0 : i32
      %add3A_41 = arith.addi %add3A_40, %mul3A_39 : i32
      %get3A = arith.constant 0 : i32
      %get3A_42 = arith.index_cast %get3A : i32 to index
      %get3A_43 = arith.index_cast %add3A_41 : i32 to index
      %get3A_44 = tpu.vector_load %arg13[%get3A_42, %get3A_43] {strides = array<i32>} : memref<32x512xf32, #tpu.memory_space<vmem>>, vector<16xf32>,
      %get3A_45 = arith.constant 0 : i32
      %get3A_46 = arith.index_cast %get3A_45 : i32 to index
      %get3A_47 = arith.index_cast %add3A_41 : i32 to index
      %get3A_48 = tpu.vector_load %arg14[%get3A_46, %get3A_47] {strides = array<i32>} : memref<32x512xf32, #tpu.memory_space<vmem>>, vector<16xf32>,
      %get3A_49 = arith.constant 1 : i32
      %get3A_50 = arith.index_cast %get3A_49 : i32 to index
      %get3A_51 = arith.index_cast %add3A_41 : i32 to index
      %get3A_52 = tpu.vector_load %arg13[%get3A_50, %get3A_51] {strides = array<i32>} : memref<32x512xf32, #tpu.memory_space<vmem>>, vector<16xf32>,
      %add3A_53 = arith.addf %get3A_44, %get3A_52 : vector<16xf32>
      %get3A_54 = arith.constant 1 : i32
      %get3A_55 = arith.index_cast %get3A_54 : i32 to index
      %get3A_56 = arith.index_cast %add3A_41 : i32 to index
      %get3A_57 = tpu.vector_load %arg14[%get3A_55, %get3A_56] {strides = array<i32>} : memref<32x512xf32, #tpu.memory_space<vmem>>, vector<16xf32>,
      %add3A_58 = arith.addf %get3A_48, %get3A_57 : vector<16xf32>
      %get3A_59 = arith.constant 2 : i32
      %get3A_60 = arith.index_cast %get3A_59 : i32 to index
      %get3A_61 = arith.index_cast %add3A_41 : i32 to index
      %get3A_62 = tpu.vector_load %arg13[%get3A_60, %get3A_61] {strides = array<i32>} : memref<32x512xf32, #tpu.memory_space<vmem>>, vector<16xf32>,
      %add3A_63 = arith.addf %add3A_53, %get3A_62 : vector<16xf32>
      %get3A_64 = arith.constant 2 : i32
      %get3A_65 = arith.index_cast %get3A_64 : i32 to index
      %get3A_66 = arith.index_cast %add3A_41 : i32 to index
      %get3A_67 = tpu.vector_load %arg14[%get3A_65, %get3A_66] {strides = array<i32>} : memref<32x512xf32, #tpu.memory_space<vmem>>, vector<16xf32>,
      %add3A_68 = arith.addf %add3A_58, %get3A_67 : vector<16xf32>
      %get3A_69 = arith.constant 3 : i32
      %get3A_70 = arith.index_cast %get3A_69 : i32 to index
      %get3A_71 = arith.index_cast %add3A_41 : i32 to index
      %get3A_72 = tpu.vector_load %arg13[%get3A_70, %get3A_71] {strides = array<i32>} : memref<32x512xf32, #tpu.memory_space<vmem>>, vector<16xf32>,
      %add3A_73 = arith.addf %add3A_63, %get3A_72 : vector<16xf32>
      %get3A_74 = arith.constant 3 : i32
      %get3A_75 = arith.index_cast %get3A_74 : i32 to index
      %get3A_76 = arith.index_cast %add3A_41 : i32 to index
      %get3A_77 = tpu.vector_load %arg14[%get3A_75, %get3A_76] {strides = array<i32>} : memref<32x512xf32, #tpu.memory_space<vmem>>, vector<16xf32>,
      %add3A_78 = arith.addf %add3A_68, %get3A_77 : vector<16xf32>
      %get3A_79 = arith.constant 4 : i32
      %get3A_80 = arith.index_cast %get3A_79 : i32 to index
      %get3A_81 = arith.index_cast %add3A_41 : i32 to index
      %get3A_82 = tpu.vector_load %arg13[%get3A_80, %get3A_81] {strides = array<i32>} : memref<32x512xf32, #tpu.memory_space<vmem>>, vector<16xf32>,
      %add3A_83 = arith.addf %add3A_73, %get3A_82 : vector<16xf32>
      %get3A_84 = arith.constant 4 : i32
      %get3A_85 = arith.index_cast %get3A_84 : i32 to index
      %get3A_86 = arith.index_cast %add3A_41 : i32 to index
      %get3A_87 = tpu.vector_load %arg14[%get3A_85, %get3A_86] {strides = array<i32>} : memref<32x512xf32, #tpu.memory_space<vmem>>, vector<16xf32>,
      %add3A_88 = arith.addf %add3A_78, %get3A_87 : vector<16xf32>
      %get3A_89 = arith.constant 5 : i32
      %get3A_90 = arith.index_cast %get3A_89 : i32 to index
      %get3A_91 = arith.index_cast %add3A_41 : i32 to index
      %get3A_92 = tpu.vector_load %arg13[%get3A_90, %get3A_91] {strides = array<i32>} : memref<32x512xf32, #tpu.memory_space<vmem>>, vector<16xf32>,
      %add3A_93 = arith.addf %add3A_83, %get3A_92 : vector<16xf32>
      %get3A_94 = arith.constant 5 : i32
      %get3A_95 = arith.index_cast %get3A_94 : i32 to index
      %get3A_96 = arith.index_cast %add3A_41 : i32 to index
      %get3A_97 = tpu.vector_load %arg14[%get3A_95, %get3A_96] {strides = array<i32>} : memref<32x512xf32, #tpu.memory_space<vmem>>, vector<16xf32>,
      %add3A_98 = arith.addf %add3A_88, %get3A_97 : vector<16xf32>
      %get3A_99 = arith.constant 6 : i32
      %get3A_100 = arith.index_cast %get3A_99 : i32 to index
      %get3A_101 = arith.index_cast %add3A_41 : i32 to index
      %get3A_102 = tpu.vector_load %arg13[%get3A_100, %get3A_101] {strides = array<i32>} : memref<32x512xf32, #tpu.memory_space<vmem>>, vector<16xf32>,
      %add3A_103 = arith.addf %add3A_93, %get3A_102 : vector<16xf32>
      %get3A_104 = arith.constant 6 : i32
      %get3A_105 = arith.index_cast %get3A_104 : i32 to index
      %get3A_106 = arith.index_cast %add3A_41 : i32 to index
      %get3A_107 = tpu.vector_load %arg14[%get3A_105, %get3A_106] {strides = array<i32>} : memref<32x512xf32, #tpu.memory_space<vmem>>, vector<16xf32>,
      %add3A_108 = arith.addf %add3A_98, %get3A_107 : vector<16xf32>
      %get3A_109 = arith.constant 7 : i32
      %get3A_110 = arith.index_cast %get3A_109 : i32 to index
      %get3A_111 = arith.index_cast %add3A_41 : i32 to index
      %get3A_112 = tpu.vector_load %arg13[%get3A_110, %get3A_111] {strides = array<i32>} : memref<32x512xf32, #tpu.memory_space<vmem>>, vector<16xf32>,
      %add3A_113 = arith.addf %add3A_103, %get3A_112 : vector<16xf32>
      %get3A_114 = arith.constant 7 : i32
      %get3A_115 = arith.index_cast %get3A_114 : i32 to index
      %get3A_116 = arith.index_cast %add3A_41 : i32 to index
      %get3A_117 = tpu.vector_load %arg14[%get3A_115, %get3A_116] {strides = array<i32>} : memref<32x512xf32, #tpu.memory_space<vmem>>, vector<16xf32>,
      %add3A_118 = arith.addf %add3A_108, %get3A_117 : vector<16xf32>
      %get3A_119 = arith.constant 8 : i32
      %get3A_120 = arith.index_cast %get3A_119 : i32 to index
      %get3A_121 = arith.index_cast %add3A_41 : i32 to index
      %get3A_122 = tpu.vector_load %arg13[%get3A_120, %get3A_121] {strides = array<i32>} : memref<32x512xf32, #tpu.memory_space<vmem>>, vector<16xf32>,
      %add3A_123 = arith.addf %add3A_113, %get3A_122 : vector<16xf32>
      %get3A_124 = arith.constant 8 : i32
      %get3A_125 = arith.index_cast %get3A_124 : i32 to index
      %get3A_126 = arith.index_cast %add3A_41 : i32 to index
      %get3A_127 = tpu.vector_load %arg14[%get3A_125, %get3A_126] {strides = array<i32>} : memref<32x512xf32, #tpu.memory_space<vmem>>, vector<16xf32>,
      %add3A_128 = arith.addf %add3A_118, %get3A_127 : vector<16xf32>
      %get3A_129 = arith.constant 9 : i32
      %get3A_130 = arith.index_cast %get3A_129 : i32 to index
      %get3A_131 = arith.index_cast %add3A_41 : i32 to index
      %get3A_132 = tpu.vector_load %arg13[%get3A_130, %get3A_131] {strides = array<i32>} : memref<32x512xf32, #tpu.memory_space<vmem>>, vector<16xf32>,
      %add3A_133 = arith.addf %add3A_123, %get3A_132 : vector<16xf32>
      %get3A_134 = arith.constant 9 : i32
      %get3A_135 = arith.index_cast %get3A_134 : i32 to index
      %get3A_136 = arith.index_cast %add3A_41 : i32 to index
      %get3A_137 = tpu.vector_load %arg14[%get3A_135, %get3A_136] {strides = array<i32>} : memref<32x512xf32, #tpu.memory_space<vmem>>, vector<16xf32>,
      %add3A_138 = arith.addf %add3A_128, %get3A_137 : vector<16xf32>
      %get3A_139 = arith.constant 10 : i32
      %get3A_140 = arith.index_cast %get3A_139 : i32 to index
      %get3A_141 = arith.index_cast %add3A_41 : i32 to index
      %get3A_142 = tpu.vector_load %arg13[%get3A_140, %get3A_141] {strides = array<i32>} : memref<32x512xf32, #tpu.memory_space<vmem>>, vector<16xf32>,
      %add3A_143 = arith.addf %add3A_133, %get3A_142 : vector<16xf32>
      %get3A_144 = arith.constant 10 : i32
      %get3A_145 = arith.index_cast %get3A_144 : i32 to index
      %get3A_146 = arith.index_cast %add3A_41 : i32 to index
      %get3A_147 = tpu.vector_load %arg14[%get3A_145, %get3A_146] {strides = array<i32>} : memref<32x512xf32, #tpu.memory_space<vmem>>, vector<16xf32>,
      %add3A_148 = arith.addf %add3A_138, %get3A_147 : vector<16xf32>
      %get3A_149 = arith.constant 11 : i32
      %get3A_150 = arith.index_cast %get3A_149 : i32 to index
      %get3A_151 = arith.index_cast %add3A_41 : i32 to index
      %get3A_152 = tpu.vector_load %arg13[%get3A_150, %get3A_151] {strides = array<i32>} : memref<32x512xf32, #tpu.memory_space<vmem>>, vector<16xf32>,
      %add3A_153 = arith.addf %add3A_143, %get3A_152 : vector<16xf32>
      %get3A_154 = arith.constant 11 : i32
      %get3A_155 = arith.index_cast %get3A_154 : i32 to index
      %get3A_156 = arith.index_cast %add3A_41 : i32 to index
      %get3A_157 = tpu.vector_load %arg14[%get3A_155, %get3A_156] {strides = array<i32>} : memref<32x512xf32, #tpu.memory_space<vmem>>, vector<16xf32>,
      %add3A_158 = arith.addf %add3A_148, %get3A_157 : vector<16xf32>
      %get3A_159 = arith.constant 12 : i32
      %get3A_160 = arith.index_cast %get3A_159 : i32 to index
      %get3A_161 = arith.index_cast %add3A_41 : i32 to index
      %get3A_162 = tpu.vector_load %arg13[%get3A_160, %get3A_161] {strides = array<i32>} : memref<32x512xf32, #tpu.memory_space<vmem>>, vector<16xf32>,
      %add3A_163 = arith.addf %add3A_153, %get3A_162 : vector<16xf32>
      %get3A_164 = arith.constant 12 : i32
      %get3A_165 = arith.index_cast %get3A_164 : i32 to index
      %get3A_166 = arith.index_cast %add3A_41 : i32 to index
      %get3A_167 = tpu.vector_load %arg14[%get3A_165, %get3A_166] {strides = array<i32>} : memref<32x512xf32, #tpu.memory_space<vmem>>, vector<16xf32>,
      %add3A_168 = arith.addf %add3A_158, %get3A_167 : vector<16xf32>
      %get3A_169 = arith.constant 13 : i32
      %get3A_170 = arith.index_cast %get3A_169 : i32 to index
      %get3A_171 = arith.index_cast %add3A_41 : i32 to index
      %get3A_172 = tpu.vector_load %arg13[%get3A_170, %get3A_171] {strides = array<i32>} : memref<32x512xf32, #tpu.memory_space<vmem>>, vector<16xf32>,
      %add3A_173 = arith.addf %add3A_163, %get3A_172 : vector<16xf32>
      %get3A_174 = arith.constant 13 : i32
      %get3A_175 = arith.index_cast %get3A_174 : i32 to index
      %get3A_176 = arith.index_cast %add3A_41 : i32 to index
      %get3A_177 = tpu.vector_load %arg14[%get3A_175, %get3A_176] {strides = array<i32>} : memref<32x512xf32, #tpu.memory_space<vmem>>, vector<16xf32>,
      %add3A_178 = arith.addf %add3A_168, %get3A_177 : vector<16xf32>
      %get3A_179 = arith.constant 14 : i32
      %get3A_180 = arith.index_cast %get3A_179 : i32 to index
      %get3A_181 = arith.index_cast %add3A_41 : i32 to index
      %get3A_182 = tpu.vector_load %arg13[%get3A_180, %get3A_181] {strides = array<i32>} : memref<32x512xf32, #tpu.memory_space<vmem>>, vector<16xf32>,
      %add3A_183 = arith.addf %add3A_173, %get3A_182 : vector<16xf32>
      %get3A_184 = arith.constant 14 : i32
      %get3A_185 = arith.index_cast %get3A_184 : i32 to index
      %get3A_186 = arith.index_cast %add3A_41 : i32 to index
      %get3A_187 = tpu.vector_load %arg14[%get3A_185, %get3A_186] {strides = array<i32>} : memref<32x512xf32, #tpu.memory_space<vmem>>, vector<16xf32>,
      %add3A_188 = arith.addf %add3A_178, %get3A_187 : vector<16xf32>
      %get3A_189 = arith.constant 15 : i32
      %get3A_190 = arith.index_cast %get3A_189 : i32 to index
      %get3A_191 = arith.index_cast %add3A_41 : i32 to index
      %get3A_192 = tpu.vector_load %arg13[%get3A_190, %get3A_191] {strides = array<i32>} : memref<32x512xf32, #tpu.memory_space<vmem>>, vector<16xf32>,
      %add3A_193 = arith.addf %add3A_183, %get3A_192 : vector<16xf32>
      %get3A_194 = arith.constant 15 : i32
      %get3A_195 = arith.index_cast %get3A_194 : i32 to index
      %get3A_196 = arith.index_cast %add3A_41 : i32 to index
      %get3A_197 = tpu.vector_load %arg14[%get3A_195, %get3A_196] {strides = array<i32>} : memref<32x512xf32, #tpu.memory_space<vmem>>, vector<16xf32>,
      %add3A_198 = arith.addf %add3A_188, %get3A_197 : vector<16xf32>
      %get3A_199 = arith.constant 16 : i32
      %get3A_200 = arith.index_cast %get3A_199 : i32 to index
      %get3A_201 = arith.index_cast %add3A_41 : i32 to index
      %get3A_202 = tpu.vector_load %arg13[%get3A_200, %get3A_201] {strides = array<i32>} : memref<32x512xf32, #tpu.memory_space<vmem>>, vector<16xf32>,
      %add3A_203 = arith.addf %add3A_193, %get3A_202 : vector<16xf32>
      %get3A_204 = arith.constant 16 : i32
      %get3A_205 = arith.index_cast %get3A_204 : i32 to index
      %get3A_206 = arith.index_cast %add3A_41 : i32 to index
      %get3A_207 = tpu.vector_load %arg14[%get3A_205, %get3A_206] {strides = array<i32>} : memref<32x512xf32, #tpu.memory_space<vmem>>, vector<16xf32>,
      %add3A_208 = arith.addf %add3A_198, %get3A_207 : vector<16xf32>
      %get3A_209 = arith.constant 17 : i32
      %get3A_210 = arith.index_cast %get3A_209 : i32 to index
      %get3A_211 = arith.index_cast %add3A_41 : i32 to index
      %get3A_212 = tpu.vector_load %arg13[%get3A_210, %get3A_211] {strides = array<i32>} : memref<32x512xf32, #tpu.memory_space<vmem>>, vector<16xf32>,
      %add3A_213 = arith.addf %add3A_203, %get3A_212 : vector<16xf32>
      %get3A_214 = arith.constant 17 : i32
      %get3A_215 = arith.index_cast %get3A_214 : i32 to index
      %get3A_216 = arith.index_cast %add3A_41 : i32 to index
      %get3A_217 = tpu.vector_load %arg14[%get3A_215, %get3A_216] {strides = array<i32>} : memref<32x512xf32, #tpu.memory_space<vmem>>, vector<16xf32>,
      %add3A_218 = arith.addf %add3A_208, %get3A_217 : vector<16xf32>
      %get3A_219 = arith.constant 18 : i32
      %get3A_220 = arith.index_cast %get3A_219 : i32 to index
      %get3A_221 = arith.index_cast %add3A_41 : i32 to index
      %get3A_222 = tpu.vector_load %arg13[%get3A_220, %get3A_221] {strides = array<i32>} : memref<32x512xf32, #tpu.memory_space<vmem>>, vector<16xf32>,
      %add3A_223 = arith.addf %add3A_213, %get3A_222 : vector<16xf32>
      %get3A_224 = arith.constant 18 : i32
      %get3A_225 = arith.index_cast %get3A_224 : i32 to index
      %get3A_226 = arith.index_cast %add3A_41 : i32 to index
      %get3A_227 = tpu.vector_load %arg14[%get3A_225, %get3A_226] {strides = array<i32>} : memref<32x512xf32, #tpu.memory_space<vmem>>, vector<16xf32>,
      %add3A_228 = arith.addf %add3A_218, %get3A_227 : vector<16xf32>
      %get3A_229 = arith.constant 19 : i32
      %get3A_230 = arith.index_cast %get3A_229 : i32 to index
      %get3A_231 = arith.index_cast %add3A_41 : i32 to index
      %get3A_232 = tpu.vector_load %arg13[%get3A_230, %get3A_231] {strides = array<i32>} : memref<32x512xf32, #tpu.memory_space<vmem>>, vector<16xf32>,
      %add3A_233 = arith.addf %add3A_223, %get3A_232 : vector<16xf32>
      %get3A_234 = arith.constant 19 : i32
      %get3A_235 = arith.index_cast %get3A_234 : i32 to index
      %get3A_236 = arith.index_cast %add3A_41 : i32 to index
      %get3A_237 = tpu.vector_load %arg14[%get3A_235, %get3A_236] {strides = array<i32>} : memref<32x512xf32, #tpu.memory_space<vmem>>, vector<16xf32>,
      %add3A_238 = arith.addf %add3A_228, %get3A_237 : vector<16xf32>
      %get3A_239 = arith.constant 20 : i32
      %get3A_240 = arith.index_cast %get3A_239 : i32 to index
      %get3A_241 = arith.index_cast %add3A_41 : i32 to index
      %get3A_242 = tpu.vector_load %arg13[%get3A_240, %get3A_241] {strides = array<i32>} : memref<32x512xf32, #tpu.memory_space<vmem>>, vector<16xf32>,
      %add3A_243 = arith.addf %add3A_233, %get3A_242 : vector<16xf32>
      %get3A_244 = arith.constant 20 : i32
      %get3A_245 = arith.index_cast %get3A_244 : i32 to index
      %get3A_246 = arith.index_cast %add3A_41 : i32 to index
      %get3A_247 = tpu.vector_load %arg14[%get3A_245, %get3A_246] {strides = array<i32>} : memref<32x512xf32, #tpu.memory_space<vmem>>, vector<16xf32>,
      %add3A_248 = arith.addf %add3A_238, %get3A_247 : vector<16xf32>
      %get3A_249 = arith.constant 21 : i32
      %get3A_250 = arith.index_cast %get3A_249 : i32 to index
      %get3A_251 = arith.index_cast %add3A_41 : i32 to index
      %get3A_252 = tpu.vector_load %arg13[%get3A_250, %get3A_251] {strides = array<i32>} : memref<32x512xf32, #tpu.memory_space<vmem>>, vector<16xf32>,
      %add3A_253 = arith.addf %add3A_243, %get3A_252 : vector<16xf32>
      %get3A_254 = arith.constant 21 : i32
      %get3A_255 = arith.index_cast %get3A_254 : i32 to index
      %get3A_256 = arith.index_cast %add3A_41 : i32 to index
      %get3A_257 = tpu.vector_load %arg14[%get3A_255, %get3A_256] {strides = array<i32>} : memref<32x512xf32, #tpu.memory_space<vmem>>, vector<16xf32>,
      %add3A_258 = arith.addf %add3A_248, %get3A_257 : vector<16xf32>
      %get3A_259 = arith.constant 22 : i32
      %get3A_260 = arith.index_cast %get3A_259 : i32 to index
      %get3A_261 = arith.index_cast %add3A_41 : i32 to index
      %get3A_262 = tpu.vector_load %arg13[%get3A_260, %get3A_261] {strides = array<i32>} : memref<32x512xf32, #tpu.memory_space<vmem>>, vector<16xf32>,
      %add3A_263 = arith.addf %add3A_253, %get3A_262 : vector<16xf32>
      %get3A_264 = arith.constant 22 : i32
      %get3A_265 = arith.index_cast %get3A_264 : i32 to index
      %get3A_266 = arith.index_cast %add3A_41 : i32 to index
      %get3A_267 = tpu.vector_load %arg14[%get3A_265, %get3A_266] {strides = array<i32>} : memref<32x512xf32, #tpu.memory_space<vmem>>, vector<16xf32>,
      %add3A_268 = arith.addf %add3A_258, %get3A_267 : vector<16xf32>
      %get3A_269 = arith.constant 23 : i32
      %get3A_270 = arith.index_cast %get3A_269 : i32 to index
      %get3A_271 = arith.index_cast %add3A_41 : i32 to index
      %get3A_272 = tpu.vector_load %arg13[%get3A_270, %get3A_271] {strides = array<i32>} : memref<32x512xf32, #tpu.memory_space<vmem>>, vector<16xf32>,
      %add3A_273 = arith.addf %add3A_263, %get3A_272 : vector<16xf32>
      %get3A_274 = arith.constant 23 : i32
      %get3A_275 = arith.index_cast %get3A_274 : i32 to index
      %get3A_276 = arith.index_cast %add3A_41 : i32 to index
      %get3A_277 = tpu.vector_load %arg14[%get3A_275, %get3A_276] {strides = array<i32>} : memref<32x512xf32, #tpu.memory_space<vmem>>, vector<16xf32>,
      %add3A_278 = arith.addf %add3A_268, %get3A_277 : vector<16xf32>
      %get3A_279 = arith.constant 24 : i32
      %get3A_280 = arith.index_cast %get3A_279 : i32 to index
      %get3A_281 = arith.index_cast %add3A_41 : i32 to index
      %get3A_282 = tpu.vector_load %arg13[%get3A_280, %get3A_281] {strides = array<i32>} : memref<32x512xf32, #tpu.memory_space<vmem>>, vector<16xf32>,
      %add3A_283 = arith.addf %add3A_273, %get3A_282 : vector<16xf32>
      %get3A_284 = arith.constant 24 : i32
      %get3A_285 = arith.index_cast %get3A_284 : i32 to index
      %get3A_286 = arith.index_cast %add3A_41 : i32 to index
      %get3A_287 = tpu.vector_load %arg14[%get3A_285, %get3A_286] {strides = array<i32>} : memref<32x512xf32, #tpu.memory_space<vmem>>, vector<16xf32>,
      %add3A_288 = arith.addf %add3A_278, %get3A_287 : vector<16xf32>
      %get3A_289 = arith.constant 25 : i32
      %get3A_290 = arith.index_cast %get3A_289 : i32 to index
      %get3A_291 = arith.index_cast %add3A_41 : i32 to index
      %get3A_292 = tpu.vector_load %arg13[%get3A_290, %get3A_291] {strides = array<i32>} : memref<32x512xf32, #tpu.memory_space<vmem>>, vector<16xf32>,
      %add3A_293 = arith.addf %add3A_283, %get3A_292 : vector<16xf32>
      %get3A_294 = arith.constant 25 : i32
      %get3A_295 = arith.index_cast %get3A_294 : i32 to index
      %get3A_296 = arith.index_cast %add3A_41 : i32 to index
      %get3A_297 = tpu.vector_load %arg14[%get3A_295, %get3A_296] {strides = array<i32>} : memref<32x512xf32, #tpu.memory_space<vmem>>, vector<16xf32>,
      %add3A_298 = arith.addf %add3A_288, %get3A_297 : vector<16xf32>
      %get3A_299 = arith.constant 26 : i32
      %get3A_300 = arith.index_cast %get3A_299 : i32 to index
      %get3A_301 = arith.index_cast %add3A_41 : i32 to index
      %get3A_302 = tpu.vector_load %arg13[%get3A_300, %get3A_301] {strides = array<i32>} : memref<32x512xf32, #tpu.memory_space<vmem>>, vector<16xf32>,
      %add3A_303 = arith.addf %add3A_293, %get3A_302 : vector<16xf32>
      %get3A_304 = arith.constant 26 : i32
      %get3A_305 = arith.index_cast %get3A_304 : i32 to index
      %get3A_306 = arith.index_cast %add3A_41 : i32 to index
      %get3A_307 = tpu.vector_load %arg14[%get3A_305, %get3A_306] {strides = array<i32>} : memref<32x512xf32, #tpu.memory_space<vmem>>, vector<16xf32>,
      %add3A_308 = arith.addf %add3A_298, %get3A_307 : vector<16xf32>
      %get3A_309 = arith.constant 27 : i32
      %get3A_310 = arith.index_cast %get3A_309 : i32 to index
      %get3A_311 = arith.index_cast %add3A_41 : i32 to index
      %get3A_312 = tpu.vector_load %arg13[%get3A_310, %get3A_311] {strides = array<i32>} : memref<32x512xf32, #tpu.memory_space<vmem>>, vector<16xf32>,
      %add3A_313 = arith.addf %add3A_303, %get3A_312 : vector<16xf32>
      %get3A_314 = arith.constant 27 : i32
      %get3A_315 = arith.index_cast %get3A_314 : i32 to index
      %get3A_316 = arith.index_cast %add3A_41 : i32 to index
      %get3A_317 = tpu.vector_load %arg14[%get3A_315, %get3A_316] {strides = array<i32>} : memref<32x512xf32, #tpu.memory_space<vmem>>, vector<16xf32>,
      %add3A_318 = arith.addf %add3A_308, %get3A_317 : vector<16xf32>
      %get3A_319 = arith.constant 28 : i32
      %get3A_320 = arith.index_cast %get3A_319 : i32 to index
      %get3A_321 = arith.index_cast %add3A_41 : i32 to index
      %get3A_322 = tpu.vector_load %arg13[%get3A_320, %get3A_321] {strides = array<i32>} : memref<32x512xf32, #tpu.memory_space<vmem>>, vector<16xf32>,
      %add3A_323 = arith.addf %add3A_313, %get3A_322 : vector<16xf32>
      %get3A_324 = arith.constant 28 : i32
      %get3A_325 = arith.index_cast %get3A_324 : i32 to index
      %get3A_326 = arith.index_cast %add3A_41 : i32 to index
      %get3A_327 = tpu.vector_load %arg14[%get3A_325, %get3A_326] {strides = array<i32>} : memref<32x512xf32, #tpu.memory_space<vmem>>, vector<16xf32>,
      %add3A_328 = arith.addf %add3A_318, %get3A_327 : vector<16xf32>
      %get3A_329 = arith.constant 29 : i32
      %get3A_330 = arith.index_cast %get3A_329 : i32 to index
      %get3A_331 = arith.index_cast %add3A_41 : i32 to index
      %get3A_332 = tpu.vector_load %arg13[%get3A_330, %get3A_331] {strides = array<i32>} : memref<32x512xf32, #tpu.memory_space<vmem>>, vector<16xf32>,
      %add3A_333 = arith.addf %add3A_323, %get3A_332 : vector<16xf32>
      %get3A_334 = arith.constant 29 : i32
      %get3A_335 = arith.index_cast %get3A_334 : i32 to index
      %get3A_336 = arith.index_cast %add3A_41 : i32 to index
      %get3A_337 = tpu.vector_load %arg14[%get3A_335, %get3A_336] {strides = array<i32>} : memref<32x512xf32, #tpu.memory_space<vmem>>, vector<16xf32>,
      %add3A_338 = arith.addf %add3A_328, %get3A_337 : vector<16xf32>
      %get3A_339 = arith.constant 30 : i32
      %get3A_340 = arith.index_cast %get3A_339 : i32 to index
      %get3A_341 = arith.index_cast %add3A_41 : i32 to index
      %get3A_342 = tpu.vector_load %arg13[%get3A_340, %get3A_341] {strides = array<i32>} : memref<32x512xf32, #tpu.memory_space<vmem>>, vector<16xf32>,
      %add3A_343 = arith.addf %add3A_333, %get3A_342 : vector<16xf32>
      %get3A_344 = arith.constant 30 : i32
      %get3A_345 = arith.index_cast %get3A_344 : i32 to index
      %get3A_346 = arith.index_cast %add3A_41 : i32 to index
      %get3A_347 = tpu.vector_load %arg14[%get3A_345, %get3A_346] {strides = array<i32>} : memref<32x512xf32, #tpu.memory_space<vmem>>, vector<16xf32>,
      %add3A_348 = arith.addf %add3A_338, %get3A_347 : vector<16xf32>
      %get3A_349 = arith.constant 31 : i32
      %get3A_350 = arith.index_cast %get3A_349 : i32 to index
      %get3A_351 = arith.index_cast %add3A_41 : i32 to index
      %get3A_352 = tpu.vector_load %arg13[%get3A_350, %get3A_351] {strides = array<i32>} : memref<32x512xf32, #tpu.memory_space<vmem>>, vector<16xf32>,
      %add3A_353 = arith.addf %add3A_343, %get3A_352 : vector<16xf32>
      %get3A_354 = arith.constant 31 : i32
      %get3A_355 = arith.index_cast %get3A_354 : i32 to index
      %get3A_356 = arith.index_cast %add3A_41 : i32 to index
      %get3A_357 = tpu.vector_load %arg14[%get3A_355, %get3A_356] {strides = array<i32>} : memref<32x512xf32, #tpu.memory_space<vmem>>, vector<16xf32>,
      %add3A_358 = arith.addf %add3A_348, %get3A_357 : vector<16xf32>
      %mul3A_359 = arith.constant 3.125000e-02 : f32
      %mul3A_360 = vector.broadcast %mul3A_359 : f32 to vector<16xf32>
      %mul3A_361 = arith.mulf %add3A_353, %mul3A_360 : vector<16xf32>
      %mul3A_362 = arith.constant 3.125000e-02 : f32
      %mul3A_363 = vector.broadcast %mul3A_362 : f32 to vector<16xf32>
      %mul3A_364 = arith.mulf %add3A_358, %mul3A_363 : vector<16xf32>
      %broadcast_in_dim3A = arith.constant 0.000000e+00 : f32
      %broadcast_in_dim3A_365 = vector.broadcast %broadcast_in_dim3A : f32 to vector<16xf32>
      %get3A_366 = arith.constant 0 : i32
      %get3A_367 = arith.index_cast %get3A_366 : i32 to index
      %get3A_368 = arith.index_cast %add3A_41 : i32 to index
      %get3A_369 = tpu.vector_load %arg13[%get3A_367, %get3A_368] {strides = array<i32>} : memref<32x512xf32, #tpu.memory_space<vmem>>, vector<16xf32>,
      %sub3A = arith.subf %get3A_369, %mul3A_361 : vector<16xf32>
      %get3A_370 = arith.constant 0 : i32
      %get3A_371 = arith.index_cast %get3A_370 : i32 to index
      %get3A_372 = arith.index_cast %add3A_41 : i32 to index
      %get3A_373 = tpu.vector_load %arg14[%get3A_371, %get3A_372] {strides = array<i32>} : memref<32x512xf32, #tpu.memory_space<vmem>>, vector<16xf32>,
      %sub3A_374 = arith.subf %get3A_373, %mul3A_364 : vector<16xf32>
      %swap3A = arith.constant 0 : i32
      %swap3A_375 = arith.index_cast %swap3A : i32 to index
      %swap3A_376 = arith.index_cast %add3A_41 : i32 to index
      %swap3A_377 = tpu.vector_load %arg13[%swap3A_375, %swap3A_376] {strides = array<i32>} : memref<32x512xf32, #tpu.memory_space<vmem>>, vector<16xf32>,
      tpu.vector_store %arg13[%swap3A_375, %swap3A_376], %sub3A {strides = array<i32>} : memref<32x512xf32, #tpu.memory_space<vmem>>, vector<16xf32>,
      %swap3A_378 = arith.constant 0 : i32
      %swap3A_379 = arith.index_cast %swap3A_378 : i32 to index
      %swap3A_380 = arith.index_cast %add3A_41 : i32 to index
      %swap3A_381 = tpu.vector_load %arg14[%swap3A_379, %swap3A_380] {strides = array<i32>} : memref<32x512xf32, #tpu.memory_space<vmem>>, vector<16xf32>,
      tpu.vector_store %arg14[%swap3A_379, %swap3A_380], %sub3A_374 {strides = array<i32>} : memref<32x512xf32, #tpu.memory_space<vmem>>, vector<16xf32>,
      %mul3A_382 = arith.mulf %sub3A, %sub3A_374 : vector<16xf32>
      %add3A_383 = arith.addf %broadcast_in_dim3A_365, %mul3A_382 : vector<16xf32>
      %get3A_384 = arith.constant 1 : i32
      %get3A_385 = arith.index_cast %get3A_384 : i32 to index
      %get3A_386 = arith.index_cast %add3A_41 : i32 to index
      %get3A_387 = tpu.vector_load %arg13[%get3A_385, %get3A_386] {strides = array<i32>} : memref<32x512xf32, #tpu.memory_space<vmem>>, vector<16xf32>,
      %sub3A_388 = arith.subf %get3A_387, %mul3A_361 : vector<16xf32>
      %get3A_389 = arith.constant 1 : i32
      %get3A_390 = arith.index_cast %get3A_389 : i32 to index
      %get3A_391 = arith.index_cast %add3A_41 : i32 to index
      %get3A_392 = tpu.vector_load %arg14[%get3A_390, %get3A_391] {strides = array<i32>} : memref<32x512xf32, #tpu.memory_space<vmem>>, vector<16xf32>,
      %sub3A_393 = arith.subf %get3A_392, %mul3A_364 : vector<16xf32>
      %swap3A_394 = arith.constant 1 : i32
      %swap3A_395 = arith.index_cast %swap3A_394 : i32 to index
      %swap3A_396 = arith.index_cast %add3A_41 : i32 to index
      %swap3A_397 = tpu.vector_load %arg13[%swap3A_395, %swap3A_396] {strides = array<i32>} : memref<32x512xf32, #tpu.memory_space<vmem>>, vector<16xf32>,
      tpu.vector_store %arg13[%swap3A_395, %swap3A_396], %sub3A_388 {strides = array<i32>} : memref<32x512xf32, #tpu.memory_space<vmem>>, vector<16xf32>,
      %swap3A_398 = arith.constant 1 : i32
      %swap3A_399 = arith.index_cast %swap3A_398 : i32 to index
      %swap3A_400 = arith.index_cast %add3A_41 : i32 to index
      %swap3A_401 = tpu.vector_load %arg14[%swap3A_399, %swap3A_400] {strides = array<i32>} : memref<32x512xf32, #tpu.memory_space<vmem>>, vector<16xf32>,
      tpu.vector_store %arg14[%swap3A_399, %swap3A_400], %sub3A_393 {strides = array<i32>} : memref<32x512xf32, #tpu.memory_space<vmem>>, vector<16xf32>,
      %mul3A_402 = arith.mulf %sub3A_388, %sub3A_393 : vector<16xf32>
      %add3A_403 = arith.addf %add3A_383, %mul3A_402 : vector<16xf32>
      %get3A_404 = arith.constant 2 : i32
      %get3A_405 = arith.index_cast %get3A_404 : i32 to index
      %get3A_406 = arith.index_cast %add3A_41 : i32 to index
      %get3A_407 = tpu.vector_load %arg13[%get3A_405, %get3A_406] {strides = array<i32>} : memref<32x512xf32, #tpu.memory_space<vmem>>, vector<16xf32>,
      %sub3A_408 = arith.subf %get3A_407, %mul3A_361 : vector<16xf32>
      %get3A_409 = arith.constant 2 : i32
      %get3A_410 = arith.index_cast %get3A_409 : i32 to index
      %get3A_411 = arith.index_cast %add3A_41 : i32 to index
      %get3A_412 = tpu.vector_load %arg14[%get3A_410, %get3A_411] {strides = array<i32>} : memref<32x512xf32, #tpu.memory_space<vmem>>, vector<16xf32>,
      %sub3A_413 = arith.subf %get3A_412, %mul3A_364 : vector<16xf32>
      %swap3A_414 = arith.constant 2 : i32
      %swap3A_415 = arith.index_cast %swap3A_414 : i32 to index
      %swap3A_416 = arith.index_cast %add3A_41 : i32 to index
      %swap3A_417 = tpu.vector_load %arg13[%swap3A_415, %swap3A_416] {strides = array<i32>} : memref<32x512xf32, #tpu.memory_space<vmem>>, vector<16xf32>,
      tpu.vector_store %arg13[%swap3A_415, %swap3A_416], %sub3A_408 {strides = array<i32>} : memref<32x512xf32, #tpu.memory_space<vmem>>, vector<16xf32>,
      %swap3A_418 = arith.constant 2 : i32
      %swap3A_419 = arith.index_cast %swap3A_418 : i32 to index
      %swap3A_420 = arith.index_cast %add3A_41 : i32 to index
      %swap3A_421 = tpu.vector_load %arg14[%swap3A_419, %swap3A_420] {strides = array<i32>} : memref<32x512xf32, #tpu.memory_space<vmem>>, vector<16xf32>,
      tpu.vector_store %arg14[%swap3A_419, %swap3A_420], %sub3A_413 {strides = array<i32>} : memref<32x512xf32, #tpu.memory_space<vmem>>, vector<16xf32>,
      %mul3A_422 = arith.mulf %sub3A_408, %sub3A_413 : vector<16xf32>
      %add3A_423 = arith.addf %add3A_403, %mul3A_422 : vector<16xf32>
      %get3A_424 = arith.constant 3 : i32
      %get3A_425 = arith.index_cast %get3A_424 : i32 to index
      %get3A_426 = arith.index_cast %add3A_41 : i32 to index
      %get3A_427 = tpu.vector_load %arg13[%get3A_425, %get3A_426] {strides = array<i32>} : memref<32x512xf32, #tpu.memory_space<vmem>>, vector<16xf32>,
      %sub3A_428 = arith.subf %get3A_427, %mul3A_361 : vector<16xf32>
      %get3A_429 = arith.constant 3 : i32
      %get3A_430 = arith.index_cast %get3A_429 : i32 to index
      %get3A_431 = arith.index_cast %add3A_41 : i32 to index
      %get3A_432 = tpu.vector_load %arg14[%get3A_430, %get3A_431] {strides = array<i32>} : memref<32x512xf32, #tpu.memory_space<vmem>>, vector<16xf32>,
      %sub3A_433 = arith.subf %get3A_432, %mul3A_364 : vector<16xf32>
      %swap3A_434 = arith.constant 3 : i32
      %swap3A_435 = arith.index_cast %swap3A_434 : i32 to index
      %swap3A_436 = arith.index_cast %add3A_41 : i32 to index
      %swap3A_437 = tpu.vector_load %arg13[%swap3A_435, %swap3A_436] {strides = array<i32>} : memref<32x512xf32, #tpu.memory_space<vmem>>, vector<16xf32>,
      tpu.vector_store %arg13[%swap3A_435, %swap3A_436], %sub3A_428 {strides = array<i32>} : memref<32x512xf32, #tpu.memory_space<vmem>>, vector<16xf32>,
      %swap3A_438 = arith.constant 3 : i32
      %swap3A_439 = arith.index_cast %swap3A_438 : i32 to index
      %swap3A_440 = arith.index_cast %add3A_41 : i32 to index
      %swap3A_441 = tpu.vector_load %arg14[%swap3A_439, %swap3A_440] {strides = array<i32>} : memref<32x512xf32, #tpu.memory_space<vmem>>, vector<16xf32>,
      tpu.vector_store %arg14[%swap3A_439, %swap3A_440], %sub3A_433 {strides = array<i32>} : memref<32x512xf32, #tpu.memory_space<vmem>>, vector<16xf32>,
      %mul3A_442 = arith.mulf %sub3A_428, %sub3A_433 : vector<16xf32>
      %add3A_443 = arith.addf %add3A_423, %mul3A_442 : vector<16xf32>
      %get3A_444 = arith.constant 4 : i32
      %get3A_445 = arith.index_cast %get3A_444 : i32 to index
      %get3A_446 = arith.index_cast %add3A_41 : i32 to index
      %get3A_447 = tpu.vector_load %arg13[%get3A_445, %get3A_446] {strides = array<i32>} : memref<32x512xf32, #tpu.memory_space<vmem>>, vector<16xf32>,
      %sub3A_448 = arith.subf %get3A_447, %mul3A_361 : vector<16xf32>
      %get3A_449 = arith.constant 4 : i32
      %get3A_450 = arith.index_cast %get3A_449 : i32 to index
      %get3A_451 = arith.index_cast %add3A_41 : i32 to index
      %get3A_452 = tpu.vector_load %arg14[%get3A_450, %get3A_451] {strides = array<i32>} : memref<32x512xf32, #tpu.memory_space<vmem>>, vector<16xf32>,
      %sub3A_453 = arith.subf %get3A_452, %mul3A_364 : vector<16xf32>
      %swap3A_454 = arith.constant 4 : i32
      %swap3A_455 = arith.index_cast %swap3A_454 : i32 to index
      %swap3A_456 = arith.index_cast %add3A_41 : i32 to index
      %swap3A_457 = tpu.vector_load %arg13[%swap3A_455, %swap3A_456] {strides = array<i32>} : memref<32x512xf32, #tpu.memory_space<vmem>>, vector<16xf32>,
      tpu.vector_store %arg13[%swap3A_455, %swap3A_456], %sub3A_448 {strides = array<i32>} : memref<32x512xf32, #tpu.memory_space<vmem>>, vector<16xf32>,
      %swap3A_458 = arith.constant 4 : i32
      %swap3A_459 = arith.index_cast %swap3A_458 : i32 to index
      %swap3A_460 = arith.index_cast %add3A_41 : i32 to index
      %swap3A_461 = tpu.vector_load %arg14[%swap3A_459, %swap3A_460] {strides = array<i32>} : memref<32x512xf32, #tpu.memory_space<vmem>>, vector<16xf32>,
      tpu.vector_store %arg14[%swap3A_459, %swap3A_460], %sub3A_453 {strides = array<i32>} : memref<32x512xf32, #tpu.memory_space<vmem>>, vector<16xf32>,
      %mul3A_462 = arith.mulf %sub3A_448, %sub3A_453 : vector<16xf32>
      %add3A_463 = arith.addf %add3A_443, %mul3A_462 : vector<16xf32>
      %get3A_464 = arith.constant 5 : i32
      %get3A_465 = arith.index_cast %get3A_464 : i32 to index
      %get3A_466 = arith.index_cast %add3A_41 : i32 to index
      %get3A_467 = tpu.vector_load %arg13[%get3A_465, %get3A_466] {strides = array<i32>} : memref<32x512xf32, #tpu.memory_space<vmem>>, vector<16xf32>,
      %sub3A_468 = arith.subf %get3A_467, %mul3A_361 : vector<16xf32>
      %get3A_469 = arith.constant 5 : i32
      %get3A_470 = arith.index_cast %get3A_469 : i32 to index
      %get3A_471 = arith.index_cast %add3A_41 : i32 to index
      %get3A_472 = tpu.vector_load %arg14[%get3A_470, %get3A_471] {strides = array<i32>} : memref<32x512xf32, #tpu.memory_space<vmem>>, vector<16xf32>,
      %sub3A_473 = arith.subf %get3A_472, %mul3A_364 : vector<16xf32>
      %swap3A_474 = arith.constant 5 : i32
      %swap3A_475 = arith.index_cast %swap3A_474 : i32 to index
      %swap3A_476 = arith.index_cast %add3A_41 : i32 to index
      %swap3A_477 = tpu.vector_load %arg13[%swap3A_475, %swap3A_476] {strides = array<i32>} : memref<32x512xf32, #tpu.memory_space<vmem>>, vector<16xf32>,
      tpu.vector_store %arg13[%swap3A_475, %swap3A_476], %sub3A_468 {strides = array<i32>} : memref<32x512xf32, #tpu.memory_space<vmem>>, vector<16xf32>,
      %swap3A_478 = arith.constant 5 : i32
      %swap3A_479 = arith.index_cast %swap3A_478 : i32 to index
      %swap3A_480 = arith.index_cast %add3A_41 : i32 to index
      %swap3A_481 = tpu.vector_load %arg14[%swap3A_479, %swap3A_480] {strides = array<i32>} : memref<32x512xf32, #tpu.memory_space<vmem>>, vector<16xf32>,
      tpu.vector_store %arg14[%swap3A_479, %swap3A_480], %sub3A_473 {strides = array<i32>} : memref<32x512xf32, #tpu.memory_space<vmem>>, vector<16xf32>,
      %mul3A_482 = arith.mulf %sub3A_468, %sub3A_473 : vector<16xf32>
      %add3A_483 = arith.addf %add3A_463, %mul3A_482 : vector<16xf32>
      %get3A_484 = arith.constant 6 : i32
      %get3A_485 = arith.index_cast %get3A_484 : i32 to index
      %get3A_486 = arith.index_cast %add3A_41 : i32 to index
      %get3A_487 = tpu.vector_load %arg13[%get3A_485, %get3A_486] {strides = array<i32>} : memref<32x512xf32, #tpu.memory_space<vmem>>, vector<16xf32>,
      %sub3A_488 = arith.subf %get3A_487, %mul3A_361 : vector<16xf32>
      %get3A_489 = arith.constant 6 : i32
      %get3A_490 = arith.index_cast %get3A_489 : i32 to index
      %get3A_491 = arith.index_cast %add3A_41 : i32 to index
      %get3A_492 = tpu.vector_load %arg14[%get3A_490, %get3A_491] {strides = array<i32>} : memref<32x512xf32, #tpu.memory_space<vmem>>, vector<16xf32>,
      %sub3A_493 = arith.subf %get3A_492, %mul3A_364 : vector<16xf32>
      %swap3A_494 = arith.constant 6 : i32
      %swap3A_495 = arith.index_cast %swap3A_494 : i32 to index
      %swap3A_496 = arith.index_cast %add3A_41 : i32 to index
      %swap3A_497 = tpu.vector_load %arg13[%swap3A_495, %swap3A_496] {strides = array<i32>} : memref<32x512xf32, #tpu.memory_space<vmem>>, vector<16xf32>,
      tpu.vector_store %arg13[%swap3A_495, %swap3A_496], %sub3A_488 {strides = array<i32>} : memref<32x512xf32, #tpu.memory_space<vmem>>, vector<16xf32>,
      %swap3A_498 = arith.constant 6 : i32
      %swap3A_499 = arith.index_cast %swap3A_498 : i32 to index
      %swap3A_500 = arith.index_cast %add3A_41 : i32 to index
      %swap3A_501 = tpu.vector_load %arg14[%swap3A_499, %swap3A_500] {strides = array<i32>} : memref<32x512xf32, #tpu.memory_space<vmem>>, vector<16xf32>,
      tpu.vector_store %arg14[%swap3A_499, %swap3A_500], %sub3A_493 {strides = array<i32>} : memref<32x512xf32, #tpu.memory_space<vmem>>, vector<16xf32>,
      %mul3A_502 = arith.mulf %sub3A_488, %sub3A_493 : vector<16xf32>
      %add3A_503 = arith.addf %add3A_483, %mul3A_502 : vector<16xf32>
      %get3A_504 = arith.constant 7 : i32
      %get3A_505 = arith.index_cast %get3A_504 : i32 to index
      %get3A_506 = arith.index_cast %add3A_41 : i32 to index
      %get3A_507 = tpu.vector_load %arg13[%get3A_505, %get3A_506] {strides = array<i32>} : memref<32x512xf32, #tpu.memory_space<vmem>>, vector<16xf32>,
      %sub3A_508 = arith.subf %get3A_507, %mul3A_361 : vector<16xf32>
      %get3A_509 = arith.constant 7 : i32
      %get3A_510 = arith.index_cast %get3A_509 : i32 to index
      %get3A_511 = arith.index_cast %add3A_41 : i32 to index
      %get3A_512 = tpu.vector_load %arg14[%get3A_510, %get3A_511] {strides = array<i32>} : memref<32x512xf32, #tpu.memory_space<vmem>>, vector<16xf32>,
      %sub3A_513 = arith.subf %get3A_512, %mul3A_364 : vector<16xf32>
      %swap3A_514 = arith.constant 7 : i32
      %swap3A_515 = arith.index_cast %swap3A_514 : i32 to index
      %swap3A_516 = arith.index_cast %add3A_41 : i32 to index
      %swap3A_517 = tpu.vector_load %arg13[%swap3A_515, %swap3A_516] {strides = array<i32>} : memref<32x512xf32, #tpu.memory_space<vmem>>, vector<16xf32>,
      tpu.vector_store %arg13[%swap3A_515, %swap3A_516], %sub3A_508 {strides = array<i32>} : memref<32x512xf32, #tpu.memory_space<vmem>>, vector<16xf32>,
      %swap3A_518 = arith.constant 7 : i32
      %swap3A_519 = arith.index_cast %swap3A_518 : i32 to index
      %swap3A_520 = arith.index_cast %add3A_41 : i32 to index
      %swap3A_521 = tpu.vector_load %arg14[%swap3A_519, %swap3A_520] {strides = array<i32>} : memref<32x512xf32, #tpu.memory_space<vmem>>, vector<16xf32>,
      tpu.vector_store %arg14[%swap3A_519, %swap3A_520], %sub3A_513 {strides = array<i32>} : memref<32x512xf32, #tpu.memory_space<vmem>>, vector<16xf32>,
      %mul3A_522 = arith.mulf %sub3A_508, %sub3A_513 : vector<16xf32>
      %add3A_523 = arith.addf %add3A_503, %mul3A_522 : vector<16xf32>
      %get3A_524 = arith.constant 8 : i32
      %get3A_525 = arith.index_cast %get3A_524 : i32 to index
      %get3A_526 = arith.index_cast %add3A_41 : i32 to index
      %get3A_527 = tpu.vector_load %arg13[%get3A_525, %get3A_526] {strides = array<i32>} : memref<32x512xf32, #tpu.memory_space<vmem>>, vector<16xf32>,
      %sub3A_528 = arith.subf %get3A_527, %mul3A_361 : vector<16xf32>
      %get3A_529 = arith.constant 8 : i32
      %get3A_530 = arith.index_cast %get3A_529 : i32 to index
      %get3A_531 = arith.index_cast %add3A_41 : i32 to index
      %get3A_532 = tpu.vector_load %arg14[%get3A_530, %get3A_531] {strides = array<i32>} : memref<32x512xf32, #tpu.memory_space<vmem>>, vector<16xf32>,
      %sub3A_533 = arith.subf %get3A_532, %mul3A_364 : vector<16xf32>
      %swap3A_534 = arith.constant 8 : i32
      %swap3A_535 = arith.index_cast %swap3A_534 : i32 to index
      %swap3A_536 = arith.index_cast %add3A_41 : i32 to index
      %swap3A_537 = tpu.vector_load %arg13[%swap3A_535, %swap3A_536] {strides = array<i32>} : memref<32x512xf32, #tpu.memory_space<vmem>>, vector<16xf32>,
      tpu.vector_store %arg13[%swap3A_535, %swap3A_536], %sub3A_528 {strides = array<i32>} : memref<32x512xf32, #tpu.memory_space<vmem>>, vector<16xf32>,
      %swap3A_538 = arith.constant 8 : i32
      %swap3A_539 = arith.index_cast %swap3A_538 : i32 to index
      %swap3A_540 = arith.index_cast %add3A_41 : i32 to index
      %swap3A_541 = tpu.vector_load %arg14[%swap3A_539, %swap3A_540] {strides = array<i32>} : memref<32x512xf32, #tpu.memory_space<vmem>>, vector<16xf32>,
      tpu.vector_store %arg14[%swap3A_539, %swap3A_540], %sub3A_533 {strides = array<i32>} : memref<32x512xf32, #tpu.memory_space<vmem>>, vector<16xf32>,
      %mul3A_542 = arith.mulf %sub3A_528, %sub3A_533 : vector<16xf32>
      %add3A_543 = arith.addf %add3A_523, %mul3A_542 : vector<16xf32>
      %get3A_544 = arith.constant 9 : i32
      %get3A_545 = arith.index_cast %get3A_544 : i32 to index
      %get3A_546 = arith.index_cast %add3A_41 : i32 to index
      %get3A_547 = tpu.vector_load %arg13[%get3A_545, %get3A_546] {strides = array<i32>} : memref<32x512xf32, #tpu.memory_space<vmem>>, vector<16xf32>,
      %sub3A_548 = arith.subf %get3A_547, %mul3A_361 : vector<16xf32>
      %get3A_549 = arith.constant 9 : i32
      %get3A_550 = arith.index_cast %get3A_549 : i32 to index
      %get3A_551 = arith.index_cast %add3A_41 : i32 to index
      %get3A_552 = tpu.vector_load %arg14[%get3A_550, %get3A_551] {strides = array<i32>} : memref<32x512xf32, #tpu.memory_space<vmem>>, vector<16xf32>,
      %sub3A_553 = arith.subf %get3A_552, %mul3A_364 : vector<16xf32>
      %swap3A_554 = arith.constant 9 : i32
      %swap3A_555 = arith.index_cast %swap3A_554 : i32 to index
      %swap3A_556 = arith.index_cast %add3A_41 : i32 to index
      %swap3A_557 = tpu.vector_load %arg13[%swap3A_555, %swap3A_556] {strides = array<i32>} : memref<32x512xf32, #tpu.memory_space<vmem>>, vector<16xf32>,
      tpu.vector_store %arg13[%swap3A_555, %swap3A_556], %sub3A_548 {strides = array<i32>} : memref<32x512xf32, #tpu.memory_space<vmem>>, vector<16xf32>,
      %swap3A_558 = arith.constant 9 : i32
      %swap3A_559 = arith.index_cast %swap3A_558 : i32 to index
      %swap3A_560 = arith.index_cast %add3A_41 : i32 to index
      %swap3A_561 = tpu.vector_load %arg14[%swap3A_559, %swap3A_560] {strides = array<i32>} : memref<32x512xf32, #tpu.memory_space<vmem>>, vector<16xf32>,
      tpu.vector_store %arg14[%swap3A_559, %swap3A_560], %sub3A_553 {strides = array<i32>} : memref<32x512xf32, #tpu.memory_space<vmem>>, vector<16xf32>,
      %mul3A_562 = arith.mulf %sub3A_548, %sub3A_553 : vector<16xf32>
      %add3A_563 = arith.addf %add3A_543, %mul3A_562 : vector<16xf32>
      %get3A_564 = arith.constant 10 : i32
      %get3A_565 = arith.index_cast %get3A_564 : i32 to index
      %get3A_566 = arith.index_cast %add3A_41 : i32 to index
      %get3A_567 = tpu.vector_load %arg13[%get3A_565, %get3A_566] {strides = array<i32>} : memref<32x512xf32, #tpu.memory_space<vmem>>, vector<16xf32>,
      %sub3A_568 = arith.subf %get3A_567, %mul3A_361 : vector<16xf32>
      %get3A_569 = arith.constant 10 : i32
      %get3A_570 = arith.index_cast %get3A_569 : i32 to index
      %get3A_571 = arith.index_cast %add3A_41 : i32 to index
      %get3A_572 = tpu.vector_load %arg14[%get3A_570, %get3A_571] {strides = array<i32>} : memref<32x512xf32, #tpu.memory_space<vmem>>, vector<16xf32>,
      %sub3A_573 = arith.subf %get3A_572, %mul3A_364 : vector<16xf32>
      %swap3A_574 = arith.constant 10 : i32
      %swap3A_575 = arith.index_cast %swap3A_574 : i32 to index
      %swap3A_576 = arith.index_cast %add3A_41 : i32 to index
      %swap3A_577 = tpu.vector_load %arg13[%swap3A_575, %swap3A_576] {strides = array<i32>} : memref<32x512xf32, #tpu.memory_space<vmem>>, vector<16xf32>,
      tpu.vector_store %arg13[%swap3A_575, %swap3A_576], %sub3A_568 {strides = array<i32>} : memref<32x512xf32, #tpu.memory_space<vmem>>, vector<16xf32>,
      %swap3A_578 = arith.constant 10 : i32
      %swap3A_579 = arith.index_cast %swap3A_578 : i32 to index
      %swap3A_580 = arith.index_cast %add3A_41 : i32 to index
      %swap3A_581 = tpu.vector_load %arg14[%swap3A_579, %swap3A_580] {strides = array<i32>} : memref<32x512xf32, #tpu.memory_space<vmem>>, vector<16xf32>,
      tpu.vector_store %arg14[%swap3A_579, %swap3A_580], %sub3A_573 {strides = array<i32>} : memref<32x512xf32, #tpu.memory_space<vmem>>, vector<16xf32>,
      %mul3A_582 = arith.mulf %sub3A_568, %sub3A_573 : vector<16xf32>
      %add3A_583 = arith.addf %add3A_563, %mul3A_582 : vector<16xf32>
      %get3A_584 = arith.constant 11 : i32
      %get3A_585 = arith.index_cast %get3A_584 : i32 to index
      %get3A_586 = arith.index_cast %add3A_41 : i32 to index
      %get3A_587 = tpu.vector_load %arg13[%get3A_585, %get3A_586] {strides = array<i32>} : memref<32x512xf32, #tpu.memory_space<vmem>>, vector<16xf32>,
      %sub3A_588 = arith.subf %get3A_587, %mul3A_361 : vector<16xf32>
      %get3A_589 = arith.constant 11 : i32
      %get3A_590 = arith.index_cast %get3A_589 : i32 to index
      %get3A_591 = arith.index_cast %add3A_41 : i32 to index
      %get3A_592 = tpu.vector_load %arg14[%get3A_590, %get3A_591] {strides = array<i32>} : memref<32x512xf32, #tpu.memory_space<vmem>>, vector<16xf32>,
      %sub3A_593 = arith.subf %get3A_592, %mul3A_364 : vector<16xf32>
      %swap3A_594 = arith.constant 11 : i32
      %swap3A_595 = arith.index_cast %swap3A_594 : i32 to index
      %swap3A_596 = arith.index_cast %add3A_41 : i32 to index
      %swap3A_597 = tpu.vector_load %arg13[%swap3A_595, %swap3A_596] {strides = array<i32>} : memref<32x512xf32, #tpu.memory_space<vmem>>, vector<16xf32>,
      tpu.vector_store %arg13[%swap3A_595, %swap3A_596], %sub3A_588 {strides = array<i32>} : memref<32x512xf32, #tpu.memory_space<vmem>>, vector<16xf32>,
      %swap3A_598 = arith.constant 11 : i32
      %swap3A_599 = arith.index_cast %swap3A_598 : i32 to index
      %swap3A_600 = arith.index_cast %add3A_41 : i32 to index
      %swap3A_601 = tpu.vector_load %arg14[%swap3A_599, %swap3A_600] {strides = array<i32>} : memref<32x512xf32, #tpu.memory_space<vmem>>, vector<16xf32>,
      tpu.vector_store %arg14[%swap3A_599, %swap3A_600], %sub3A_593 {strides = array<i32>} : memref<32x512xf32, #tpu.memory_space<vmem>>, vector<16xf32>,
      %mul3A_602 = arith.mulf %sub3A_588, %sub3A_593 : vector<16xf32>
      %add3A_603 = arith.addf %add3A_583, %mul3A_602 : vector<16xf32>
      %get3A_604 = arith.constant 12 : i32
      %get3A_605 = arith.index_cast %get3A_604 : i32 to index
      %get3A_606 = arith.index_cast %add3A_41 : i32 to index
      %get3A_607 = tpu.vector_load %arg13[%get3A_605, %get3A_606] {strides = array<i32>} : memref<32x512xf32, #tpu.memory_space<vmem>>, vector<16xf32>,
      %sub3A_608 = arith.subf %get3A_607, %mul3A_361 : vector<16xf32>
      %get3A_609 = arith.constant 12 : i32
      %get3A_610 = arith.index_cast %get3A_609 : i32 to index
      %get3A_611 = arith.index_cast %add3A_41 : i32 to index
      %get3A_612 = tpu.vector_load %arg14[%get3A_610, %get3A_611] {strides = array<i32>} : memref<32x512xf32, #tpu.memory_space<vmem>>, vector<16xf32>,
      %sub3A_613 = arith.subf %get3A_612, %mul3A_364 : vector<16xf32>
      %swap3A_614 = arith.constant 12 : i32
      %swap3A_615 = arith.index_cast %swap3A_614 : i32 to index
      %swap3A_616 = arith.index_cast %add3A_41 : i32 to index
      %swap3A_617 = tpu.vector_load %arg13[%swap3A_615, %swap3A_616] {strides = array<i32>} : memref<32x512xf32, #tpu.memory_space<vmem>>, vector<16xf32>,
      tpu.vector_store %arg13[%swap3A_615, %swap3A_616], %sub3A_608 {strides = array<i32>} : memref<32x512xf32, #tpu.memory_space<vmem>>, vector<16xf32>,
      %swap3A_618 = arith.constant 12 : i32
      %swap3A_619 = arith.index_cast %swap3A_618 : i32 to index
      %swap3A_620 = arith.index_cast %add3A_41 : i32 to index
      %swap3A_621 = tpu.vector_load %arg14[%swap3A_619, %swap3A_620] {strides = array<i32>} : memref<32x512xf32, #tpu.memory_space<vmem>>, vector<16xf32>,
      tpu.vector_store %arg14[%swap3A_619, %swap3A_620], %sub3A_613 {strides = array<i32>} : memref<32x512xf32, #tpu.memory_space<vmem>>, vector<16xf32>,
      %mul3A_622 = arith.mulf %sub3A_608, %sub3A_613 : vector<16xf32>
      %add3A_623 = arith.addf %add3A_603, %mul3A_622 : vector<16xf32>
      %get3A_624 = arith.constant 13 : i32
      %get3A_625 = arith.index_cast %get3A_624 : i32 to index
      %get3A_626 = arith.index_cast %add3A_41 : i32 to index
      %get3A_627 = tpu.vector_load %arg13[%get3A_625, %get3A_626] {strides = array<i32>} : memref<32x512xf32, #tpu.memory_space<vmem>>, vector<16xf32>,
      %sub3A_628 = arith.subf %get3A_627, %mul3A_361 : vector<16xf32>
      %get3A_629 = arith.constant 13 : i32
      %get3A_630 = arith.index_cast %get3A_629 : i32 to index
      %get3A_631 = arith.index_cast %add3A_41 : i32 to index
      %get3A_632 = tpu.vector_load %arg14[%get3A_630, %get3A_631] {strides = array<i32>} : memref<32x512xf32, #tpu.memory_space<vmem>>, vector<16xf32>,
      %sub3A_633 = arith.subf %get3A_632, %mul3A_364 : vector<16xf32>
      %swap3A_634 = arith.constant 13 : i32
      %swap3A_635 = arith.index_cast %swap3A_634 : i32 to index
      %swap3A_636 = arith.index_cast %add3A_41 : i32 to index
      %swap3A_637 = tpu.vector_load %arg13[%swap3A_635, %swap3A_636] {strides = array<i32>} : memref<32x512xf32, #tpu.memory_space<vmem>>, vector<16xf32>,
      tpu.vector_store %arg13[%swap3A_635, %swap3A_636], %sub3A_628 {strides = array<i32>} : memref<32x512xf32, #tpu.memory_space<vmem>>, vector<16xf32>,
      %swap3A_638 = arith.constant 13 : i32
      %swap3A_639 = arith.index_cast %swap3A_638 : i32 to index
      %swap3A_640 = arith.index_cast %add3A_41 : i32 to index
      %swap3A_641 = tpu.vector_load %arg14[%swap3A_639, %swap3A_640] {strides = array<i32>} : memref<32x512xf32, #tpu.memory_space<vmem>>, vector<16xf32>,
      tpu.vector_store %arg14[%swap3A_639, %swap3A_640], %sub3A_633 {strides = array<i32>} : memref<32x512xf32, #tpu.memory_space<vmem>>, vector<16xf32>,
      %mul3A_642 = arith.mulf %sub3A_628, %sub3A_633 : vector<16xf32>
      %add3A_643 = arith.addf %add3A_623, %mul3A_642 : vector<16xf32>
      %get3A_644 = arith.constant 14 : i32
      %get3A_645 = arith.index_cast %get3A_644 : i32 to index
      %get3A_646 = arith.index_cast %add3A_41 : i32 to index
      %get3A_647 = tpu.vector_load %arg13[%get3A_645, %get3A_646] {strides = array<i32>} : memref<32x512xf32, #tpu.memory_space<vmem>>, vector<16xf32>,
      %sub3A_648 = arith.subf %get3A_647, %mul3A_361 : vector<16xf32>
      %get3A_649 = arith.constant 14 : i32
      %get3A_650 = arith.index_cast %get3A_649 : i32 to index
      %get3A_651 = arith.index_cast %add3A_41 : i32 to index
      %get3A_652 = tpu.vector_load %arg14[%get3A_650, %get3A_651] {strides = array<i32>} : memref<32x512xf32, #tpu.memory_space<vmem>>, vector<16xf32>,
      %sub3A_653 = arith.subf %get3A_652, %mul3A_364 : vector<16xf32>
      %swap3A_654 = arith.constant 14 : i32
      %swap3A_655 = arith.index_cast %swap3A_654 : i32 to index
      %swap3A_656 = arith.index_cast %add3A_41 : i32 to index
      %swap3A_657 = tpu.vector_load %arg13[%swap3A_655, %swap3A_656] {strides = array<i32>} : memref<32x512xf32, #tpu.memory_space<vmem>>, vector<16xf32>,
      tpu.vector_store %arg13[%swap3A_655, %swap3A_656], %sub3A_648 {strides = array<i32>} : memref<32x512xf32, #tpu.memory_space<vmem>>, vector<16xf32>,
      %swap3A_658 = arith.constant 14 : i32
      %swap3A_659 = arith.index_cast %swap3A_658 : i32 to index
      %swap3A_660 = arith.index_cast %add3A_41 : i32 to index
      %swap3A_661 = tpu.vector_load %arg14[%swap3A_659, %swap3A_660] {strides = array<i32>} : memref<32x512xf32, #tpu.memory_space<vmem>>, vector<16xf32>,
      tpu.vector_store %arg14[%swap3A_659, %swap3A_660], %sub3A_653 {strides = array<i32>} : memref<32x512xf32, #tpu.memory_space<vmem>>, vector<16xf32>,
      %mul3A_662 = arith.mulf %sub3A_648, %sub3A_653 : vector<16xf32>
      %add3A_663 = arith.addf %add3A_643, %mul3A_662 : vector<16xf32>
      %get3A_664 = arith.constant 15 : i32
      %get3A_665 = arith.index_cast %get3A_664 : i32 to index
      %get3A_666 = arith.index_cast %add3A_41 : i32 to index
      %get3A_667 = tpu.vector_load %arg13[%get3A_665, %get3A_666] {strides = array<i32>} : memref<32x512xf32, #tpu.memory_space<vmem>>, vector<16xf32>,
      %sub3A_668 = arith.subf %get3A_667, %mul3A_361 : vector<16xf32>
      %get3A_669 = arith.constant 15 : i32
      %get3A_670 = arith.index_cast %get3A_669 : i32 to index
      %get3A_671 = arith.index_cast %add3A_41 : i32 to index
      %get3A_672 = tpu.vector_load %arg14[%get3A_670, %get3A_671] {strides = array<i32>} : memref<32x512xf32, #tpu.memory_space<vmem>>, vector<16xf32>,
      %sub3A_673 = arith.subf %get3A_672, %mul3A_364 : vector<16xf32>
      %swap3A_674 = arith.constant 15 : i32
      %swap3A_675 = arith.index_cast %swap3A_674 : i32 to index
      %swap3A_676 = arith.index_cast %add3A_41 : i32 to index
      %swap3A_677 = tpu.vector_load %arg13[%swap3A_675, %swap3A_676] {strides = array<i32>} : memref<32x512xf32, #tpu.memory_space<vmem>>, vector<16xf32>,
      tpu.vector_store %arg13[%swap3A_675, %swap3A_676], %sub3A_668 {strides = array<i32>} : memref<32x512xf32, #tpu.memory_space<vmem>>, vector<16xf32>,
      %swap3A_678 = arith.constant 15 : i32
      %swap3A_679 = arith.index_cast %swap3A_678 : i32 to index
      %swap3A_680 = arith.index_cast %add3A_41 : i32 to index
      %swap3A_681 = tpu.vector_load %arg14[%swap3A_679, %swap3A_680] {strides = array<i32>} : memref<32x512xf32, #tpu.memory_space<vmem>>, vector<16xf32>,
      tpu.vector_store %arg14[%swap3A_679, %swap3A_680], %sub3A_673 {strides = array<i32>} : memref<32x512xf32, #tpu.memory_space<vmem>>, vector<16xf32>,
      %mul3A_682 = arith.mulf %sub3A_668, %sub3A_673 : vector<16xf32>
      %add3A_683 = arith.addf %add3A_663, %mul3A_682 : vector<16xf32>
      %get3A_684 = arith.constant 16 : i32
      %get3A_685 = arith.index_cast %get3A_684 : i32 to index
      %get3A_686 = arith.index_cast %add3A_41 : i32 to index
      %get3A_687 = tpu.vector_load %arg13[%get3A_685, %get3A_686] {strides = array<i32>} : memref<32x512xf32, #tpu.memory_space<vmem>>, vector<16xf32>,
      %sub3A_688 = arith.subf %get3A_687, %mul3A_361 : vector<16xf32>
      %get3A_689 = arith.constant 16 : i32
      %get3A_690 = arith.index_cast %get3A_689 : i32 to index
      %get3A_691 = arith.index_cast %add3A_41 : i32 to index
      %get3A_692 = tpu.vector_load %arg14[%get3A_690, %get3A_691] {strides = array<i32>} : memref<32x512xf32, #tpu.memory_space<vmem>>, vector<16xf32>,
      %sub3A_693 = arith.subf %get3A_692, %mul3A_364 : vector<16xf32>
      %swap3A_694 = arith.constant 16 : i32
      %swap3A_695 = arith.index_cast %swap3A_694 : i32 to index
      %swap3A_696 = arith.index_cast %add3A_41 : i32 to index
      %swap3A_697 = tpu.vector_load %arg13[%swap3A_695, %swap3A_696] {strides = array<i32>} : memref<32x512xf32, #tpu.memory_space<vmem>>, vector<16xf32>,
      tpu.vector_store %arg13[%swap3A_695, %swap3A_696], %sub3A_688 {strides = array<i32>} : memref<32x512xf32, #tpu.memory_space<vmem>>, vector<16xf32>,
      %swap3A_698 = arith.constant 16 : i32
      %swap3A_699 = arith.index_cast %swap3A_698 : i32 to index
      %swap3A_700 = arith.index_cast %add3A_41 : i32 to index
      %swap3A_701 = tpu.vector_load %arg14[%swap3A_699, %swap3A_700] {strides = array<i32>} : memref<32x512xf32, #tpu.memory_space<vmem>>, vector<16xf32>,
      tpu.vector_store %arg14[%swap3A_699, %swap3A_700], %sub3A_693 {strides = array<i32>} : memref<32x512xf32, #tpu.memory_space<vmem>>, vector<16xf32>,
      %mul3A_702 = arith.mulf %sub3A_688, %sub3A_693 : vector<16xf32>
      %add3A_703 = arith.addf %add3A_683, %mul3A_702 : vector<16xf32>
      %get3A_704 = arith.constant 17 : i32
      %get3A_705 = arith.index_cast %get3A_704 : i32 to index
      %get3A_706 = arith.index_cast %add3A_41 : i32 to index
      %get3A_707 = tpu.vector_load %arg13[%get3A_705, %get3A_706] {strides = array<i32>} : memref<32x512xf32, #tpu.memory_space<vmem>>, vector<16xf32>,
      %sub3A_708 = arith.subf %get3A_707, %mul3A_361 : vector<16xf32>
      %get3A_709 = arith.constant 17 : i32
      %get3A_710 = arith.index_cast %get3A_709 : i32 to index
      %get3A_711 = arith.index_cast %add3A_41 : i32 to index
      %get3A_712 = tpu.vector_load %arg14[%get3A_710, %get3A_711] {strides = array<i32>} : memref<32x512xf32, #tpu.memory_space<vmem>>, vector<16xf32>,
      %sub3A_713 = arith.subf %get3A_712, %mul3A_364 : vector<16xf32>
      %swap3A_714 = arith.constant 17 : i32
      %swap3A_715 = arith.index_cast %swap3A_714 : i32 to index
      %swap3A_716 = arith.index_cast %add3A_41 : i32 to index
      %swap3A_717 = tpu.vector_load %arg13[%swap3A_715, %swap3A_716] {strides = array<i32>} : memref<32x512xf32, #tpu.memory_space<vmem>>, vector<16xf32>,
      tpu.vector_store %arg13[%swap3A_715, %swap3A_716], %sub3A_708 {strides = array<i32>} : memref<32x512xf32, #tpu.memory_space<vmem>>, vector<16xf32>,
      %swap3A_718 = arith.constant 17 : i32
      %swap3A_719 = arith.index_cast %swap3A_718 : i32 to index
      %swap3A_720 = arith.index_cast %add3A_41 : i32 to index
      %swap3A_721 = tpu.vector_load %arg14[%swap3A_719, %swap3A_720] {strides = array<i32>} : memref<32x512xf32, #tpu.memory_space<vmem>>, vector<16xf32>,
      tpu.vector_store %arg14[%swap3A_719, %swap3A_720], %sub3A_713 {strides = array<i32>} : memref<32x512xf32, #tpu.memory_space<vmem>>, vector<16xf32>,
      %mul3A_722 = arith.mulf %sub3A_708, %sub3A_713 : vector<16xf32>
      %add3A_723 = arith.addf %add3A_703, %mul3A_722 : vector<16xf32>
      %get3A_724 = arith.constant 18 : i32
      %get3A_725 = arith.index_cast %get3A_724 : i32 to index
      %get3A_726 = arith.index_cast %add3A_41 : i32 to index
      %get3A_727 = tpu.vector_load %arg13[%get3A_725, %get3A_726] {strides = array<i32>} : memref<32x512xf32, #tpu.memory_space<vmem>>, vector<16xf32>,
      %sub3A_728 = arith.subf %get3A_727, %mul3A_361 : vector<16xf32>
      %get3A_729 = arith.constant 18 : i32
      %get3A_730 = arith.index_cast %get3A_729 : i32 to index
      %get3A_731 = arith.index_cast %add3A_41 : i32 to index
      %get3A_732 = tpu.vector_load %arg14[%get3A_730, %get3A_731] {strides = array<i32>} : memref<32x512xf32, #tpu.memory_space<vmem>>, vector<16xf32>,
      %sub3A_733 = arith.subf %get3A_732, %mul3A_364 : vector<16xf32>
      %swap3A_734 = arith.constant 18 : i32
      %swap3A_735 = arith.index_cast %swap3A_734 : i32 to index
      %swap3A_736 = arith.index_cast %add3A_41 : i32 to index
      %swap3A_737 = tpu.vector_load %arg13[%swap3A_735, %swap3A_736] {strides = array<i32>} : memref<32x512xf32, #tpu.memory_space<vmem>>, vector<16xf32>,
      tpu.vector_store %arg13[%swap3A_735, %swap3A_736], %sub3A_728 {strides = array<i32>} : memref<32x512xf32, #tpu.memory_space<vmem>>, vector<16xf32>,
      %swap3A_738 = arith.constant 18 : i32
      %swap3A_739 = arith.index_cast %swap3A_738 : i32 to index
      %swap3A_740 = arith.index_cast %add3A_41 : i32 to index
      %swap3A_741 = tpu.vector_load %arg14[%swap3A_739, %swap3A_740] {strides = array<i32>} : memref<32x512xf32, #tpu.memory_space<vmem>>, vector<16xf32>,
      tpu.vector_store %arg14[%swap3A_739, %swap3A_740], %sub3A_733 {strides = array<i32>} : memref<32x512xf32, #tpu.memory_space<vmem>>, vector<16xf32>,
      %mul3A_742 = arith.mulf %sub3A_728, %sub3A_733 : vector<16xf32>
      %add3A_743 = arith.addf %add3A_723, %mul3A_742 : vector<16xf32>
      %get3A_744 = arith.constant 19 : i32
      %get3A_745 = arith.index_cast %get3A_744 : i32 to index
      %get3A_746 = arith.index_cast %add3A_41 : i32 to index
      %get3A_747 = tpu.vector_load %arg13[%get3A_745, %get3A_746] {strides = array<i32>} : memref<32x512xf32, #tpu.memory_space<vmem>>, vector<16xf32>,
      %sub3A_748 = arith.subf %get3A_747, %mul3A_361 : vector<16xf32>
      %get3A_749 = arith.constant 19 : i32
      %get3A_750 = arith.index_cast %get3A_749 : i32 to index
      %get3A_751 = arith.index_cast %add3A_41 : i32 to index
      %get3A_752 = tpu.vector_load %arg14[%get3A_750, %get3A_751] {strides = array<i32>} : memref<32x512xf32, #tpu.memory_space<vmem>>, vector<16xf32>,
      %sub3A_753 = arith.subf %get3A_752, %mul3A_364 : vector<16xf32>
      %swap3A_754 = arith.constant 19 : i32
      %swap3A_755 = arith.index_cast %swap3A_754 : i32 to index
      %swap3A_756 = arith.index_cast %add3A_41 : i32 to index
      %swap3A_757 = tpu.vector_load %arg13[%swap3A_755, %swap3A_756] {strides = array<i32>} : memref<32x512xf32, #tpu.memory_space<vmem>>, vector<16xf32>,
      tpu.vector_store %arg13[%swap3A_755, %swap3A_756], %sub3A_748 {strides = array<i32>} : memref<32x512xf32, #tpu.memory_space<vmem>>, vector<16xf32>,
      %swap3A_758 = arith.constant 19 : i32
      %swap3A_759 = arith.index_cast %swap3A_758 : i32 to index
      %swap3A_760 = arith.index_cast %add3A_41 : i32 to index
      %swap3A_761 = tpu.vector_load %arg14[%swap3A_759, %swap3A_760] {strides = array<i32>} : memref<32x512xf32, #tpu.memory_space<vmem>>, vector<16xf32>,
      tpu.vector_store %arg14[%swap3A_759, %swap3A_760], %sub3A_753 {strides = array<i32>} : memref<32x512xf32, #tpu.memory_space<vmem>>, vector<16xf32>,
      %mul3A_762 = arith.mulf %sub3A_748, %sub3A_753 : vector<16xf32>
      %add3A_763 = arith.addf %add3A_743, %mul3A_762 : vector<16xf32>
      %get3A_764 = arith.constant 20 : i32
      %get3A_765 = arith.index_cast %get3A_764 : i32 to index
      %get3A_766 = arith.index_cast %add3A_41 : i32 to index
      %get3A_767 = tpu.vector_load %arg13[%get3A_765, %get3A_766] {strides = array<i32>} : memref<32x512xf32, #tpu.memory_space<vmem>>, vector<16xf32>,
      %sub3A_768 = arith.subf %get3A_767, %mul3A_361 : vector<16xf32>
      %get3A_769 = arith.constant 20 : i32
      %get3A_770 = arith.index_cast %get3A_769 : i32 to index
      %get3A_771 = arith.index_cast %add3A_41 : i32 to index
      %get3A_772 = tpu.vector_load %arg14[%get3A_770, %get3A_771] {strides = array<i32>} : memref<32x512xf32, #tpu.memory_space<vmem>>, vector<16xf32>,
      %sub3A_773 = arith.subf %get3A_772, %mul3A_364 : vector<16xf32>
      %swap3A_774 = arith.constant 20 : i32
      %swap3A_775 = arith.index_cast %swap3A_774 : i32 to index
      %swap3A_776 = arith.index_cast %add3A_41 : i32 to index
      %swap3A_777 = tpu.vector_load %arg13[%swap3A_775, %swap3A_776] {strides = array<i32>} : memref<32x512xf32, #tpu.memory_space<vmem>>, vector<16xf32>,
      tpu.vector_store %arg13[%swap3A_775, %swap3A_776], %sub3A_768 {strides = array<i32>} : memref<32x512xf32, #tpu.memory_space<vmem>>, vector<16xf32>,
      %swap3A_778 = arith.constant 20 : i32
      %swap3A_779 = arith.index_cast %swap3A_778 : i32 to index
      %swap3A_780 = arith.index_cast %add3A_41 : i32 to index
      %swap3A_781 = tpu.vector_load %arg14[%swap3A_779, %swap3A_780] {strides = array<i32>} : memref<32x512xf32, #tpu.memory_space<vmem>>, vector<16xf32>,
      tpu.vector_store %arg14[%swap3A_779, %swap3A_780], %sub3A_773 {strides = array<i32>} : memref<32x512xf32, #tpu.memory_space<vmem>>, vector<16xf32>,
      %mul3A_782 = arith.mulf %sub3A_768, %sub3A_773 : vector<16xf32>
      %add3A_783 = arith.addf %add3A_763, %mul3A_782 : vector<16xf32>
      %get3A_784 = arith.constant 21 : i32
      %get3A_785 = arith.index_cast %get3A_784 : i32 to index
      %get3A_786 = arith.index_cast %add3A_41 : i32 to index
      %get3A_787 = tpu.vector_load %arg13[%get3A_785, %get3A_786] {strides = array<i32>} : memref<32x512xf32, #tpu.memory_space<vmem>>, vector<16xf32>,
      %sub3A_788 = arith.subf %get3A_787, %mul3A_361 : vector<16xf32>
      %get3A_789 = arith.constant 21 : i32
      %get3A_790 = arith.index_cast %get3A_789 : i32 to index
      %get3A_791 = arith.index_cast %add3A_41 : i32 to index
      %get3A_792 = tpu.vector_load %arg14[%get3A_790, %get3A_791] {strides = array<i32>} : memref<32x512xf32, #tpu.memory_space<vmem>>, vector<16xf32>,
      %sub3A_793 = arith.subf %get3A_792, %mul3A_364 : vector<16xf32>
      %swap3A_794 = arith.constant 21 : i32
      %swap3A_795 = arith.index_cast %swap3A_794 : i32 to index
      %swap3A_796 = arith.index_cast %add3A_41 : i32 to index
      %swap3A_797 = tpu.vector_load %arg13[%swap3A_795, %swap3A_796] {strides = array<i32>} : memref<32x512xf32, #tpu.memory_space<vmem>>, vector<16xf32>,
      tpu.vector_store %arg13[%swap3A_795, %swap3A_796], %sub3A_788 {strides = array<i32>} : memref<32x512xf32, #tpu.memory_space<vmem>>, vector<16xf32>,
      %swap3A_798 = arith.constant 21 : i32
      %swap3A_799 = arith.index_cast %swap3A_798 : i32 to index
      %swap3A_800 = arith.index_cast %add3A_41 : i32 to index
      %swap3A_801 = tpu.vector_load %arg14[%swap3A_799, %swap3A_800] {strides = array<i32>} : memref<32x512xf32, #tpu.memory_space<vmem>>, vector<16xf32>,
      tpu.vector_store %arg14[%swap3A_799, %swap3A_800], %sub3A_793 {strides = array<i32>} : memref<32x512xf32, #tpu.memory_space<vmem>>, vector<16xf32>,
      %mul3A_802 = arith.mulf %sub3A_788, %sub3A_793 : vector<16xf32>
      %add3A_803 = arith.addf %add3A_783, %mul3A_802 : vector<16xf32>
      %get3A_804 = arith.constant 22 : i32
      %get3A_805 = arith.index_cast %get3A_804 : i32 to index
      %get3A_806 = arith.index_cast %add3A_41 : i32 to index
      %get3A_807 = tpu.vector_load %arg13[%get3A_805, %get3A_806] {strides = array<i32>} : memref<32x512xf32, #tpu.memory_space<vmem>>, vector<16xf32>,
      %sub3A_808 = arith.subf %get3A_807, %mul3A_361 : vector<16xf32>
      %get3A_809 = arith.constant 22 : i32
      %get3A_810 = arith.index_cast %get3A_809 : i32 to index
      %get3A_811 = arith.index_cast %add3A_41 : i32 to index
      %get3A_812 = tpu.vector_load %arg14[%get3A_810, %get3A_811] {strides = array<i32>} : memref<32x512xf32, #tpu.memory_space<vmem>>, vector<16xf32>,
      %sub3A_813 = arith.subf %get3A_812, %mul3A_364 : vector<16xf32>
      %swap3A_814 = arith.constant 22 : i32
      %swap3A_815 = arith.index_cast %swap3A_814 : i32 to index
      %swap3A_816 = arith.index_cast %add3A_41 : i32 to index
      %swap3A_817 = tpu.vector_load %arg13[%swap3A_815, %swap3A_816] {strides = array<i32>} : memref<32x512xf32, #tpu.memory_space<vmem>>, vector<16xf32>,
      tpu.vector_store %arg13[%swap3A_815, %swap3A_816], %sub3A_808 {strides = array<i32>} : memref<32x512xf32, #tpu.memory_space<vmem>>, vector<16xf32>,
      %swap3A_818 = arith.constant 22 : i32
      %swap3A_819 = arith.index_cast %swap3A_818 : i32 to index
      %swap3A_820 = arith.index_cast %add3A_41 : i32 to index
      %swap3A_821 = tpu.vector_load %arg14[%swap3A_819, %swap3A_820] {strides = array<i32>} : memref<32x512xf32, #tpu.memory_space<vmem>>, vector<16xf32>,
      tpu.vector_store %arg14[%swap3A_819, %swap3A_820], %sub3A_813 {strides = array<i32>} : memref<32x512xf32, #tpu.memory_space<vmem>>, vector<16xf32>,
      %mul3A_822 = arith.mulf %sub3A_808, %sub3A_813 : vector<16xf32>
      %add3A_823 = arith.addf %add3A_803, %mul3A_822 : vector<16xf32>
      %get3A_824 = arith.constant 23 : i32
      %get3A_825 = arith.index_cast %get3A_824 : i32 to index
      %get3A_826 = arith.index_cast %add3A_41 : i32 to index
      %get3A_827 = tpu.vector_load %arg13[%get3A_825, %get3A_826] {strides = array<i32>} : memref<32x512xf32, #tpu.memory_space<vmem>>, vector<16xf32>,
      %sub3A_828 = arith.subf %get3A_827, %mul3A_361 : vector<16xf32>
      %get3A_829 = arith.constant 23 : i32
      %get3A_830 = arith.index_cast %get3A_829 : i32 to index
      %get3A_831 = arith.index_cast %add3A_41 : i32 to index
      %get3A_832 = tpu.vector_load %arg14[%get3A_830, %get3A_831] {strides = array<i32>} : memref<32x512xf32, #tpu.memory_space<vmem>>, vector<16xf32>,
      %sub3A_833 = arith.subf %get3A_832, %mul3A_364 : vector<16xf32>
      %swap3A_834 = arith.constant 23 : i32
      %swap3A_835 = arith.index_cast %swap3A_834 : i32 to index
      %swap3A_836 = arith.index_cast %add3A_41 : i32 to index
      %swap3A_837 = tpu.vector_load %arg13[%swap3A_835, %swap3A_836] {strides = array<i32>} : memref<32x512xf32, #tpu.memory_space<vmem>>, vector<16xf32>,
      tpu.vector_store %arg13[%swap3A_835, %swap3A_836], %sub3A_828 {strides = array<i32>} : memref<32x512xf32, #tpu.memory_space<vmem>>, vector<16xf32>,
      %swap3A_838 = arith.constant 23 : i32
      %swap3A_839 = arith.index_cast %swap3A_838 : i32 to index
      %swap3A_840 = arith.index_cast %add3A_41 : i32 to index
      %swap3A_841 = tpu.vector_load %arg14[%swap3A_839, %swap3A_840] {strides = array<i32>} : memref<32x512xf32, #tpu.memory_space<vmem>>, vector<16xf32>,
      tpu.vector_store %arg14[%swap3A_839, %swap3A_840], %sub3A_833 {strides = array<i32>} : memref<32x512xf32, #tpu.memory_space<vmem>>, vector<16xf32>,
      %mul3A_842 = arith.mulf %sub3A_828, %sub3A_833 : vector<16xf32>
      %add3A_843 = arith.addf %add3A_823, %mul3A_842 : vector<16xf32>
      %get3A_844 = arith.constant 24 : i32
      %get3A_845 = arith.index_cast %get3A_844 : i32 to index
      %get3A_846 = arith.index_cast %add3A_41 : i32 to index
      %get3A_847 = tpu.vector_load %arg13[%get3A_845, %get3A_846] {strides = array<i32>} : memref<32x512xf32, #tpu.memory_space<vmem>>, vector<16xf32>,
      %sub3A_848 = arith.subf %get3A_847, %mul3A_361 : vector<16xf32>
      %get3A_849 = arith.constant 24 : i32
      %get3A_850 = arith.index_cast %get3A_849 : i32 to index
      %get3A_851 = arith.index_cast %add3A_41 : i32 to index
      %get3A_852 = tpu.vector_load %arg14[%get3A_850, %get3A_851] {strides = array<i32>} : memref<32x512xf32, #tpu.memory_space<vmem>>, vector<16xf32>,
      %sub3A_853 = arith.subf %get3A_852, %mul3A_364 : vector<16xf32>
      %swap3A_854 = arith.constant 24 : i32
      %swap3A_855 = arith.index_cast %swap3A_854 : i32 to index
      %swap3A_856 = arith.index_cast %add3A_41 : i32 to index
      %swap3A_857 = tpu.vector_load %arg13[%swap3A_855, %swap3A_856] {strides = array<i32>} : memref<32x512xf32, #tpu.memory_space<vmem>>, vector<16xf32>,
      tpu.vector_store %arg13[%swap3A_855, %swap3A_856], %sub3A_848 {strides = array<i32>} : memref<32x512xf32, #tpu.memory_space<vmem>>, vector<16xf32>,
      %swap3A_858 = arith.constant 24 : i32
      %swap3A_859 = arith.index_cast %swap3A_858 : i32 to index
      %swap3A_860 = arith.index_cast %add3A_41 : i32 to index
      %swap3A_861 = tpu.vector_load %arg14[%swap3A_859, %swap3A_860] {strides = array<i32>} : memref<32x512xf32, #tpu.memory_space<vmem>>, vector<16xf32>,
      tpu.vector_store %arg14[%swap3A_859, %swap3A_860], %sub3A_853 {strides = array<i32>} : memref<32x512xf32, #tpu.memory_space<vmem>>, vector<16xf32>,
      %mul3A_862 = arith.mulf %sub3A_848, %sub3A_853 : vector<16xf32>
      %add3A_863 = arith.addf %add3A_843, %mul3A_862 : vector<16xf32>
      %get3A_864 = arith.constant 25 : i32
      %get3A_865 = arith.index_cast %get3A_864 : i32 to index
      %get3A_866 = arith.index_cast %add3A_41 : i32 to index
      %get3A_867 = tpu.vector_load %arg13[%get3A_865, %get3A_866] {strides = array<i32>} : memref<32x512xf32, #tpu.memory_space<vmem>>, vector<16xf32>,
      %sub3A_868 = arith.subf %get3A_867, %mul3A_361 : vector<16xf32>
      %get3A_869 = arith.constant 25 : i32
      %get3A_870 = arith.index_cast %get3A_869 : i32 to index
      %get3A_871 = arith.index_cast %add3A_41 : i32 to index
      %get3A_872 = tpu.vector_load %arg14[%get3A_870, %get3A_871] {strides = array<i32>} : memref<32x512xf32, #tpu.memory_space<vmem>>, vector<16xf32>,
      %sub3A_873 = arith.subf %get3A_872, %mul3A_364 : vector<16xf32>
      %swap3A_874 = arith.constant 25 : i32
      %swap3A_875 = arith.index_cast %swap3A_874 : i32 to index
      %swap3A_876 = arith.index_cast %add3A_41 : i32 to index
      %swap3A_877 = tpu.vector_load %arg13[%swap3A_875, %swap3A_876] {strides = array<i32>} : memref<32x512xf32, #tpu.memory_space<vmem>>, vector<16xf32>,
      tpu.vector_store %arg13[%swap3A_875, %swap3A_876], %sub3A_868 {strides = array<i32>} : memref<32x512xf32, #tpu.memory_space<vmem>>, vector<16xf32>,
      %swap3A_878 = arith.constant 25 : i32
      %swap3A_879 = arith.index_cast %swap3A_878 : i32 to index
      %swap3A_880 = arith.index_cast %add3A_41 : i32 to index
      %swap3A_881 = tpu.vector_load %arg14[%swap3A_879, %swap3A_880] {strides = array<i32>} : memref<32x512xf32, #tpu.memory_space<vmem>>, vector<16xf32>,
      tpu.vector_store %arg14[%swap3A_879, %swap3A_880], %sub3A_873 {strides = array<i32>} : memref<32x512xf32, #tpu.memory_space<vmem>>, vector<16xf32>,
      %mul3A_882 = arith.mulf %sub3A_868, %sub3A_873 : vector<16xf32>
      %add3A_883 = arith.addf %add3A_863, %mul3A_882 : vector<16xf32>
      %get3A_884 = arith.constant 26 : i32
      %get3A_885 = arith.index_cast %get3A_884 : i32 to index
      %get3A_886 = arith.index_cast %add3A_41 : i32 to index
      %get3A_887 = tpu.vector_load %arg13[%get3A_885, %get3A_886] {strides = array<i32>} : memref<32x512xf32, #tpu.memory_space<vmem>>, vector<16xf32>,
      %sub3A_888 = arith.subf %get3A_887, %mul3A_361 : vector<16xf32>
      %get3A_889 = arith.constant 26 : i32
      %get3A_890 = arith.index_cast %get3A_889 : i32 to index
      %get3A_891 = arith.index_cast %add3A_41 : i32 to index
      %get3A_892 = tpu.vector_load %arg14[%get3A_890, %get3A_891] {strides = array<i32>} : memref<32x512xf32, #tpu.memory_space<vmem>>, vector<16xf32>,
      %sub3A_893 = arith.subf %get3A_892, %mul3A_364 : vector<16xf32>
      %swap3A_894 = arith.constant 26 : i32
      %swap3A_895 = arith.index_cast %swap3A_894 : i32 to index
      %swap3A_896 = arith.index_cast %add3A_41 : i32 to index
      %swap3A_897 = tpu.vector_load %arg13[%swap3A_895, %swap3A_896] {strides = array<i32>} : memref<32x512xf32, #tpu.memory_space<vmem>>, vector<16xf32>,
      tpu.vector_store %arg13[%swap3A_895, %swap3A_896], %sub3A_888 {strides = array<i32>} : memref<32x512xf32, #tpu.memory_space<vmem>>, vector<16xf32>,
      %swap3A_898 = arith.constant 26 : i32
      %swap3A_899 = arith.index_cast %swap3A_898 : i32 to index
      %swap3A_900 = arith.index_cast %add3A_41 : i32 to index
      %swap3A_901 = tpu.vector_load %arg14[%swap3A_899, %swap3A_900] {strides = array<i32>} : memref<32x512xf32, #tpu.memory_space<vmem>>, vector<16xf32>,
      tpu.vector_store %arg14[%swap3A_899, %swap3A_900], %sub3A_893 {strides = array<i32>} : memref<32x512xf32, #tpu.memory_space<vmem>>, vector<16xf32>,
      %mul3A_902 = arith.mulf %sub3A_888, %sub3A_893 : vector<16xf32>
      %add3A_903 = arith.addf %add3A_883, %mul3A_902 : vector<16xf32>
      %get3A_904 = arith.constant 27 : i32
      %get3A_905 = arith.index_cast %get3A_904 : i32 to index
      %get3A_906 = arith.index_cast %add3A_41 : i32 to index
      %get3A_907 = tpu.vector_load %arg13[%get3A_905, %get3A_906] {strides = array<i32>} : memref<32x512xf32, #tpu.memory_space<vmem>>, vector<16xf32>,
      %sub3A_908 = arith.subf %get3A_907, %mul3A_361 : vector<16xf32>
      %get3A_909 = arith.constant 27 : i32
      %get3A_910 = arith.index_cast %get3A_909 : i32 to index
      %get3A_911 = arith.index_cast %add3A_41 : i32 to index
      %get3A_912 = tpu.vector_load %arg14[%get3A_910, %get3A_911] {strides = array<i32>} : memref<32x512xf32, #tpu.memory_space<vmem>>, vector<16xf32>,
      %sub3A_913 = arith.subf %get3A_912, %mul3A_364 : vector<16xf32>
      %swap3A_914 = arith.constant 27 : i32
      %swap3A_915 = arith.index_cast %swap3A_914 : i32 to index
      %swap3A_916 = arith.index_cast %add3A_41 : i32 to index
      %swap3A_917 = tpu.vector_load %arg13[%swap3A_915, %swap3A_916] {strides = array<i32>} : memref<32x512xf32, #tpu.memory_space<vmem>>, vector<16xf32>,
      tpu.vector_store %arg13[%swap3A_915, %swap3A_916], %sub3A_908 {strides = array<i32>} : memref<32x512xf32, #tpu.memory_space<vmem>>, vector<16xf32>,
      %swap3A_918 = arith.constant 27 : i32
      %swap3A_919 = arith.index_cast %swap3A_918 : i32 to index
      %swap3A_920 = arith.index_cast %add3A_41 : i32 to index
      %swap3A_921 = tpu.vector_load %arg14[%swap3A_919, %swap3A_920] {strides = array<i32>} : memref<32x512xf32, #tpu.memory_space<vmem>>, vector<16xf32>,
      tpu.vector_store %arg14[%swap3A_919, %swap3A_920], %sub3A_913 {strides = array<i32>} : memref<32x512xf32, #tpu.memory_space<vmem>>, vector<16xf32>,
      %mul3A_922 = arith.mulf %sub3A_908, %sub3A_913 : vector<16xf32>
      %add3A_923 = arith.addf %add3A_903, %mul3A_922 : vector<16xf32>
      %get3A_924 = arith.constant 28 : i32
      %get3A_925 = arith.index_cast %get3A_924 : i32 to index
      %get3A_926 = arith.index_cast %add3A_41 : i32 to index
      %get3A_927 = tpu.vector_load %arg13[%get3A_925, %get3A_926] {strides = array<i32>} : memref<32x512xf32, #tpu.memory_space<vmem>>, vector<16xf32>,
      %sub3A_928 = arith.subf %get3A_927, %mul3A_361 : vector<16xf32>
      %get3A_929 = arith.constant 28 : i32
      %get3A_930 = arith.index_cast %get3A_929 : i32 to index
      %get3A_931 = arith.index_cast %add3A_41 : i32 to index
      %get3A_932 = tpu.vector_load %arg14[%get3A_930, %get3A_931] {strides = array<i32>} : memref<32x512xf32, #tpu.memory_space<vmem>>, vector<16xf32>,
      %sub3A_933 = arith.subf %get3A_932, %mul3A_364 : vector<16xf32>
      %swap3A_934 = arith.constant 28 : i32
      %swap3A_935 = arith.index_cast %swap3A_934 : i32 to index
      %swap3A_936 = arith.index_cast %add3A_41 : i32 to index
      %swap3A_937 = tpu.vector_load %arg13[%swap3A_935, %swap3A_936] {strides = array<i32>} : memref<32x512xf32, #tpu.memory_space<vmem>>, vector<16xf32>,
      tpu.vector_store %arg13[%swap3A_935, %swap3A_936], %sub3A_928 {strides = array<i32>} : memref<32x512xf32, #tpu.memory_space<vmem>>, vector<16xf32>,
      %swap3A_938 = arith.constant 28 : i32
      %swap3A_939 = arith.index_cast %swap3A_938 : i32 to index
      %swap3A_940 = arith.index_cast %add3A_41 : i32 to index
      %swap3A_941 = tpu.vector_load %arg14[%swap3A_939, %swap3A_940] {strides = array<i32>} : memref<32x512xf32, #tpu.memory_space<vmem>>, vector<16xf32>,
      tpu.vector_store %arg14[%swap3A_939, %swap3A_940], %sub3A_933 {strides = array<i32>} : memref<32x512xf32, #tpu.memory_space<vmem>>, vector<16xf32>,
      %mul3A_942 = arith.mulf %sub3A_928, %sub3A_933 : vector<16xf32>
      %add3A_943 = arith.addf %add3A_923, %mul3A_942 : vector<16xf32>
      %get3A_944 = arith.constant 29 : i32
      %get3A_945 = arith.index_cast %get3A_944 : i32 to index
      %get3A_946 = arith.index_cast %add3A_41 : i32 to index
      %get3A_947 = tpu.vector_load %arg13[%get3A_945, %get3A_946] {strides = array<i32>} : memref<32x512xf32, #tpu.memory_space<vmem>>, vector<16xf32>,
      %sub3A_948 = arith.subf %get3A_947, %mul3A_361 : vector<16xf32>
      %get3A_949 = arith.constant 29 : i32
      %get3A_950 = arith.index_cast %get3A_949 : i32 to index
      %get3A_951 = arith.index_cast %add3A_41 : i32 to index
      %get3A_952 = tpu.vector_load %arg14[%get3A_950, %get3A_951] {strides = array<i32>} : memref<32x512xf32, #tpu.memory_space<vmem>>, vector<16xf32>,
      %sub3A_953 = arith.subf %get3A_952, %mul3A_364 : vector<16xf32>
      %swap3A_954 = arith.constant 29 : i32
      %swap3A_955 = arith.index_cast %swap3A_954 : i32 to index
      %swap3A_956 = arith.index_cast %add3A_41 : i32 to index
      %swap3A_957 = tpu.vector_load %arg13[%swap3A_955, %swap3A_956] {strides = array<i32>} : memref<32x512xf32, #tpu.memory_space<vmem>>, vector<16xf32>,
      tpu.vector_store %arg13[%swap3A_955, %swap3A_956], %sub3A_948 {strides = array<i32>} : memref<32x512xf32, #tpu.memory_space<vmem>>, vector<16xf32>,
      %swap3A_958 = arith.constant 29 : i32
      %swap3A_959 = arith.index_cast %swap3A_958 : i32 to index
      %swap3A_960 = arith.index_cast %add3A_41 : i32 to index
      %swap3A_961 = tpu.vector_load %arg14[%swap3A_959, %swap3A_960] {strides = array<i32>} : memref<32x512xf32, #tpu.memory_space<vmem>>, vector<16xf32>,
      tpu.vector_store %arg14[%swap3A_959, %swap3A_960], %sub3A_953 {strides = array<i32>} : memref<32x512xf32, #tpu.memory_space<vmem>>, vector<16xf32>,
      %mul3A_962 = arith.mulf %sub3A_948, %sub3A_953 : vector<16xf32>
      %add3A_963 = arith.addf %add3A_943, %mul3A_962 : vector<16xf32>
      %get3A_964 = arith.constant 30 : i32
      %get3A_965 = arith.index_cast %get3A_964 : i32 to index
      %get3A_966 = arith.index_cast %add3A_41 : i32 to index
      %get3A_967 = tpu.vector_load %arg13[%get3A_965, %get3A_966] {strides = array<i32>} : memref<32x512xf32, #tpu.memory_space<vmem>>, vector<16xf32>,
      %sub3A_968 = arith.subf %get3A_967, %mul3A_361 : vector<16xf32>
      %get3A_969 = arith.constant 30 : i32
      %get3A_970 = arith.index_cast %get3A_969 : i32 to index
      %get3A_971 = arith.index_cast %add3A_41 : i32 to index
      %get3A_972 = tpu.vector_load %arg14[%get3A_970, %get3A_971] {strides = array<i32>} : memref<32x512xf32, #tpu.memory_space<vmem>>, vector<16xf32>,
      %sub3A_973 = arith.subf %get3A_972, %mul3A_364 : vector<16xf32>
      %swap3A_974 = arith.constant 30 : i32
      %swap3A_975 = arith.index_cast %swap3A_974 : i32 to index
      %swap3A_976 = arith.index_cast %add3A_41 : i32 to index
      %swap3A_977 = tpu.vector_load %arg13[%swap3A_975, %swap3A_976] {strides = array<i32>} : memref<32x512xf32, #tpu.memory_space<vmem>>, vector<16xf32>,
      tpu.vector_store %arg13[%swap3A_975, %swap3A_976], %sub3A_968 {strides = array<i32>} : memref<32x512xf32, #tpu.memory_space<vmem>>, vector<16xf32>,
      %swap3A_978 = arith.constant 30 : i32
      %swap3A_979 = arith.index_cast %swap3A_978 : i32 to index
      %swap3A_980 = arith.index_cast %add3A_41 : i32 to index
      %swap3A_981 = tpu.vector_load %arg14[%swap3A_979, %swap3A_980] {strides = array<i32>} : memref<32x512xf32, #tpu.memory_space<vmem>>, vector<16xf32>,
      tpu.vector_store %arg14[%swap3A_979, %swap3A_980], %sub3A_973 {strides = array<i32>} : memref<32x512xf32, #tpu.memory_space<vmem>>, vector<16xf32>,
      %mul3A_982 = arith.mulf %sub3A_968, %sub3A_973 : vector<16xf32>
      %add3A_983 = arith.addf %add3A_963, %mul3A_982 : vector<16xf32>
      %get3A_984 = arith.constant 31 : i32
      %get3A_985 = arith.index_cast %get3A_984 : i32 to index
      %get3A_986 = arith.index_cast %add3A_41 : i32 to index
      %get3A_987 = tpu.vector_load %arg13[%get3A_985, %get3A_986] {strides = array<i32>} : memref<32x512xf32, #tpu.memory_space<vmem>>, vector<16xf32>,
      %sub3A_988 = arith.subf %get3A_987, %mul3A_361 : vector<16xf32>
      %get3A_989 = arith.constant 31 : i32
      %get3A_990 = arith.index_cast %get3A_989 : i32 to index
      %get3A_991 = arith.index_cast %add3A_41 : i32 to index
      %get3A_992 = tpu.vector_load %arg14[%get3A_990, %get3A_991] {strides = array<i32>} : memref<32x512xf32, #tpu.memory_space<vmem>>, vector<16xf32>,
      %sub3A_993 = arith.subf %get3A_992, %mul3A_364 : vector<16xf32>
      %swap3A_994 = arith.constant 31 : i32
      %swap3A_995 = arith.index_cast %swap3A_994 : i32 to index
      %swap3A_996 = arith.index_cast %add3A_41 : i32 to index
      %swap3A_997 = tpu.vector_load %arg13[%swap3A_995, %swap3A_996] {strides = array<i32>} : memref<32x512xf32, #tpu.memory_space<vmem>>, vector<16xf32>,
      tpu.vector_store %arg13[%swap3A_995, %swap3A_996], %sub3A_988 {strides = array<i32>} : memref<32x512xf32, #tpu.memory_space<vmem>>, vector<16xf32>,
      %swap3A_998 = arith.constant 31 : i32
      %swap3A_999 = arith.index_cast %swap3A_998 : i32 to index
      %swap3A_1000 = arith.index_cast %add3A_41 : i32 to index
      %swap3A_1001 = tpu.vector_load %arg14[%swap3A_999, %swap3A_1000] {strides = array<i32>} : memref<32x512xf32, #tpu.memory_space<vmem>>, vector<16xf32>,
      tpu.vector_store %arg14[%swap3A_999, %swap3A_1000], %sub3A_993 {strides = array<i32>} : memref<32x512xf32, #tpu.memory_space<vmem>>, vector<16xf32>,
      %mul3A_1002 = arith.mulf %sub3A_988, %sub3A_993 : vector<16xf32>
      %add3A_1003 = arith.addf %add3A_983, %mul3A_1002 : vector<16xf32>
      %swap3A_1004 = arith.index_cast %add3A_41 : i32 to index
      %swap3A_1005 = tpu.vector_load %arg15[%swap3A_1004] {strides = array<i32>} : memref<512xf32, #tpu.memory_space<vmem>>, vector<16xf32>,
      tpu.vector_store %arg15[%swap3A_1004], %add3A_1003 {strides = array<i32>} : memref<512xf32, #tpu.memory_space<vmem>>, vector<16xf32>,
    }
    %scan3A_36 = arith.constant 32 : i32
    "tpu.region"() ({
      %run_scoped3A = tpu.sem_alloc : memref<!tpu.dma_semaphore, #tpu.memory_space<semaphore_mem>>
      %dma_start3A_37 = arith.constant 0 : i32
      %dma_start3A_38 = tpu.memref_slice %arg7[%dma_start3A_37, %mul3A_2] : memref<32x16384xf32, #tpu.memory_space<hbm>> -> memref<32x512xf32, #tpu.memory_space<hbm>>
      %dma_start3A_39 = arith.constant 0 : i32
      %dma_start3A_40 = tpu.memref_slice %arg7[%dma_start3A_39, %mul3A_2] : memref<32x16384xf32, #tpu.memory_space<hbm>> -> memref<32x512xf32, #tpu.memory_space<hbm>>
      tpu.enqueue_dma source(%arg13 : memref<32x512xf32, #tpu.memory_space<vmem>>) target(%dma_start3A_40 : memref<32x512xf32, #tpu.memory_space<hbm>>) target_semaphore(%run_scoped3A : memref<!tpu.dma_semaphore, #tpu.memory_space<semaphore_mem>>)
      %dma_wait3A_41 = arith.constant 0 : i32
      %dma_wait3A_42 = tpu.memref_slice %arg7[%dma_wait3A_41, %mul3A_2] : memref<32x16384xf32, #tpu.memory_space<hbm>> -> memref<32x512xf32, #tpu.memory_space<hbm>>
      %dma_wait3A_43 = arith.constant 0 : i32
      %dma_wait3A_44 = tpu.memref_slice %arg7[%dma_wait3A_43, %mul3A_2] : memref<32x16384xf32, #tpu.memory_space<hbm>> -> memref<32x512xf32, #tpu.memory_space<hbm>>
      tpu.wait_dma2 semaphore(%run_scoped3A : memref<!tpu.dma_semaphore, #tpu.memory_space<semaphore_mem>>) src(%arg13 : memref<32x512xf32, #tpu.memory_space<vmem>>) dst(%dma_wait3A_44 : memref<32x512xf32, #tpu.memory_space<hbm>>)
      tpu.yield
    }) : () -> ()
    "tpu.region"() ({
      %run_scoped3A = tpu.sem_alloc : memref<!tpu.dma_semaphore, #tpu.memory_space<semaphore_mem>>
      %dma_start3A_37 = arith.constant 0 : i32
      %dma_start3A_38 = tpu.memref_slice %arg8[%dma_start3A_37, %mul3A_2] : memref<32x16384xf32, #tpu.memory_space<hbm>> -> memref<32x512xf32, #tpu.memory_space<hbm>>
      %dma_start3A_39 = arith.constant 0 : i32
      %dma_start3A_40 = tpu.memref_slice %arg8[%dma_start3A_39, %mul3A_2] : memref<32x16384xf32, #tpu.memory_space<hbm>> -> memref<32x512xf32, #tpu.memory_space<hbm>>
      tpu.enqueue_dma source(%arg14 : memref<32x512xf32, #tpu.memory_space<vmem>>) target(%dma_start3A_40 : memref<32x512xf32, #tpu.memory_space<hbm>>) target_semaphore(%run_scoped3A : memref<!tpu.dma_semaphore, #tpu.memory_space<semaphore_mem>>)
      %dma_wait3A_41 = arith.constant 0 : i32
      %dma_wait3A_42 = tpu.memref_slice %arg8[%dma_wait3A_41, %mul3A_2] : memref<32x16384xf32, #tpu.memory_space<hbm>> -> memref<32x512xf32, #tpu.memory_space<hbm>>
      %dma_wait3A_43 = arith.constant 0 : i32
      %dma_wait3A_44 = tpu.memref_slice %arg8[%dma_wait3A_43, %mul3A_2] : memref<32x16384xf32, #tpu.memory_space<hbm>> -> memref<32x512xf32, #tpu.memory_space<hbm>>
      tpu.wait_dma2 semaphore(%run_scoped3A : memref<!tpu.dma_semaphore, #tpu.memory_space<semaphore_mem>>) src(%arg14 : memref<32x512xf32, #tpu.memory_space<vmem>>) dst(%dma_wait3A_44 : memref<32x512xf32, #tpu.memory_space<hbm>>)
      tpu.yield
    }) : () -> ()
    "tpu.region"() ({
      %run_scoped3A = tpu.sem_alloc : memref<!tpu.dma_semaphore, #tpu.memory_space<semaphore_mem>>
      %dma_start3A_37 = tpu.memref_slice %arg6[%mul3A_2] : memref<16384xf32, #tpu.memory_space<hbm>> -> memref<512xf32, #tpu.memory_space<hbm>>
      %dma_start3A_38 = tpu.memref_slice %arg6[%mul3A_2] : memref<16384xf32, #tpu.memory_space<hbm>> -> memref<512xf32, #tpu.memory_space<hbm>>
      tpu.enqueue_dma source(%arg15 : memref<512xf32, #tpu.memory_space<vmem>>) target(%dma_start3A_38 : memref<512xf32, #tpu.memory_space<hbm>>) target_semaphore(%run_scoped3A : memref<!tpu.dma_semaphore, #tpu.memory_space<semaphore_mem>>)
      %dma_wait3A_39 = tpu.memref_slice %arg6[%mul3A_2] : memref<16384xf32, #tpu.memory_space<hbm>> -> memref<512xf32, #tpu.memory_space<hbm>>
      %dma_wait3A_40 = tpu.memref_slice %arg6[%mul3A_2] : memref<16384xf32, #tpu.memory_space<hbm>> -> memref<512xf32, #tpu.memory_space<hbm>>
      tpu.wait_dma2 semaphore(%run_scoped3A : memref<!tpu.dma_semaphore, #tpu.memory_space<semaphore_mem>>) src(%arg15 : memref<512xf32, #tpu.memory_space<vmem>>) dst(%dma_wait3A_40 : memref<512xf32, #tpu.memory_space<hbm>>)
      tpu.yield
    }) : () -> ()
    return
  }
}

module attributes {stable_mosaic.version = 14 : i64} {
  func.func @_tc_pack_body(%arg0: i32, %arg1: memref<32x4096xf32, #tpu.memory_space<vmem>>, %arg2: memref<1024x128xf32, #tpu.memory_space<vmem>>) attributes {dimension_semantics = [#tpu.dimension_semantics<arbitrary>], iteration_bounds = array<i64: 245>, scalar_prefetch = 0 : i64, scratch_operands = 0 : i64, tpu.core_type = #tpu.core_type<tc>, window_params = [{transform_indices = @transform_0, window_bounds = array<i64: 32, 4096>}, {transform_indices = @transform_1, window_bounds = array<i64: 1024, 128>}]} {
    %get3A = arith.constant 0 : index
    %get3A_0 = arith.constant 0 : index
    %get3A_1 = vector.load %arg1[%get3A, %get3A_0] : memref<32x4096xf32, #tpu.memory_space<vmem>>, vector<32x4096xf32>
    %slice3A = vector.extract_strided_slice %get3A_1 {offsets = [0, 0], sizes = [32, 1024], strides = [1, 1]} : vector<32x4096xf32> to vector<32x1024xf32>
    %transpose3A = tpu.transpose %slice3A, [1, 0] : vector<32x1024xf32> -> vector<1024x32xf32>
    %slice3A_2 = vector.extract_strided_slice %get3A_1 {offsets = [0, 1024], sizes = [32, 1024], strides = [1, 1]} : vector<32x4096xf32> to vector<32x1024xf32>
    %transpose3A_3 = tpu.transpose %slice3A_2, [1, 0] : vector<32x1024xf32> -> vector<1024x32xf32>
    %slice3A_4 = vector.extract_strided_slice %get3A_1 {offsets = [0, 2048], sizes = [32, 1024], strides = [1, 1]} : vector<32x4096xf32> to vector<32x1024xf32>
    %transpose3A_5 = tpu.transpose %slice3A_4, [1, 0] : vector<32x1024xf32> -> vector<1024x32xf32>
    %slice3A_6 = vector.extract_strided_slice %get3A_1 {offsets = [0, 3072], sizes = [32, 1024], strides = [1, 1]} : vector<32x4096xf32> to vector<32x1024xf32>
    %transpose3A_7 = tpu.transpose %slice3A_6, [1, 0] : vector<32x1024xf32> -> vector<1024x32xf32>
    %concatenate3A = tpu.concatenate %transpose3A, %transpose3A_3, %transpose3A_5, %transpose3A_7 in 1 : vector<1024x32xf32>, vector<1024x32xf32>, vector<1024x32xf32>, vector<1024x32xf32> -> vector<1024x128xf32>
    %swap3A = arith.constant 0 : index
    %swap3A_8 = arith.constant 0 : index
    %swap3A_9 = vector.load %arg2[%swap3A, %swap3A_8] : memref<1024x128xf32, #tpu.memory_space<vmem>>, vector<1024x128xf32>
    tpu.vector_store %arg2[%swap3A, %swap3A_8], %concatenate3A {strides = array<i32>} : memref<1024x128xf32, #tpu.memory_space<vmem>>, vector<1024x128xf32>,
    return
  }
  func.func @transform_0(%arg0: i32) -> (i32, i32) {
    %c0_i32 = arith.constant 0 : i32
    %c0_i32_0 = arith.constant 0 : i32
    return %c0_i32, %arg0 : i32, i32
  }
  func.func @transform_1(%arg0: i32) -> (i32, i32) {
    %c0_i32 = arith.constant 0 : i32
    %c0_i32_0 = arith.constant 0 : i32
    return %arg0, %c0_i32 : i32, i32
  }
}

</mosaic_0001>

<sc_bundles>
// kernel: kernel.5.cloned.1.call-start
scs
__scs_entry_jumppad:
0x0: {  	(pc) =	sbr.rel $0x88, $3  }
0x1: {  	(tag) =	ssettag $0x0;
	lr =	simm.s32 $0x1  }
0x2: {  	[smem:$0x3F9E] =	sst lr;
	_ =	strace $0xD0000000  }
0x3: {  	_ = 	snop  }
0x4: {  	_ = 	snop  }
0x5: {  	_ = 	snop  }
0x6: {  	_ = 	snop  }
0x7: {  	_ = 	snop  }
__scs_overlays_trampoline_lowered:
0x8: {  	[smem:$0x3FAD] =	sst s0  }
0x9: {  	[smem:$0x3FAE] =	sst s1  }
0xa: {  	[smem:$0x3FAF] =	sst s2  }
0xb: {  	[smem:$0x3FB0] =	sst s3  }
0xc: {  	[smem:$0x3FB1] =	sst s4  }
0xd: {  	[smem:$0x3FB2] =	sst s5  }
0xe: {  	[smem:$0x3FB3] =	sst s6  }
0xf: {  	[smem:$0x3FB4] =	sst s7  }
0x10: {  	[smem:$0x3FB5] =	sst s8  }
0x11: {  	[smem:$0x3FB6] =	sst s9;
	s0 =	simm.s32 @!p0 $0x0  }
0x12: {  	s1 =	sld [smem:$0x3F9C];
	s0 =	simm.s32 @p0 $0x1  }
0x13: {  	[smem:$0x3FB7] =	sst s0;
	s0 =	simm.s32 @!p1 $0x0  }
0x14: {  	s2 =	sld [smem:$0x3F9B];
	s0 =	simm.s32 @p1 $0x1  }
0x15: {  	[smem:$0x3FB8] =	sst s0;
	s0 =	simm.s32 @!p2 $0x0  }
0x16: {  	s3 =	sld [smem:$0x3FDB];
	s0 =	simm.s32 @p2 $0x1  }
0x17: {  	s4 =	simm.s32 $0x1BF5;
	[smem:$0x3FBA] =	sst s0  }
0x18: {  	s0 =	sld [smem:$0x3F9D];
	_ =	swait.ge [sflag:s4], $0x0  }
0x19: {  	s7 =	sld [smem:$0x3F9E]  }
0x1a: {  	s8 =	sadd.s32 $0xFFFFE003, lr  }
0x1b: {  	s9 =	sadd.s32 $0xFFFFFEF7, lr;
	s5 =	simm.s32 $0xFFFFFFFF;
	p2 =	slt.u32 s8, $0xFFFFF086  }
0x1c: {  	p1 =	slt.u32 s9, $0xF7A;
	s5 =	simm.s32 @!p2 $0x0  }
0x1d: {  	s5 =	simm.s32 @p1 $0x1;
	p0 =	seq.s32 s7, s2  }
0x1e: {  	s7 =	smul.u32 @!p0 $0xF7A, s2;
	p2 =	seq.s32 @!p0 s5, $0x0  }
0x1f: {  	s9 =	smul.u32 $0xF7A, s1;
	s8 =	simm.s32 @!p0 $0x1BF5;
	p2 =	por !p2, p0  }
0x20: {  	[sflag:s8] =	ssyncset.s32 @!p0 $0xFFFFF086;
	s6 =	sadd.s32 @!p0 s3, s7;
	s7 =	simm.s32 @!p0 $0x108  }
0x21: {  	s3 =	sadd.s32 s3, s9;
	s6 =	sadd.s32 @!p0 $0x88, s6;
	s7 =	simm.s32 @p2 $0x1082  }
0x22: {  	[simem:s7], [sflag:s8] =	dma.local @!p0 [hbm:s6], $0xF7A  }
0x23: {  	s9 =	sor.u32 $0xD0000000, s2;
	s6 =	simm.s32 $0x108;
	_ =	swait.ge @!p0 [sflag:s8], $0x0  }
0x24: {  	s3 =	sadd.s32 $0x88, s3;
	s6 =	simm.s32 @!p1 $0x1082;
	[sflag:s4] =	ssyncset.s32 $0xFFFFF086  }
0x25: {  	[simem:s6], [sflag:s4] =	dma.local [hbm:s3], $0xF7A  }
0x26: {  	[smem:$0x3F9E] =	sst s1;
	(tag) =	ssettag s2;
	_ =	strace s9  }
0x27: {  	s1 =	sld [smem:$0x3FAE]  }
0x28: {  	s2 =	sld [smem:$0x3FAF]  }
0x29: {  	s4 =	sld [smem:$0x3FB1]  }
0x2a: {  	p0 =	seq.s32 s5, $0x0;
	s5 =	sld [smem:$0x3FB2]  }
0x2b: {  	s6 =	sld [smem:$0x3FB3]  }
0x2c: {  	s7 =	sld [smem:$0x3FB4]  }
0x2d: {  	s3 =	simm.s32 $0x108;
	s8 =	sld [smem:$0x3FB5]  }
0x2e: {  	s3 =	simm.s32 @!p0 $0x1082;
	s9 =	sld [smem:$0x3FB6]  }
0x2f: {  	lr =	sadd.s32 s0, s3;
	s0 =	sld [smem:$0x3FAD]  }
0x30: {  	s3 =	sld [smem:$0x3FB0]  }
0x31: {  	[smem:$0x3FB9] =	sst s10  }
0x32: {  	s10 =	sld [smem:$0x3FB7];
	_ =	sdelay $0x3  }
0x33: {  	p0 =	seq.s32 s10, $0x1;
	s10 =	sld [smem:$0x3FB9];
	_ =	sdelay $0x3  }
0x34: {  	[smem:$0x3FB9] =	sst s10  }
0x35: {  	s10 =	sld [smem:$0x3FB8];
	_ =	sdelay $0x3  }
0x36: {  	p1 =	seq.s32 s10, $0x1;
	s10 =	sld [smem:$0x3FB9];
	_ =	sdelay $0x3  }
0x37: {  	[smem:$0x3FB9] =	sst s10  }
0x38: {  	s10 =	sld [smem:$0x3FBA]  }
0x39: {  	_ = 	snop;
	(pc) =	sbr.ind lr, $3  }
0x3a: {  	_ = 	snop  }
0x3b: {  	_ = 	snop  }
0x3c: {  	p2 =	seq.s32 s10, $0x1;
	s10 =	sld [smem:$0x3FB9]  }
0x3d: {  	_ =	shalt  }
0x3e: {  	_ =	shalt  }
0x3f: {  	_ =	shalt  }
0x40: {  	_ =	shalt  }
0x41: {  	_ =	shalt  }
0x42: {  	_ =	shalt  }
0x43: {  	_ =	shalt  }
0x44: {  	_ =	shalt  }
0x45: {  	_ =	shalt  }
0x46: {  	_ =	shalt  }
0x47: {  	_ =	shalt  }
0x48: {  	_ =	shalt  }
0x49: {  	_ =	shalt  }
0x4a: {  	_ =	shalt  }
0x4b: {  	_ =	shalt  }
0x4c: {  	_ =	shalt  }
0x4d: {  	_ =	shalt  }
0x4e: {  	_ =	shalt  }
0x4f: {  	_ =	shalt  }
0x50: {  	_ =	shalt  }
0x51: {  	_ =	shalt  }
0x52: {  	_ =	shalt  }
0x53: {  	_ =	shalt  }
0x54: {  	_ =	shalt  }
0x55: {  	_ =	shalt  }
0x56: {  	_ =	shalt  }
0x57: {  	_ =	shalt  }
0x58: {  	_ =	shalt  }
0x59: {  	_ =	shalt  }
0x5a: {  	_ =	shalt  }
0x5b: {  	_ =	shalt  }
0x5c: {  	_ =	shalt  }
0x5d: {  	_ =	shalt  }
0x5e: {  	_ =	shalt  }
0x5f: {  	_ =	shalt  }
0x60: {  	_ =	shalt  }
0x61: {  	_ =	shalt  }
0x62: {  	_ =	shalt  }
0x63: {  	_ =	shalt  }
0x64: {  	_ =	shalt  }
0x65: {  	_ =	shalt  }
0x66: {  	_ =	shalt  }
0x67: {  	_ =	shalt  }
0x68: {  	_ =	shalt  }
0x69: {  	_ =	shalt  }
0x6a: {  	_ =	shalt  }
0x6b: {  	_ =	shalt  }
0x6c: {  	_ =	shalt  }
0x6d: {  	_ =	shalt  }
0x6e: {  	_ =	shalt  }
0x6f: {  	_ =	shalt  }
0x70: {  	_ =	shalt  }
0x71: {  	_ =	shalt  }
0x72: {  	_ =	shalt  }
0x73: {  	_ =	shalt  }
0x74: {  	_ =	shalt  }
0x75: {  	_ =	shalt  }
0x76: {  	_ =	shalt  }
0x77: {  	_ =	shalt  }
0x78: {  	_ =	shalt  }
0x79: {  	_ =	shalt  }
0x7a: {  	_ =	shalt  }
0x7b: {  	_ =	shalt  }
0x7c: {  	_ =	shalt  }
0x7d: {  	_ =	shalt  }
0x7e: {  	_ =	shalt  }
0x7f: {  	_ =	shalt  }
0x80: {  	_ =	shalt  }
0x81: {  	_ =	shalt  }
0x82: {  	_ =	shalt  }
0x83: {  	_ =	shalt  }
0x84: {  	_ =	shalt  }
0x85: {  	_ =	shalt  }
0x86: {  	_ =	shalt  }
0x87: {  	_ =	shalt  }
.Lfunc_end0:
.L_simem_size_0:
called_computation_lowered:
.L_overlay_start_0:
0x88: {  	s2 =	sld [smem:$0x3FD9]  }
0x89: {  	s3 =	sld [smem:$0x3FFE];
	_ =	sdelay $0x1  }
0x8a: {  	s1 =	srdreg.scid  }
0x8b: {  	s0 =	sand.u32 $0x1, s1  }
0x8c: {  	s14 =	sshll.u32 s0, $0xA;
	s2 =	sadd.s32 s3, s2  }
0x8d: {  	s2 =	sadd.s32 s2, s14  }
0x8e: {  	[smem:$0x3FC5] =	sst s2  }
0x8f: {  	_ = 	snop  }
0x90: {  	s2 =	sld [smem:$0x3FD0];
	_ =	sdelay $0x2  }
0x91: {  	s15 =	simm.s32 $0xA;
	s4 =	simm.s32 $0x10  }
0x92: {  	[smem:s4], [sflag:s15] =	dma.local [hbm:s2], $0x1  }
0x93: {  	_ =	swait.eq [sflag:s15], $0x1  }
0x94: {  	s16 =	sld [smem:$0x10];
	[sflag:s15] =	ssyncset.done $0x0  }
0x95: {  	s17 =	sld [smem:$0x11];
	[sflag:s15] =	ssyncadd.s32 $0xFFFFFFFF  }
0x96: {  	s18 =	sld [smem:$0x12];
	(tm) =	ssettm $0x1  }
0x97: {  	s5 =	sld [smem:$0x3FFB];
	_ =	sdelay $0x3  }
0x98: {  	_ =	strace s5  }
0x99: {  	s5 =	sld [smem:$0x3FFC];
	_ =	sdelay $0x3  }
0x9a: {  	_ =	strace s5  }
0x9b: {  	s5 =	sld [smem:$0x3FFD];
	_ =	sdelay $0x3  }
0x9c: {  	_ =	strace s5  }
0x9d: {  	_ =	strace $0x8FFFFFFF  }
0x9e: {  	s19 =	sld [smem:$0x3FDB];
	_ =	sdelay $0x1  }
0x9f: {  	s6 =	simm.s32 $_scs_section_size  }
0xa0: {  	s7 =	simm.s32 $_size__tile_overlayer_lowered;
	s8 =	simm.s32 $_tile_overlayer_lowered  }
0xa1: {  	s22 =	simm.s32 $0x1BFF;
	s21 =	sshll.u32 s8, $0x1;
	s5 =	sadd.s32 s6, s19  }
0xa2: {  	s9 =	simm.s32 $0x0;
	s20 =	sshll.u32 s7, $0x1;
	s7 =	sadd.s32 s21, s5  }
0xa3: {  	[timem:s9], [sflag:s22] =	dma.local [hbm:s7], s20  }
0xa4: {  	_ =	swait.ge [sflag:s22], s20  }
0xa5: {  	s6 =	ssub.s32 $0x0, s20;
	[sflag:s22] =	ssyncset.done $0x0  }
0xa6: {  	[sflag:s22] =	ssyncadd.s32 s6;
	_ =	sdelay $0x1  }
0xa7: {  	s23 =	simm.s32 $0x1B8B  }
0xa8: {  	_ =	swait.ge [sflag:s23], $0x1  }
0xa9: {  	[sflag:s23] =	ssyncset.done $0x0  }
0xaa: {  	s25 =	simm.s32 $0x1B8E;
	s24 =	sld [smem:$0x3FFE];
	[sflag:s23] =	ssyncadd.s32 $0xFFFFFFFF  }
0xab: {  	s26 =	simm.s32 $execute0_lowered;
	[smem:$0x3FD2] =	sst s25  }
0xac: {  	s7 =	sshll.u32 s26, $0x1;
	_ =	strace $0x80000046;
	[dreg:$0x1] =	wrdreg $0xFFFFFFFF  }
0xad: {  	s28 =	simm.s32 $_size_execute0_lowered;
	s5 =	sadd.s32 s5, s7;
	[dreg:$0x0] =	wrdreg $0x0  }
0xae: {  	s7 =	sshll.u32 s28, $0x1;
	[dreg:$0x2] =	wrdreg s5  }
0xaf: {  	[dreg:$0x3] =	wrdreg s7  }
0xb0: {  	[dreg:$0x4] =	wrdreg $0xC0  }
0xb1: {  	_ =	task [dreg:s9], $0x5FFFF  }
0xb2: {  	[dreg:$0x1] =	wrdreg $0xFFFFFFFF  }
0xb3: {  	[dreg:$0x0] =	wrdreg $0x60  }
0xb4: {  	[dreg:$0x2] =	wrdreg s24  }
0xb5: {  	[dreg:$0x3] =	wrdreg s16  }
0xb6: {  	[dreg:$0x4] =	wrdreg s17  }
0xb7: {  	[dreg:$0x5] =	wrdreg s18  }
0xb8: {  	[dreg:$0x6] =	wrdreg $0x9  }
0xb9: {  	_ =	task.clear_ibuf [dreg:s9], $0x7FFFF;
	_ =	strace $0x90000046  }
0xba: {  	s29 =	simm.s32 $0x9;
	_ =	strace $0x80000048  }
0xbb: {  	_ =	swait.ge [sflag:s29], $0x1  }
0xbc: {  	[sflag:s29] =	ssyncadd.s32 $0xFFFFFFFF  }
0xbd: {  	_ =	strace $0x90000048  }
0xbe: {  	_ =	sfence  }
0xbf: {  	s30 =	sld [smem:$0x0];
	_ =	sdelay $0x2  }
0xc0: {  	s31 =	sshll.u32 s1, $0xD;
	s1 =	sshrl.u32 s1, $0x2  }
0xc1: {  	s3 =	sand.u32 $0x4000, s31;
	s1 =	sadd.s32 s1, s30  }
0xc2: {  	s0 =	sor.u32 s3, s0;
	s1 =	sshll.u32 s1, $0x11  }
0xc3: {  	s0 =	sor.u32 s1, s0  }
0xc4: {  	s0 =	sadd.s32 $0x8F2B, s0  }
0xc5: {  	[sflag:s0] =	ssyncadd.remote.s32 $0x1  }
0xc6: {  	_ =	sfence.sel $0xFFFF  }
0xc7: {  	[dreg:$0x0] =	wrdreg $0xFFFFFFFF;
	(pc) =	sbr.abs _section_cstart, $3  }
0xc8: {  	[dreg:$0x1] =	wrdreg $0xFFFFFFFF  }
0xc9: {  	_ =	task.clear_ibuf [dreg:s9], $0x2FFFF;
	_ =	strace $0x9FFFFFFF  }
0xca: {  	(tm) =	ssettm $0x7FFFFFFF  }
0xcb: {  	_ =	shalt  }
tec
execute0_lowered:
.L_overlay_start_1:
0x0: {  	(tag) =	ssettag $0x1  }
0x1: {  	s0 =	rddreg [dreg:$0x0]  }
0x2: {  	s1 =	rddreg [dreg:$0x1]  }
0x3: {  	s7 =	rddreg [dreg:$0x2]  }
0x4: {  	s8 =	rddreg [dreg:$0x3]  }
0x5: {  	s2 =	srdreg.scid;
	s4 =	stileid.u32  }
0x6: {  	s12 =	simm.s32 $0x200;
	s13 =	simm.s32 $0x400;
	s14 =	simm.s32 $0x1  }
0x7: {  	s15 =	simm.s32 $0x1000;
	s16 =	simm.s32 $0x20000;
	s17 =	simm.s32 $0x10400  }
0x8: {  	s18 =	simm.s32 $0x14400;
	s19 =	simm.s32 $0x18400;
	s20 =	simm.s32 $0x0  }
0x9: {  	s3 =	sand.u32 $0x1, s2;
	s2 =	simm.s32 $0x0;
	s4 =	sshll.u32 s4, $0xA  }
0xa: {  	s5 =	sshll.u32 s3, $0x9;
	[smem:$0x7FF] =	sst s2;
	s30 =	ssub.s32 $0x2, s3  }
0xb: {  	s3 =	sadd.s32 $0x1A00, s0;
	s9 =	sor.u32 s5, s4;
	_ =	strace $0x80000047  }
0xc: {  	s11 =	sshrl.u32 s30, $0x1;
	s4 =	sadd.s32 $0x3D5A00, s0;
	s10 =	sshrl.u32 s9, $0x3  }
0xd: {  	s31 =	ssub.s32 s30, s11;
	s7 =	sadd.s32 s7, s9;
	s8 =	sadd.s32 s8, s9  }
0xe: {  	v0 =	vlaneseq.u32;
	s11 =	simm.s32 $0x2;
	s6 =	sadd.s32 s10, s0;
	s9 =	sadd.s32 s1, s10  }
0xf: {  	v0 =	vmul.u32 $0x80, v0;
	s10 =	smax.u32 s31, $0x1;
	s5 =	sadd.s32 $0x1200, s6;
	s6 =	sadd.s32 $0xA00, s6  }
.LBB2_1:
0x10: {  	[tilespmem:s2], [sflag:$0x2] =	stream.linear.gather [hbm4b:s5+s2], $0x200, $0x38;
	[tilespmem:$0x18600] =	vst v63  }
0x11: {  	_ =	swait.ge [sflag:s11], $0x200  }
0x12: {  	[sflag:s11] =	ssyncset.done $0x0  }
0x13: {  	s0 =	simm.s32 $0x0;
	[sflag:s11] =	ssyncadd.s32 $0xFFFFFE00  }
0x14: {  	s1 =	simm.s32 $0x40;
	v1 =	vld [tilespmem:s0+$0x0]  }
.LBB2_2:
0x15: {  	_ =	sdelay $0x1  }
0x16: {  	p0 =	sne.s32 s1, $0x7C0  }
.Ltmp0:
0x17: {  	_ = 	snop;
	(pc) =	sbr.rel @p0 .LBB2_2-.Ltmp0, $4  }
0x18: {  	v2 =	vshrl.u32 v1, $0x2  }
0x19: {  	v3 =	vand.u32 $0x3FF, v1;
	v2 =	vand.u32 $0x3FFFFC00, v2  }
0x1a: {  	s21 =	sshra.s32 s1, $0x2;
	v2 =	vor.u32 v3, v2  }
0x1b: {  	s1 =	sadd.s32 $0x40, s1;
	v1 =	vld [tilespmem:s21+$0x0];
	[tilespmem:s0+$0x200] =	vst v2;
	s0 =	smov.u32 s21  }
0x1c: {  	_ =	sdelay $0x3  }
0x1d: {  	v2 =	vshrl.u32 v1, $0x2  }
0x1e: {  	v1 =	vand.u32 $0x3FF, v1;
	v2 =	vand.u32 $0x3FFFFC00, v2  }
0x1f: {  	v1 =	vor.u32 v1, v2  }
0x20: {  	[tilespmem:s0+$0x200] =	vst v1  }
0x21: {  	[tilespmem:s13], [sflag:$0x1] =	stream.indirect.gather [hbm4b:s3+s12], $0x80, s12, s12, $0xb8;
	[tilespmem:$0x18600] =	vst v63  }
0x22: {  	_ =	swait.ge [sflag:s14], $0x10000  }
0x23: {  	[sflag:s14] =	ssyncset.done $0x0  }
0x24: {  	s21 =	simm.s32 $0x0;
	[sflag:s14] =	ssyncadd.s32 $0xFFFF0000  }
0x25: {  	v1 =	vld [tilespmem:s21+$0x0];
	_ =	sdelay $0x3  }
0x26: {  	v2 =	vmov s21  }
0x27: {  	v2 =	vshll.u32 v2, $0x7;
	v1 =	vshrl.u32 v1, $0x5  }
0x28: {  	v2 =	vor.u32 v0, v2;
	v1 =	vand.u32 $0x60, v1  }
0x29: {  	v1 =	vor.u32 v2, v1;
	_ =	sdelay $0x4  }
0x2a: {  	v2 =	vld.idx.msk [tilespmem:v1+s13+$0x0], $0xffff  }
0x2b: {  	v3 =	vor.u32 $0x1, v1;
	_ =	sdelay $0x1  }
0x2c: {  	s30 =	sand.u32 $0x70, s21;
	s1 =	sand.u32 $0xC00, s21  }
0x2d: {  	s22 =	sor.u32 s30, s1  }
0x2e: {  	[tilespmem:s22+$0x10400] =	vst v2  }
0x2f: {  	v2 =	vld.idx.msk [tilespmem:v3+s13+$0x0], $0xffff  }
0x30: {  	v3 =	vor.u32 $0x2, v1;
	_ =	sdelay $0x2  }
0x31: {  	s0 =	sadd.s32 $0x10400, s22  }
0x32: {  	[tilespmem:s0+$0x80] =	vst v2  }
0x33: {  	v2 =	vld.idx.msk [tilespmem:v3+s13+$0x0], $0xffff  }
0x34: {  	v3 =	vor.u32 $0x3, v1;
	_ =	sdelay $0x3  }
0x35: {  	[tilespmem:s0+$0x100] =	vst v2  }
0x36: {  	v2 =	vld.idx.msk [tilespmem:v3+s13+$0x0], $0xffff  }
0x37: {  	v3 =	vor.u32 $0x4, v1;
	_ =	sdelay $0x3  }
0x38: {  	[tilespmem:s0+$0x180] =	vst v2  }
0x39: {  	v2 =	vld.idx.msk [tilespmem:v3+s13+$0x0], $0xffff  }
0x3a: {  	v3 =	vor.u32 $0x5, v1;
	_ =	sdelay $0x3  }
0x3b: {  	[tilespmem:s0+$0x200] =	vst v2  }
0x3c: {  	v2 =	vld.idx.msk [tilespmem:v3+s13+$0x0], $0xffff  }
0x3d: {  	v3 =	vor.u32 $0x6, v1;
	_ =	sdelay $0x3  }
0x3e: {  	[tilespmem:s0+$0x280] =	vst v2  }
0x3f: {  	v2 =	vld.idx.msk [tilespmem:v3+s13+$0x0], $0xffff  }
0x40: {  	v3 =	vor.u32 $0x7, v1;
	_ =	sdelay $0x3  }
0x41: {  	[tilespmem:s0+$0x300] =	vst v2  }
0x42: {  	v2 =	vld.idx.msk [tilespmem:v3+s13+$0x0], $0xffff  }
0x43: {  	v3 =	vor.u32 $0x8, v1;
	_ =	sdelay $0x1  }
0x44: {  	s31 =	sor.u32 s21, s21  }
0x45: {  	s0 =	sor.u32 $0x380, s31  }
0x46: {  	[tilespmem:s0+$0x10400] =	vst v2  }
0x47: {  	v2 =	vld.idx.msk [tilespmem:v3+s13+$0x0], $0xffff  }
0x48: {  	v3 =	vor.u32 $0x9, v1;
	_ =	sdelay $0x3  }
0x49: {  	[tilespmem:s22+$0x11400] =	vst v2  }
0x4a: {  	v2 =	vld.idx.msk [tilespmem:v3+s13+$0x0], $0xffff  }
0x4b: {  	v3 =	vor.u32 $0xA, v1;
	_ =	sdelay $0x3  }
0x4c: {  	[tilespmem:s22+$0x11480] =	vst v2  }
0x4d: {  	v2 =	vld.idx.msk [tilespmem:v3+s13+$0x0], $0xffff  }
0x4e: {  	v3 =	vor.u32 $0xB, v1;
	_ =	sdelay $0x3  }
0x4f: {  	[tilespmem:s22+$0x11500] =	vst v2  }
0x50: {  	v2 =	vld.idx.msk [tilespmem:v3+s13+$0x0], $0xffff  }
0x51: {  	v3 =	vor.u32 $0xC, v1;
	_ =	sdelay $0x3  }
0x52: {  	[tilespmem:s22+$0x11580] =	vst v2  }
0x53: {  	v2 =	vld.idx.msk [tilespmem:v3+s13+$0x0], $0xffff  }
0x54: {  	v3 =	vor.u32 $0xD, v1;
	_ =	sdelay $0x3  }
0x55: {  	[tilespmem:s22+$0x11600] =	vst v2  }
0x56: {  	v2 =	vld.idx.msk [tilespmem:v3+s13+$0x0], $0xffff  }
0x57: {  	v3 =	vor.u32 $0xE, v1;
	_ =	sdelay $0x3  }
0x58: {  	[tilespmem:s22+$0x11680] =	vst v2  }
0x59: {  	v2 =	vld.idx.msk [tilespmem:v3+s13+$0x0], $0xffff  }
0x5a: {  	v3 =	vor.u32 $0xF, v1;
	_ =	sdelay $0x3  }
0x5b: {  	[tilespmem:s22+$0x11700] =	vst v2  }
0x5c: {  	v2 =	vld.idx.msk [tilespmem:v3+s13+$0x0], $0xffff  }
0x5d: {  	v3 =	vor.u32 $0x10, v1;
	_ =	sdelay $0x3  }
0x5e: {  	[tilespmem:s22+$0x11780] =	vst v2  }
0x5f: {  	v2 =	vld.idx.msk [tilespmem:v3+s13+$0x0], $0xffff  }
0x60: {  	v3 =	vor.u32 $0x11, v1;
	_ =	sdelay $0x3  }
0x61: {  	[tilespmem:s22+$0x12400] =	vst v2  }
0x62: {  	v2 =	vld.idx.msk [tilespmem:v3+s13+$0x0], $0xffff  }
0x63: {  	v3 =	vor.u32 $0x12, v1;
	_ =	sdelay $0x3  }
0x64: {  	[tilespmem:s22+$0x12480] =	vst v2  }
0x65: {  	v2 =	vld.idx.msk [tilespmem:v3+s13+$0x0], $0xffff  }
0x66: {  	v3 =	vor.u32 $0x13, v1;
	_ =	sdelay $0x3  }
0x67: {  	[tilespmem:s22+$0x12500] =	vst v2  }
0x68: {  	v2 =	vld.idx.msk [tilespmem:v3+s13+$0x0], $0xffff  }
0x69: {  	v3 =	vor.u32 $0x14, v1;
	_ =	sdelay $0x3  }
0x6a: {  	[tilespmem:s22+$0x12580] =	vst v2  }
0x6b: {  	v2 =	vld.idx.msk [tilespmem:v3+s13+$0x0], $0xffff  }
0x6c: {  	v3 =	vor.u32 $0x15, v1;
	_ =	sdelay $0x3  }
0x6d: {  	[tilespmem:s22+$0x12600] =	vst v2  }
0x6e: {  	v2 =	vld.idx.msk [tilespmem:v3+s13+$0x0], $0xffff  }
0x6f: {  	v3 =	vor.u32 $0x16, v1;
	_ =	sdelay $0x3  }
0x70: {  	[tilespmem:s22+$0x12680] =	vst v2  }
0x71: {  	v2 =	vld.idx.msk [tilespmem:v3+s13+$0x0], $0xffff  }
0x72: {  	v3 =	vor.u32 $0x17, v1;
	_ =	sdelay $0x3  }
0x73: {  	[tilespmem:s22+$0x12700] =	vst v2  }
0x74: {  	v2 =	vld.idx.msk [tilespmem:v3+s13+$0x0], $0xffff  }
0x75: {  	v3 =	vor.u32 $0x18, v1;
	_ =	sdelay $0x3  }
0x76: {  	[tilespmem:s22+$0x12780] =	vst v2  }
0x77: {  	v2 =	vld.idx.msk [tilespmem:v3+s13+$0x0], $0xffff  }
0x78: {  	v3 =	vor.u32 $0x19, v1;
	_ =	sdelay $0x3  }
0x79: {  	[tilespmem:s22+$0x13400] =	vst v2  }
0x7a: {  	v2 =	vld.idx.msk [tilespmem:v3+s13+$0x0], $0xffff  }
0x7b: {  	v3 =	vor.u32 $0x1A, v1;
	_ =	sdelay $0x3  }
0x7c: {  	[tilespmem:s22+$0x13480] =	vst v2  }
0x7d: {  	v2 =	vld.idx.msk [tilespmem:v3+s13+$0x0], $0xffff  }
0x7e: {  	v3 =	vor.u32 $0x1B, v1;
	_ =	sdelay $0x3  }
0x7f: {  	[tilespmem:s22+$0x13500] =	vst v2  }
0x80: {  	v2 =	vld.idx.msk [tilespmem:v3+s13+$0x0], $0xffff  }
0x81: {  	v3 =	vor.u32 $0x1C, v1;
	_ =	sdelay $0x3  }
0x82: {  	[tilespmem:s22+$0x13580] =	vst v2  }
0x83: {  	v2 =	vld.idx.msk [tilespmem:v3+s13+$0x0], $0xffff  }
0x84: {  	v3 =	vor.u32 $0x1D, v1;
	_ =	sdelay $0x3  }
0x85: {  	[tilespmem:s22+$0x13600] =	vst v2  }
0x86: {  	v2 =	vld.idx.msk [tilespmem:v3+s13+$0x0], $0xffff  }
0x87: {  	v3 =	vor.u32 $0x1E, v1;
	_ =	sdelay $0x3  }
0x88: {  	[tilespmem:s22+$0x13680] =	vst v2  }
0x89: {  	v2 =	vld.idx.msk [tilespmem:v3+s13+$0x0], $0xffff  }
0x8a: {  	v1 =	vor.u32 $0x1F, v1;
	_ =	sdelay $0x3  }
0x8b: {  	[tilespmem:s22+$0x13700] =	vst v2  }
0x8c: {  	s23 =	simm.s32 $0x10;
	s24 =	simm.s32 $0x0;
	v1 =	vld.idx.msk [tilespmem:v1+s13+$0x0], $0xffff  }
.LBB2_4:
0x8d: {  	_ =	sdelay $0x3  }
0x8e: {  	p0 =	sne.s32 s23, $0x1F0;
	s21 =	sadd.s32 $0x80, s21;
	s24 =	sadd.s32 $0x10, s24;
	[tilespmem:s22+$0x13780] =	vst v1  }
0x8f: {  	s0 =	smov.u32 s23;
	s23 =	sadd.s32 $0x10, s23;
	v1 =	vld [tilespmem:s24+$0x0];
	_ =	sdelay $0x3  }
0x90: {  	v2 =	vmov s0  }
0x91: {  	v2 =	vshll.u32 v2, $0x7;
	v1 =	vshrl.u32 v1, $0x5  }
0x92: {  	v2 =	vor.u32 v0, v2;
	v1 =	vand.u32 $0x60, v1  }
0x93: {  	v1 =	vor.u32 v2, v1;
	_ =	sdelay $0x4  }
0x94: {  	v2 =	vld.idx.msk [tilespmem:v1+s13+$0x0], $0xffff;
	_ =	sdelay $0x1  }
0x95: {  	v3 =	vor.u32 $0x1, v1;
	_ =	sdelay $0x1  }
0x96: {  	s1 =	sand.u32 $0x70, s0;
	s22 =	sand.u32 $0xC00, s21  }
0x97: {  	s22 =	sor.u32 s1, s22  }
0x98: {  	[tilespmem:s22+$0x10400] =	vst v2  }
0x99: {  	v2 =	vld.idx.msk [tilespmem:v3+s13+$0x0], $0xffff;
	_ =	sdelay $0x1  }
0x9a: {  	v3 =	vor.u32 $0x2, v1;
	_ =	sdelay $0x2  }
0x9b: {  	s1 =	sadd.s32 $0x10400, s22  }
0x9c: {  	[tilespmem:s1+$0x80] =	vst v2  }
0x9d: {  	v2 =	vld.idx.msk [tilespmem:v3+s13+$0x0], $0xffff;
	_ =	sdelay $0x1  }
0x9e: {  	v3 =	vor.u32 $0x3, v1;
	_ =	sdelay $0x3  }
0x9f: {  	[tilespmem:s1+$0x100] =	vst v2  }
0xa0: {  	v2 =	vld.idx.msk [tilespmem:v3+s13+$0x0], $0xffff;
	_ =	sdelay $0x1  }
0xa1: {  	v3 =	vor.u32 $0x4, v1;
	_ =	sdelay $0x3  }
0xa2: {  	[tilespmem:s1+$0x180] =	vst v2  }
0xa3: {  	v2 =	vld.idx.msk [tilespmem:v3+s13+$0x0], $0xffff;
	_ =	sdelay $0x1  }
0xa4: {  	v3 =	vor.u32 $0x5, v1;
	_ =	sdelay $0x3  }
0xa5: {  	[tilespmem:s1+$0x200] =	vst v2  }
0xa6: {  	v2 =	vld.idx.msk [tilespmem:v3+s13+$0x0], $0xffff;
	_ =	sdelay $0x1  }
0xa7: {  	v3 =	vor.u32 $0x6, v1;
	_ =	sdelay $0x3  }
0xa8: {  	[tilespmem:s1+$0x280] =	vst v2  }
0xa9: {  	v2 =	vld.idx.msk [tilespmem:v3+s13+$0x0], $0xffff;
	_ =	sdelay $0x1  }
0xaa: {  	v3 =	vor.u32 $0x7, v1;
	_ =	sdelay $0x3  }
0xab: {  	[tilespmem:s1+$0x300] =	vst v2  }
0xac: {  	v2 =	vld.idx.msk [tilespmem:v3+s13+$0x0], $0xffff;
	_ =	sdelay $0x1  }
0xad: {  	v3 =	vor.u32 $0x8, v1;
	_ =	sdelay $0x1  }
0xae: {  	s0 =	sor.u32 s21, s0  }
0xaf: {  	s0 =	sor.u32 $0x380, s0  }
0xb0: {  	[tilespmem:s0+$0x10400] =	vst v2  }
0xb1: {  	v2 =	vld.idx.msk [tilespmem:v3+s13+$0x0], $0xffff;
	_ =	sdelay $0x1  }
0xb2: {  	v3 =	vor.u32 $0x9, v1;
	_ =	sdelay $0x3  }
0xb3: {  	[tilespmem:s22+$0x11400] =	vst v2  }
0xb4: {  	v2 =	vld.idx.msk [tilespmem:v3+s13+$0x0], $0xffff;
	_ =	sdelay $0x1  }
0xb5: {  	v3 =	vor.u32 $0xA, v1;
	_ =	sdelay $0x3  }
0xb6: {  	[tilespmem:s22+$0x11480] =	vst v2  }
0xb7: {  	v2 =	vld.idx.msk [tilespmem:v3+s13+$0x0], $0xffff;
	_ =	sdelay $0x1  }
0xb8: {  	v3 =	vor.u32 $0xB, v1;
	_ =	sdelay $0x3  }
0xb9: {  	[tilespmem:s22+$0x11500] =	vst v2  }
0xba: {  	v2 =	vld.idx.msk [tilespmem:v3+s13+$0x0], $0xffff;
	_ =	sdelay $0x1  }
0xbb: {  	v3 =	vor.u32 $0xC, v1;
	_ =	sdelay $0x3  }
0xbc: {  	[tilespmem:s22+$0x11580] =	vst v2  }
0xbd: {  	v2 =	vld.idx.msk [tilespmem:v3+s13+$0x0], $0xffff;
	_ =	sdelay $0x1  }
0xbe: {  	v3 =	vor.u32 $0xD, v1;
	_ =	sdelay $0x3  }
0xbf: {  	[tilespmem:s22+$0x11600] =	vst v2  }
0xc0: {  	v2 =	vld.idx.msk [tilespmem:v3+s13+$0x0], $0xffff;
	_ =	sdelay $0x1  }
0xc1: {  	v3 =	vor.u32 $0xE, v1;
	_ =	sdelay $0x3  }
0xc2: {  	[tilespmem:s22+$0x11680] =	vst v2  }
0xc3: {  	v2 =	vld.idx.msk [tilespmem:v3+s13+$0x0], $0xffff;
	_ =	sdelay $0x1  }
0xc4: {  	v3 =	vor.u32 $0xF, v1;
	_ =	sdelay $0x3  }
0xc5: {  	[tilespmem:s22+$0x11700] =	vst v2  }
0xc6: {  	v2 =	vld.idx.msk [tilespmem:v3+s13+$0x0], $0xffff;
	_ =	sdelay $0x1  }
0xc7: {  	v3 =	vor.u32 $0x10, v1;
	_ =	sdelay $0x3  }
0xc8: {  	[tilespmem:s22+$0x11780] =	vst v2  }
0xc9: {  	v2 =	vld.idx.msk [tilespmem:v3+s13+$0x0], $0xffff;
	_ =	sdelay $0x1  }
0xca: {  	v3 =	vor.u32 $0x11, v1;
	_ =	sdelay $0x3  }
0xcb: {  	[tilespmem:s22+$0x12400] =	vst v2  }
0xcc: {  	v2 =	vld.idx.msk [tilespmem:v3+s13+$0x0], $0xffff;
	_ =	sdelay $0x1  }
0xcd: {  	v3 =	vor.u32 $0x12, v1;
	_ =	sdelay $0x3  }
0xce: {  	[tilespmem:s22+$0x12480] =	vst v2  }
0xcf: {  	v2 =	vld.idx.msk [tilespmem:v3+s13+$0x0], $0xffff;
	_ =	sdelay $0x1  }
0xd0: {  	v3 =	vor.u32 $0x13, v1;
	_ =	sdelay $0x3  }
0xd1: {  	[tilespmem:s22+$0x12500] =	vst v2  }
0xd2: {  	v2 =	vld.idx.msk [tilespmem:v3+s13+$0x0], $0xffff;
	_ =	sdelay $0x1  }
0xd3: {  	v3 =	vor.u32 $0x14, v1;
	_ =	sdelay $0x3  }
0xd4: {  	[tilespmem:s22+$0x12580] =	vst v2  }
0xd5: {  	v2 =	vld.idx.msk [tilespmem:v3+s13+$0x0], $0xffff;
	_ =	sdelay $0x1  }
0xd6: {  	v3 =	vor.u32 $0x15, v1;
	_ =	sdelay $0x3  }
0xd7: {  	[tilespmem:s22+$0x12600] =	vst v2  }
0xd8: {  	v2 =	vld.idx.msk [tilespmem:v3+s13+$0x0], $0xffff;
	_ =	sdelay $0x1  }
0xd9: {  	v3 =	vor.u32 $0x16, v1;
	_ =	sdelay $0x3  }
0xda: {  	[tilespmem:s22+$0x12680] =	vst v2  }
0xdb: {  	v2 =	vld.idx.msk [tilespmem:v3+s13+$0x0], $0xffff;
	_ =	sdelay $0x1  }
0xdc: {  	v3 =	vor.u32 $0x17, v1;
	_ =	sdelay $0x3  }
0xdd: {  	[tilespmem:s22+$0x12700] =	vst v2  }
0xde: {  	v2 =	vld.idx.msk [tilespmem:v3+s13+$0x0], $0xffff;
	_ =	sdelay $0x1  }
0xdf: {  	v3 =	vor.u32 $0x18, v1;
	_ =	sdelay $0x3  }
0xe0: {  	[tilespmem:s22+$0x12780] =	vst v2  }
0xe1: {  	v2 =	vld.idx.msk [tilespmem:v3+s13+$0x0], $0xffff;
	_ =	sdelay $0x1  }
0xe2: {  	v3 =	vor.u32 $0x19, v1;
	_ =	sdelay $0x3  }
0xe3: {  	[tilespmem:s22+$0x13400] =	vst v2  }
0xe4: {  	v2 =	vld.idx.msk [tilespmem:v3+s13+$0x0], $0xffff;
	_ =	sdelay $0x1  }
0xe5: {  	v3 =	vor.u32 $0x1A, v1;
	_ =	sdelay $0x3  }
0xe6: {  	[tilespmem:s22+$0x13480] =	vst v2  }
0xe7: {  	v2 =	vld.idx.msk [tilespmem:v3+s13+$0x0], $0xffff;
	_ =	sdelay $0x1  }
0xe8: {  	v3 =	vor.u32 $0x1B, v1;
	_ =	sdelay $0x3  }
0xe9: {  	[tilespmem:s22+$0x13500] =	vst v2  }
0xea: {  	v2 =	vld.idx.msk [tilespmem:v3+s13+$0x0], $0xffff;
	_ =	sdelay $0x1  }
0xeb: {  	v3 =	vor.u32 $0x1C, v1;
	_ =	sdelay $0x3  }
0xec: {  	[tilespmem:s22+$0x13580] =	vst v2  }
0xed: {  	v2 =	vld.idx.msk [tilespmem:v3+s13+$0x0], $0xffff;
	_ =	sdelay $0x1  }
0xee: {  	v3 =	vor.u32 $0x1D, v1;
	_ =	sdelay $0x3  }
0xef: {  	[tilespmem:s22+$0x13600] =	vst v2  }
0xf0: {  	v2 =	vld.idx.msk [tilespmem:v3+s13+$0x0], $0xffff;
	_ =	sdelay $0x1  }
0xf1: {  	v3 =	vor.u32 $0x1E, v1;
	_ =	sdelay $0x3  }
0xf2: {  	[tilespmem:s22+$0x13680] =	vst v2  }
0xf3: {  	v2 =	vld.idx.msk [tilespmem:v3+s13+$0x0], $0xffff;
	_ =	sdelay $0x1  }
0xf4: {  	v1 =	vor.u32 $0x1F, v1  }
.Ltmp1:
0xf5: {  	(pc) =	sbr.rel @p0 .LBB2_4-.Ltmp1, $3  }
0xf6: {  	_ =	sdelay $0x1  }
0xf7: {  	[tilespmem:s22+$0x13700] =	vst v2  }
0xf8: {  	v1 =	vld.idx.msk [tilespmem:v1+s13+$0x0], $0xffff  }
0xf9: {  	_ =	sdelay $0x3  }
0xfa: {  	s0 =	simm.s32 $0x0;
	[tilespmem:s22+$0x13780] =	vst v1  }
0xfb: {  	[tilespmem:s0], [sflag:$0x2] =	stream.linear.gather [hbm4b:s6+s0], $0x200, $0x38;
	[tilespmem:$0x18600] =	vst v63  }
0xfc: {  	_ =	swait.ge [sflag:s11], $0x200  }
0xfd: {  	[sflag:s11] =	ssyncset.done $0x0  }
0xfe: {  	s0 =	simm.s32 $0x0;
	[sflag:s11] =	ssyncadd.s32 $0xFFFFFE00  }
0xff: {  	s1 =	simm.s32 $0x40;
	v1 =	vld [tilespmem:s0+$0x0]  }
.LBB2_6:
0x100: {  	_ =	sdelay $0x1  }
0x101: {  	p0 =	sne.s32 s1, $0x7C0  }
.Ltmp2:
0x102: {  	_ = 	snop;
	(pc) =	sbr.rel @p0 .LBB2_6-.Ltmp2, $4  }
0x103: {  	v2 =	vshrl.u32 v1, $0x2  }
0x104: {  	v3 =	vand.u32 $0x3FF, v1;
	v2 =	vand.u32 $0x3FFFFC00, v2  }
0x105: {  	s21 =	sshra.s32 s1, $0x2;
	v2 =	vor.u32 v3, v2  }
0x106: {  	s1 =	sadd.s32 $0x40, s1;
	v1 =	vld [tilespmem:s21+$0x0];
	[tilespmem:s0+$0x200] =	vst v2;
	s0 =	smov.u32 s21  }
0x107: {  	_ =	sdelay $0x3  }
0x108: {  	v2 =	vshrl.u32 v1, $0x2  }
0x109: {  	v1 =	vand.u32 $0x3FF, v1;
	v2 =	vand.u32 $0x3FFFFC00, v2  }
0x10a: {  	v1 =	vor.u32 v1, v2  }
0x10b: {  	[tilespmem:s0+$0x200] =	vst v1  }
0x10c: {  	[tilespmem:s13], [sflag:$0x1] =	stream.indirect.gather [hbm4b:s4+s12], $0x80, s12, s12, $0xb8;
	[tilespmem:$0x18600] =	vst v63  }
0x10d: {  	_ =	swait.ge [sflag:s14], $0x10000  }
0x10e: {  	s21 =	simm.s32 $0x0;
	s1 =	simm.s32 $0x0;
	[sflag:s14] =	ssyncset.done $0x0  }
0x10f: {  	s22 =	simm.s32 $0x0;
	s0 =	simm.s32 $0x0;
	[sflag:s14] =	ssyncadd.s32 $0xFFFF0000  }
.LBB2_8:
0x110: {  	v1 =	vld [tilespmem:s0+$0x0];
	_ =	sdelay $0x3  }
0x111: {  	v2 =	vmov s22  }
0x112: {  	v2 =	vshll.u32 v2, $0x7;
	v1 =	vshrl.u32 v1, $0x5  }
0x113: {  	v2 =	vor.u32 v0, v2;
	v1 =	vand.u32 $0x60, v1  }
0x114: {  	v1 =	vor.u32 v2, v1;
	_ =	sdelay $0x4  }
0x115: {  	v2 =	vld.idx.msk [tilespmem:v1+s13+$0x0], $0xffff  }
0x116: {  	v3 =	vor.u32 $0x1, v1;
	_ =	sdelay $0x1  }
0x117: {  	s23 =	sand.u32 $0x70, s22;
	s24 =	sand.u32 $0xC00, s1  }
0x118: {  	s23 =	sor.u32 s23, s24  }
0x119: {  	[tilespmem:s23+$0x14400] =	vst v2  }
0x11a: {  	v2 =	vld.idx.msk [tilespmem:v3+s13+$0x0], $0xffff  }
0x11b: {  	v3 =	vor.u32 $0x2, v1;
	_ =	sdelay $0x2  }
0x11c: {  	s24 =	sadd.s32 $0x14400, s23  }
0x11d: {  	[tilespmem:s24+$0x80] =	vst v2  }
0x11e: {  	v2 =	vld.idx.msk [tilespmem:v3+s13+$0x0], $0xffff  }
0x11f: {  	v3 =	vor.u32 $0x3, v1;
	_ =	sdelay $0x3  }
0x120: {  	[tilespmem:s24+$0x100] =	vst v2  }
0x121: {  	v2 =	vld.idx.msk [tilespmem:v3+s13+$0x0], $0xffff  }
0x122: {  	v3 =	vor.u32 $0x4, v1;
	_ =	sdelay $0x3  }
0x123: {  	[tilespmem:s24+$0x180] =	vst v2  }
0x124: {  	v2 =	vld.idx.msk [tilespmem:v3+s13+$0x0], $0xffff  }
0x125: {  	v3 =	vor.u32 $0x5, v1;
	_ =	sdelay $0x3  }
0x126: {  	[tilespmem:s24+$0x200] =	vst v2  }
0x127: {  	v2 =	vld.idx.msk [tilespmem:v3+s13+$0x0], $0xffff  }
0x128: {  	v3 =	vor.u32 $0x6, v1;
	_ =	sdelay $0x3  }
0x129: {  	[tilespmem:s24+$0x280] =	vst v2  }
0x12a: {  	v2 =	vld.idx.msk [tilespmem:v3+s13+$0x0], $0xffff  }
0x12b: {  	v3 =	vor.u32 $0x7, v1;
	_ =	sdelay $0x3  }
0x12c: {  	[tilespmem:s24+$0x300] =	vst v2  }
0x12d: {  	v2 =	vld.idx.msk [tilespmem:v3+s13+$0x0], $0xffff  }
0x12e: {  	v3 =	vor.u32 $0x8, v1;
	_ =	sdelay $0x1  }
0x12f: {  	s31 =	sor.u32 s1, s22  }
0x130: {  	s24 =	sor.u32 $0x380, s31  }
0x131: {  	[tilespmem:s24+$0x14400] =	vst v2  }
0x132: {  	v2 =	vld.idx.msk [tilespmem:v3+s13+$0x0], $0xffff  }
0x133: {  	v3 =	vor.u32 $0x9, v1;
	_ =	sdelay $0x3  }
0x134: {  	[tilespmem:s23+$0x15400] =	vst v2  }
0x135: {  	v2 =	vld.idx.msk [tilespmem:v3+s13+$0x0], $0xffff  }
0x136: {  	v3 =	vor.u32 $0xA, v1;
	_ =	sdelay $0x3  }
0x137: {  	[tilespmem:s23+$0x15480] =	vst v2  }
0x138: {  	v2 =	vld.idx.msk [tilespmem:v3+s13+$0x0], $0xffff  }
0x139: {  	v3 =	vor.u32 $0xB, v1;
	_ =	sdelay $0x3  }
0x13a: {  	[tilespmem:s23+$0x15500] =	vst v2  }
0x13b: {  	v2 =	vld.idx.msk [tilespmem:v3+s13+$0x0], $0xffff  }
0x13c: {  	v3 =	vor.u32 $0xC, v1;
	_ =	sdelay $0x3  }
0x13d: {  	[tilespmem:s23+$0x15580] =	vst v2  }
0x13e: {  	v2 =	vld.idx.msk [tilespmem:v3+s13+$0x0], $0xffff  }
0x13f: {  	v3 =	vor.u32 $0xD, v1;
	_ =	sdelay $0x3  }
0x140: {  	[tilespmem:s23+$0x15600] =	vst v2  }
0x141: {  	v2 =	vld.idx.msk [tilespmem:v3+s13+$0x0], $0xffff  }
0x142: {  	v3 =	vor.u32 $0xE, v1;
	_ =	sdelay $0x3  }
0x143: {  	[tilespmem:s23+$0x15680] =	vst v2  }
0x144: {  	v2 =	vld.idx.msk [tilespmem:v3+s13+$0x0], $0xffff  }
0x145: {  	v3 =	vor.u32 $0xF, v1;
	_ =	sdelay $0x3  }
0x146: {  	[tilespmem:s23+$0x15700] =	vst v2  }
0x147: {  	v2 =	vld.idx.msk [tilespmem:v3+s13+$0x0], $0xffff  }
0x148: {  	v3 =	vor.u32 $0x10, v1;
	_ =	sdelay $0x3  }
0x149: {  	[tilespmem:s23+$0x15780] =	vst v2  }
0x14a: {  	v2 =	vld.idx.msk [tilespmem:v3+s13+$0x0], $0xffff  }
0x14b: {  	v3 =	vor.u32 $0x11, v1;
	_ =	sdelay $0x3  }
0x14c: {  	[tilespmem:s23+$0x16400] =	vst v2  }
0x14d: {  	v2 =	vld.idx.msk [tilespmem:v3+s13+$0x0], $0xffff  }
0x14e: {  	v3 =	vor.u32 $0x12, v1;
	_ =	sdelay $0x3  }
0x14f: {  	[tilespmem:s23+$0x16480] =	vst v2  }
0x150: {  	v2 =	vld.idx.msk [tilespmem:v3+s13+$0x0], $0xffff  }
0x151: {  	v3 =	vor.u32 $0x13, v1;
	_ =	sdelay $0x3  }
0x152: {  	[tilespmem:s23+$0x16500] =	vst v2  }
0x153: {  	v2 =	vld.idx.msk [tilespmem:v3+s13+$0x0], $0xffff  }
0x154: {  	v3 =	vor.u32 $0x14, v1;
	_ =	sdelay $0x3  }
0x155: {  	[tilespmem:s23+$0x16580] =	vst v2  }
0x156: {  	v2 =	vld.idx.msk [tilespmem:v3+s13+$0x0], $0xffff  }
0x157: {  	v3 =	vor.u32 $0x15, v1;
	_ =	sdelay $0x3  }
0x158: {  	[tilespmem:s23+$0x16600] =	vst v2  }
0x159: {  	v2 =	vld.idx.msk [tilespmem:v3+s13+$0x0], $0xffff  }
0x15a: {  	v3 =	vor.u32 $0x16, v1;
	_ =	sdelay $0x3  }
0x15b: {  	[tilespmem:s23+$0x16680] =	vst v2  }
0x15c: {  	v2 =	vld.idx.msk [tilespmem:v3+s13+$0x0], $0xffff  }
0x15d: {  	v3 =	vor.u32 $0x17, v1;
	_ =	sdelay $0x3  }
0x15e: {  	[tilespmem:s23+$0x16700] =	vst v2  }
0x15f: {  	v2 =	vld.idx.msk [tilespmem:v3+s13+$0x0], $0xffff  }
0x160: {  	v3 =	vor.u32 $0x18, v1;
	_ =	sdelay $0x3  }
0x161: {  	[tilespmem:s23+$0x16780] =	vst v2  }
0x162: {  	v2 =	vld.idx.msk [tilespmem:v3+s13+$0x0], $0xffff  }
0x163: {  	v3 =	vor.u32 $0x19, v1;
	_ =	sdelay $0x3  }
0x164: {  	[tilespmem:s23+$0x17400] =	vst v2  }
0x165: {  	v2 =	vld.idx.msk [tilespmem:v3+s13+$0x0], $0xffff  }
0x166: {  	v3 =	vor.u32 $0x1A, v1;
	_ =	sdelay $0x3  }
0x167: {  	[tilespmem:s23+$0x17480] =	vst v2  }
0x168: {  	v2 =	vld.idx.msk [tilespmem:v3+s13+$0x0], $0xffff  }
0x169: {  	v3 =	vor.u32 $0x1B, v1;
	_ =	sdelay $0x3  }
0x16a: {  	[tilespmem:s23+$0x17500] =	vst v2  }
0x16b: {  	v2 =	vld.idx.msk [tilespmem:v3+s13+$0x0], $0xffff  }
0x16c: {  	v3 =	vor.u32 $0x1C, v1;
	_ =	sdelay $0x3  }
0x16d: {  	[tilespmem:s23+$0x17580] =	vst v2  }
0x16e: {  	v2 =	vld.idx.msk [tilespmem:v3+s13+$0x0], $0xffff  }
0x16f: {  	v3 =	vor.u32 $0x1D, v1;
	_ =	sdelay $0x3  }
0x170: {  	[tilespmem:s23+$0x17600] =	vst v2  }
0x171: {  	v2 =	vld.idx.msk [tilespmem:v3+s13+$0x0], $0xffff  }
0x172: {  	v3 =	vor.u32 $0x1E, v1;
	_ =	sdelay $0x3  }
0x173: {  	[tilespmem:s23+$0x17680] =	vst v2  }
0x174: {  	v2 =	vld.idx.msk [tilespmem:v3+s13+$0x0], $0xffff  }
0x175: {  	v1 =	vor.u32 $0x1F, v1;
	_ =	sdelay $0x3  }
0x176: {  	[tilespmem:s23+$0x17700] =	vst v2  }
0x177: {  	p0 =	sne.s32 s22, $0x1F0;
	v1 =	vld.idx.msk [tilespmem:v1+s13+$0x0], $0xffff  }
.Ltmp3:
0x178: {  	_ = 	snop;
	(pc) =	sbr.rel @p0 .LBB2_8-.Ltmp3, $2  }
0x179: {  	_ =	sdelay $0x2  }
0x17a: {  	s1 =	sadd.s32 $0x80, s1;
	s0 =	sadd.s32 $0x10, s0;
	s22 =	sadd.s32 $0x10, s22;
	[tilespmem:s23+$0x17780] =	vst v1  }
0x17b: {  	s22 =	simm.s32 $0x18400;
	s23 =	simm.s32 $0x0  }
.LBB2_10:
0x17c: {  	s0 =	sand.u32 $0x70, s23;
	s1 =	sand.u32 $0xC00, s21  }
0x17d: {  	s24 =	sor.u32 s0, s1  }
0x17e: {  	v4 =	vld [tilespmem:s24+$0x10400]  }
0x17f: {  	v3 =	vld [tilespmem:s24+$0x14400]  }
0x180: {  	v1 =	vld [tilespmem:s24+$0x10480]  }
0x181: {  	s31 =	sand.u32 $0xFFFFFC00, s21;
	v2 =	vld [tilespmem:s24+$0x14480]  }
0x182: {  	s26 =	sadd.s32 s31, s23;
	v5 =	vld [tilespmem:s24+$0x10500]  }
0x183: {  	v6 =	vld [tilespmem:s24+$0x14500];
	s1 =	sor.u32 $0x180, s26  }
0x184: {  	v7 =	vld [tilespmem:s1+$0x10400]  }
0x185: {  	v8 =	vld [tilespmem:s1+$0x14400];
	v1 =	vadd.f32 v1, v4  }
0x186: {  	v9 =	vld [tilespmem:s24+$0x10600];
	v2 =	vadd.f32 v2, v3  }
0x187: {  	v48 =	vld [tilespmem:s24+$0x14600];
	v1 =	vadd.f32 v5, v1  }
0x188: {  	v49 =	vld [tilespmem:s24+$0x10680];
	v2 =	vadd.f32 v6, v2  }
0x189: {  	v50 =	vld [tilespmem:s24+$0x14680];
	v1 =	vadd.f32 v7, v1  }
0x18a: {  	s25 =	sor.u32 s23, s21;
	v51 =	vld [tilespmem:s24+$0x10700];
	v2 =	vadd.f32 v8, v2  }
0x18b: {  	s0 =	sor.u32 $0x380, s25;
	v52 =	vld [tilespmem:s24+$0x14700];
	v1 =	vadd.f32 v9, v1  }
0x18c: {  	v53 =	vld [tilespmem:s0+$0x10400];
	v2 =	vadd.f32 v48, v2  }
0x18d: {  	v54 =	vld [tilespmem:s0+$0x14400];
	v1 =	vadd.f32 v49, v1  }
0x18e: {  	v55 =	vld [tilespmem:s24+$0x11400];
	v2 =	vadd.f32 v50, v2  }
0x18f: {  	v56 =	vld [tilespmem:s24+$0x15400];
	v1 =	vadd.f32 v51, v1  }
0x190: {  	v57 =	vld [tilespmem:s24+$0x11480];
	v2 =	vadd.f32 v52, v2  }
0x191: {  	v58 =	vld [tilespmem:s24+$0x15480];
	v1 =	vadd.f32 v53, v1  }
0x192: {  	v59 =	vld [tilespmem:s24+$0x11500];
	v2 =	vadd.f32 v54, v2  }
0x193: {  	v60 =	vld [tilespmem:s24+$0x15500];
	s31 =	sor.u32 $0x1180, s26;
	v1 =	vadd.f32 v55, v1  }
0x194: {  	v61 =	vld [tilespmem:s31+$0x10400];
	v2 =	vadd.f32 v56, v2  }
0x195: {  	v62 =	vld [tilespmem:s31+$0x14400];
	v1 =	vadd.f32 v57, v1  }
0x196: {  	v63 =	vld [tilespmem:s24+$0x11600];
	v2 =	vadd.f32 v58, v2  }
0x197: {  	v12 =	vld [tilespmem:s24+$0x15600];
	v1 =	vadd.f32 v59, v1  }
0x198: {  	v13 =	vld [tilespmem:s24+$0x11680];
	v2 =	vadd.f32 v60, v2  }
0x199: {  	v14 =	vld [tilespmem:s24+$0x15680];
	v1 =	vadd.f32 v61, v1  }
0x19a: {  	v15 =	vld [tilespmem:s24+$0x11700];
	v2 =	vadd.f32 v62, v2  }
0x19b: {  	s30 =	sor.u32 $0x1380, s25;
	v16 =	vld [tilespmem:s24+$0x15700];
	v1 =	vadd.f32 v63, v1  }
0x19c: {  	v17 =	vld [tilespmem:s30+$0x10400];
	v2 =	vadd.f32 v12, v2  }
0x19d: {  	v18 =	vld [tilespmem:s30+$0x14400];
	v1 =	vadd.f32 v13, v1  }
0x19e: {  	v19 =	vld [tilespmem:s24+$0x12400];
	v2 =	vadd.f32 v14, v2  }
0x19f: {  	v20 =	vld [tilespmem:s24+$0x16400];
	v1 =	vadd.f32 v15, v1  }
0x1a0: {  	v21 =	vld [tilespmem:s24+$0x12480];
	v2 =	vadd.f32 v16, v2  }
0x1a1: {  	v22 =	vld [tilespmem:s24+$0x16480];
	v1 =	vadd.f32 v17, v1  }
0x1a2: {  	v23 =	vld [tilespmem:s24+$0x12500];
	v2 =	vadd.f32 v18, v2  }
0x1a3: {  	v24 =	vld [tilespmem:s24+$0x16500];
	s29 =	sor.u32 $0x2180, s26;
	v1 =	vadd.f32 v19, v1  }
0x1a4: {  	v25 =	vld [tilespmem:s29+$0x10400];
	v2 =	vadd.f32 v20, v2  }
0x1a5: {  	v26 =	vld [tilespmem:s29+$0x14400];
	v1 =	vadd.f32 v21, v1  }
0x1a6: {  	v27 =	vld [tilespmem:s24+$0x12600];
	v2 =	vadd.f32 v22, v2  }
0x1a7: {  	v28 =	vld [tilespmem:s24+$0x16600];
	v1 =	vadd.f32 v23, v1  }
0x1a8: {  	v29 =	vld [tilespmem:s24+$0x12680];
	v2 =	vadd.f32 v24, v2  }
0x1a9: {  	v30 =	vld [tilespmem:s24+$0x16680];
	v1 =	vadd.f32 v25, v1  }
0x1aa: {  	v31 =	vld [tilespmem:s24+$0x12700];
	v2 =	vadd.f32 v26, v2  }
0x1ab: {  	s28 =	sor.u32 $0x2380, s25;
	v32 =	vld [tilespmem:s24+$0x16700];
	v1 =	vadd.f32 v27, v1  }
0x1ac: {  	v33 =	vld [tilespmem:s28+$0x10400];
	v2 =	vadd.f32 v28, v2  }
0x1ad: {  	v34 =	vld [tilespmem:s28+$0x14400];
	v1 =	vadd.f32 v29, v1  }
0x1ae: {  	v35 =	vld [tilespmem:s24+$0x13400];
	v2 =	vadd.f32 v30, v2  }
0x1af: {  	v36 =	vld [tilespmem:s24+$0x17400];
	v1 =	vadd.f32 v31, v1  }
0x1b0: {  	v37 =	vld [tilespmem:s24+$0x13480];
	v2 =	vadd.f32 v32, v2  }
0x1b1: {  	v38 =	vld [tilespmem:s24+$0x17480];
	v1 =	vadd.f32 v33, v1  }
0x1b2: {  	v39 =	vld [tilespmem:s24+$0x13500];
	v2 =	vadd.f32 v34, v2  }
0x1b3: {  	v40 =	vld [tilespmem:s24+$0x17500];
	s26 =	sor.u32 $0x3180, s26;
	v1 =	vadd.f32 v35, v1  }
0x1b4: {  	v41 =	vld [tilespmem:s26+$0x10400];
	v2 =	vadd.f32 v36, v2  }
0x1b5: {  	v42 =	vld [tilespmem:s26+$0x14400];
	v1 =	vadd.f32 v37, v1  }
0x1b6: {  	v43 =	vld [tilespmem:s24+$0x13600];
	v2 =	vadd.f32 v38, v2  }
0x1b7: {  	v44 =	vld [tilespmem:s24+$0x17600];
	v1 =	vadd.f32 v39, v1  }
0x1b8: {  	v45 =	vld [tilespmem:s24+$0x13680];
	v2 =	vadd.f32 v40, v2  }
0x1b9: {  	v46 =	vld [tilespmem:s24+$0x17680];
	v1 =	vadd.f32 v41, v1  }
0x1ba: {  	v47 =	vld [tilespmem:s24+$0x13700];
	v2 =	vadd.f32 v42, v2  }
0x1bb: {  	s25 =	sor.u32 $0x3380, s25;
	v48 =	vld [tilespmem:s24+$0x17700];
	v1 =	vadd.f32 v43, v1  }
0x1bc: {  	v49 =	vld [tilespmem:s25+$0x10400];
	v2 =	vadd.f32 v44, v2  }
0x1bd: {  	v50 =	vld [tilespmem:s25+$0x14400];
	v1 =	vadd.f32 v45, v1  }
0x1be: {  	v2 =	vadd.f32 v46, v2  }
0x1bf: {  	v1 =	vadd.f32 v47, v1  }
0x1c0: {  	v2 =	vadd.f32 v48, v2  }
0x1c1: {  	v1 =	vadd.f32 v49, v1  }
0x1c2: {  	v51 =	vld [tilespmem:s24+$0x10480];
	v2 =	vadd.f32 v50, v2  }
0x1c3: {  	v52 =	vld [tilespmem:s24+$0x14480];
	v1 =	vmul.f32 $3.125000000e-02, v1  }
0x1c4: {  	v53 =	vld [tilespmem:s24+$0x10500];
	v2 =	vmul.f32 $3.125000000e-02, v2  }
0x1c5: {  	v54 =	vld [tilespmem:s24+$0x14500];
	v4 =	vsub.f32 v4, v1  }
0x1c6: {  	v3 =	vsub.f32 v3, v2  }
0x1c7: {  	v5 =	vsub.f32 v51, v1;
	[tilespmem:s24+$0x10400] =	vst v4  }
0x1c8: {  	v6 =	vsub.f32 v52, v2;
	[tilespmem:s24+$0x14400] =	vst v3  }
0x1c9: {  	v7 =	vsub.f32 v53, v1;
	[tilespmem:s24+$0x10480] =	vst v5  }
0x1ca: {  	v8 =	vsub.f32 v54, v2;
	[tilespmem:s24+$0x14480] =	vst v6  }
0x1cb: {  	[tilespmem:s24+$0x10500] =	vst v7  }
0x1cc: {  	[tilespmem:s24+$0x14500] =	vst v8  }
0x1cd: {  	v55 =	vld [tilespmem:s1+$0x10400]  }
0x1ce: {  	v10 =	vld [tilespmem:s1+$0x14400];
	_ =	sdelay $0x3  }
0x1cf: {  	v9 =	vsub.f32 v55, v1  }
0x1d0: {  	v10 =	vsub.f32 v10, v2  }
0x1d1: {  	[tilespmem:s1+$0x10400] =	vst v9  }
0x1d2: {  	[tilespmem:s1+$0x14400] =	vst v10  }
0x1d3: {  	v11 =	vld [tilespmem:s24+$0x10600]  }
0x1d4: {  	v12 =	vld [tilespmem:s24+$0x14600]  }
0x1d5: {  	v13 =	vld [tilespmem:s24+$0x10680]  }
0x1d6: {  	v14 =	vld [tilespmem:s24+$0x14680]  }
0x1d7: {  	v15 =	vld [tilespmem:s24+$0x10700]  }
0x1d8: {  	v16 =	vld [tilespmem:s24+$0x14700];
	v11 =	vsub.f32 v11, v1  }
0x1d9: {  	v12 =	vsub.f32 v12, v2  }
0x1da: {  	v13 =	vsub.f32 v13, v1;
	[tilespmem:s24+$0x10600] =	vst v11  }
0x1db: {  	v14 =	vsub.f32 v14, v2;
	[tilespmem:s24+$0x14600] =	vst v12  }
0x1dc: {  	v15 =	vsub.f32 v15, v1;
	[tilespmem:s24+$0x10680] =	vst v13  }
0x1dd: {  	v16 =	vsub.f32 v16, v2;
	[tilespmem:s24+$0x14680] =	vst v14  }
0x1de: {  	[tilespmem:s24+$0x10700] =	vst v15  }
0x1df: {  	[tilespmem:s24+$0x14700] =	vst v16  }
0x1e0: {  	v17 =	vld [tilespmem:s0+$0x10400]  }
0x1e1: {  	v18 =	vld [tilespmem:s0+$0x14400];
	_ =	sdelay $0x3  }
0x1e2: {  	v17 =	vsub.f32 v17, v1  }
0x1e3: {  	v18 =	vsub.f32 v18, v2  }
0x1e4: {  	[tilespmem:s0+$0x10400] =	vst v17  }
0x1e5: {  	[tilespmem:s0+$0x14400] =	vst v18  }
0x1e6: {  	v19 =	vld [tilespmem:s24+$0x11400]  }
0x1e7: {  	v20 =	vld [tilespmem:s24+$0x15400]  }
0x1e8: {  	v21 =	vld [tilespmem:s24+$0x11480]  }
0x1e9: {  	v22 =	vld [tilespmem:s24+$0x15480]  }
0x1ea: {  	v23 =	vld [tilespmem:s24+$0x11500]  }
0x1eb: {  	v24 =	vld [tilespmem:s24+$0x15500];
	v19 =	vsub.f32 v19, v1  }
0x1ec: {  	v20 =	vsub.f32 v20, v2  }
0x1ed: {  	v21 =	vsub.f32 v21, v1;
	[tilespmem:s24+$0x11400] =	vst v19  }
0x1ee: {  	v22 =	vsub.f32 v22, v2;
	[tilespmem:s24+$0x15400] =	vst v20  }
0x1ef: {  	v23 =	vsub.f32 v23, v1;
	[tilespmem:s24+$0x11480] =	vst v21  }
0x1f0: {  	v24 =	vsub.f32 v24, v2;
	[tilespmem:s24+$0x15480] =	vst v22  }
0x1f1: {  	[tilespmem:s24+$0x11500] =	vst v23  }
0x1f2: {  	[tilespmem:s24+$0x15500] =	vst v24  }
0x1f3: {  	v25 =	vld [tilespmem:s31+$0x10400]  }
0x1f4: {  	v26 =	vld [tilespmem:s31+$0x14400];
	_ =	sdelay $0x3  }
0x1f5: {  	v25 =	vsub.f32 v25, v1  }
0x1f6: {  	v26 =	vsub.f32 v26, v2  }
0x1f7: {  	[tilespmem:s31+$0x10400] =	vst v25  }
0x1f8: {  	[tilespmem:s31+$0x14400] =	vst v26  }
0x1f9: {  	v27 =	vld [tilespmem:s24+$0x11600]  }
0x1fa: {  	v28 =	vld [tilespmem:s24+$0x15600]  }
0x1fb: {  	v29 =	vld [tilespmem:s24+$0x11680]  }
0x1fc: {  	v30 =	vld [tilespmem:s24+$0x15680]  }
0x1fd: {  	v31 =	vld [tilespmem:s24+$0x11700]  }
0x1fe: {  	v32 =	vld [tilespmem:s24+$0x15700];
	v27 =	vsub.f32 v27, v1  }
0x1ff: {  	v28 =	vsub.f32 v28, v2  }
0x200: {  	v29 =	vsub.f32 v29, v1;
	[tilespmem:s24+$0x11600] =	vst v27  }
0x201: {  	v30 =	vsub.f32 v30, v2;
	[tilespmem:s24+$0x15600] =	vst v28  }
0x202: {  	v31 =	vsub.f32 v31, v1;
	[tilespmem:s24+$0x11680] =	vst v29  }
0x203: {  	v32 =	vsub.f32 v32, v2;
	[tilespmem:s24+$0x15680] =	vst v30  }
0x204: {  	[tilespmem:s24+$0x11700] =	vst v31  }
0x205: {  	[tilespmem:s24+$0x15700] =	vst v32  }
0x206: {  	v33 =	vld [tilespmem:s30+$0x10400]  }
0x207: {  	v34 =	vld [tilespmem:s30+$0x14400];
	_ =	sdelay $0x3  }
0x208: {  	v33 =	vsub.f32 v33, v1  }
0x209: {  	v34 =	vsub.f32 v34, v2  }
0x20a: {  	[tilespmem:s30+$0x10400] =	vst v33  }
0x20b: {  	[tilespmem:s30+$0x14400] =	vst v34  }
0x20c: {  	v35 =	vld [tilespmem:s24+$0x12400]  }
0x20d: {  	v36 =	vld [tilespmem:s24+$0x16400]  }
0x20e: {  	v37 =	vld [tilespmem:s24+$0x12480]  }
0x20f: {  	v38 =	vld [tilespmem:s24+$0x16480]  }
0x210: {  	v39 =	vld [tilespmem:s24+$0x12500]  }
0x211: {  	v40 =	vld [tilespmem:s24+$0x16500];
	v35 =	vsub.f32 v35, v1  }
0x212: {  	v36 =	vsub.f32 v36, v2  }
0x213: {  	v37 =	vsub.f32 v37, v1;
	[tilespmem:s24+$0x12400] =	vst v35  }
0x214: {  	v38 =	vsub.f32 v38, v2;
	[tilespmem:s24+$0x16400] =	vst v36  }
0x215: {  	v39 =	vsub.f32 v39, v1;
	[tilespmem:s24+$0x12480] =	vst v37  }
0x216: {  	v40 =	vsub.f32 v40, v2;
	[tilespmem:s24+$0x16480] =	vst v38  }
0x217: {  	[tilespmem:s24+$0x12500] =	vst v39  }
0x218: {  	[tilespmem:s24+$0x16500] =	vst v40  }
0x219: {  	v41 =	vld [tilespmem:s29+$0x10400]  }
0x21a: {  	v42 =	vld [tilespmem:s29+$0x14400];
	_ =	sdelay $0x3  }
0x21b: {  	v41 =	vsub.f32 v41, v1  }
0x21c: {  	v42 =	vsub.f32 v42, v2  }
0x21d: {  	[tilespmem:s29+$0x10400] =	vst v41  }
0x21e: {  	[tilespmem:s29+$0x14400] =	vst v42  }
0x21f: {  	v43 =	vld [tilespmem:s24+$0x12600]  }
0x220: {  	v44 =	vld [tilespmem:s24+$0x16600]  }
0x221: {  	v3 =	vmul.f32 v3, v4;
	v56 =	vld [tilespmem:s24+$0x12680]  }
0x222: {  	v45 =	vld [tilespmem:s24+$0x16680]  }
0x223: {  	v5 =	vmul.f32 v6, v5;
	v3 =	vadd.f32 $0.0e+00, v3;
	v57 =	vld [tilespmem:s24+$0x12700]  }
0x224: {  	v46 =	vld [tilespmem:s24+$0x16700];
	v43 =	vsub.f32 v43, v1  }
0x225: {  	v58 =	vmul.f32 v8, v7;
	v3 =	vadd.f32 v5, v3;
	v59 =	vsub.f32 v44, v2  }
0x226: {  	v4 =	vsub.f32 v56, v1;
	[tilespmem:s24+$0x12600] =	vst v43  }
0x227: {  	v3 =	vadd.f32 v58, v3;
	v60 =	vmul.f32 v10, v9;
	v61 =	vsub.f32 v45, v2;
	[tilespmem:s24+$0x16600] =	vst v59  }
0x228: {  	v6 =	vsub.f32 v57, v1;
	[tilespmem:s24+$0x12680] =	vst v4  }
0x229: {  	v3 =	vadd.f32 v60, v3;
	v62 =	vmul.f32 v12, v11;
	v63 =	vsub.f32 v46, v2;
	[tilespmem:s24+$0x16680] =	vst v61  }
0x22a: {  	[tilespmem:s24+$0x12700] =	vst v6  }
0x22b: {  	v13 =	vmul.f32 v14, v13;
	v3 =	vadd.f32 v62, v3;
	[tilespmem:s24+$0x16700] =	vst v63  }
0x22c: {  	v14 =	vld [tilespmem:s28+$0x10400]  }
0x22d: {  	v15 =	vmul.f32 v16, v15;
	v3 =	vadd.f32 v13, v3;
	v16 =	vld [tilespmem:s28+$0x14400];
	_ =	sdelay $0x1  }
0x22e: {  	v3 =	vadd.f32 v15, v3;
	v17 =	vmul.f32 v18, v17;
	_ =	sdelay $0x1  }
0x22f: {  	v3 =	vadd.f32 v17, v3;
	v18 =	vmul.f32 v20, v19;
	v10 =	vsub.f32 v14, v1  }
0x230: {  	v11 =	vsub.f32 v16, v2  }
0x231: {  	v19 =	vmul.f32 v22, v21;
	v3 =	vadd.f32 v18, v3;
	[tilespmem:s28+$0x10400] =	vst v10  }
0x232: {  	[tilespmem:s28+$0x14400] =	vst v11  }
0x233: {  	v20 =	vmul.f32 v24, v23;
	v3 =	vadd.f32 v19, v3;
	v21 =	vld [tilespmem:s24+$0x13400]  }
0x234: {  	v22 =	vld [tilespmem:s24+$0x17400]  }
0x235: {  	v3 =	vadd.f32 v20, v3;
	v23 =	vmul.f32 v26, v25;
	v24 =	vld [tilespmem:s24+$0x13480]  }
0x236: {  	v25 =	vld [tilespmem:s24+$0x17480]  }
0x237: {  	v3 =	vadd.f32 v23, v3;
	v26 =	vmul.f32 v28, v27;
	v27 =	vld [tilespmem:s24+$0x13500]  }
0x238: {  	v28 =	vld [tilespmem:s24+$0x17500];
	v12 =	vsub.f32 v21, v1  }
0x239: {  	v30 =	vmul.f32 v30, v29;
	v3 =	vadd.f32 v26, v3;
	v13 =	vsub.f32 v22, v2  }
0x23a: {  	v14 =	vsub.f32 v24, v1;
	[tilespmem:s24+$0x13400] =	vst v12  }
0x23b: {  	v32 =	vmul.f32 v32, v31;
	v3 =	vadd.f32 v30, v3;
	v15 =	vsub.f32 v25, v2;
	[tilespmem:s24+$0x17400] =	vst v13  }
0x23c: {  	v16 =	vsub.f32 v27, v1;
	[tilespmem:s24+$0x13480] =	vst v14  }
0x23d: {  	v3 =	vadd.f32 v32, v3;
	v34 =	vmul.f32 v34, v33;
	v17 =	vsub.f32 v28, v2;
	[tilespmem:s24+$0x17480] =	vst v15  }
0x23e: {  	[tilespmem:s24+$0x13500] =	vst v16  }
0x23f: {  	v3 =	vadd.f32 v34, v3;
	v35 =	vmul.f32 v36, v35;
	[tilespmem:s24+$0x17500] =	vst v17  }
0x240: {  	v36 =	vld [tilespmem:s26+$0x10400]  }
0x241: {  	v37 =	vmul.f32 v38, v37;
	v3 =	vadd.f32 v35, v3;
	v38 =	vld [tilespmem:s26+$0x14400];
	_ =	sdelay $0x1  }
0x242: {  	v40 =	vmul.f32 v40, v39;
	v3 =	vadd.f32 v37, v3;
	_ =	sdelay $0x1  }
0x243: {  	v3 =	vadd.f32 v40, v3;
	v44 =	vmul.f32 v42, v41;
	v18 =	vsub.f32 v36, v1  }
0x244: {  	v19 =	vsub.f32 v38, v2  }
0x245: {  	v3 =	vadd.f32 v44, v3;
	v45 =	vmul.f32 v59, v43;
	[tilespmem:s26+$0x10400] =	vst v18  }
0x246: {  	[tilespmem:s26+$0x14400] =	vst v19  }
0x247: {  	v4 =	vmul.f32 v61, v4;
	v3 =	vadd.f32 v45, v3;
	v46 =	vld [tilespmem:s24+$0x13600]  }
0x248: {  	v47 =	vld [tilespmem:s24+$0x17600]  }
0x249: {  	v48 =	vmul.f32 v63, v6;
	v3 =	vadd.f32 v4, v3;
	v49 =	vld [tilespmem:s24+$0x13680]  }
0x24a: {  	v50 =	vld [tilespmem:s24+$0x17680]  }
0x24b: {  	v3 =	vadd.f32 v48, v3;
	v51 =	vmul.f32 v11, v10;
	v52 =	vld [tilespmem:s24+$0x13700]  }
0x24c: {  	v53 =	vld [tilespmem:s24+$0x17700];
	v5 =	vsub.f32 v46, v1  }
0x24d: {  	v3 =	vadd.f32 v51, v3;
	v54 =	vmul.f32 v13, v12;
	v7 =	vsub.f32 v47, v2  }
0x24e: {  	v6 =	vsub.f32 v49, v1;
	[tilespmem:s24+$0x13600] =	vst v5  }
0x24f: {  	v55 =	vmul.f32 v15, v14;
	v3 =	vadd.f32 v54, v3;
	v8 =	vsub.f32 v50, v2;
	[tilespmem:s24+$0x17600] =	vst v7  }
0x250: {  	v9 =	vsub.f32 v52, v1;
	[tilespmem:s24+$0x13680] =	vst v6  }
0x251: {  	v56 =	vmul.f32 v17, v16;
	v3 =	vadd.f32 v55, v3;
	v10 =	vsub.f32 v53, v2;
	[tilespmem:s24+$0x17680] =	vst v8  }
0x252: {  	[tilespmem:s24+$0x13700] =	vst v9  }
0x253: {  	v3 =	vadd.f32 v56, v3;
	v57 =	vmul.f32 v19, v18;
	[tilespmem:s24+$0x17700] =	vst v10  }
0x254: {  	v58 =	vld [tilespmem:s25+$0x10400]  }
0x255: {  	v3 =	vadd.f32 v57, v3;
	v59 =	vmul.f32 v7, v5;
	v60 =	vld [tilespmem:s25+$0x14400];
	_ =	sdelay $0x1  }
0x256: {  	v61 =	vmul.f32 v8, v6;
	v3 =	vadd.f32 v59, v3;
	_ =	sdelay $0x1  }
0x257: {  	v3 =	vadd.f32 v61, v3  }
0x258: {  	v62 =	vmul.f32 v10, v9;
	v1 =	vsub.f32 v58, v1;
	v2 =	vsub.f32 v60, v2  }
0x259: {  	p0 =	sne.s32 s23, $0x1F0  }
.Ltmp4:
0x25a: {  	v3 =	vadd.f32 v62, v3;
	v63 =	vmul.f32 v2, v1;
	(pc) =	sbr.rel @p0 .LBB2_10-.Ltmp4, $4  }
0x25b: {  	_ = 	snop  }
0x25c: {  	[tilespmem:s25+$0x10400] =	vst v1;
	v1 =	vadd.f32 v63, v3  }
0x25d: {  	[tilespmem:s25+$0x14400] =	vst v2  }
0x25e: {  	s21 =	sadd.s32 $0x80, s21;
	s23 =	sadd.s32 $0x10, s23;
	[tilespmem:s22+$0x0] =	vst v1;
	s22 =	sadd.s32 $0x10, s22  }
0x25f: {  	[hbm4b:s7+s15] =	stream.strided.scatter [tilespmem:s17], [sflag:$0x2], $0x4000, s16, s15, $0x38;
	[tilespmem:$0x18600] =	vst v63  }
0x260: {  	_ =	swait.ge [sflag:s11], $0x4000  }
0x261: {  	[sflag:s11] =	ssyncset.done $0x0  }
0x262: {  	[sflag:s11] =	ssyncadd.s32 $0xFFFFC000  }
0x263: {  	[hbm4b:s8+s15] =	stream.strided.scatter [tilespmem:s18], [sflag:$0x2], $0x4000, s16, s15, $0x38;
	[tilespmem:$0x18600] =	vst v63  }
0x264: {  	s20 =	sadd.s32 $0x1, s20;
	_ =	swait.ge [sflag:s11], $0x4000  }
0x265: {  	p0 =	sne.s32 s20, s10;
	[sflag:s11] =	ssyncset.done $0x0  }
.Ltmp5:
0x266: {  	[sflag:s11] =	ssyncadd.s32 $0xFFFFC000;
	(pc) =	sbr.rel @p0 .LBB2_1-.Ltmp5, $4  }
0x267: {  	[hbm4b:s9+s2] =	stream.linear.scatter [tilespmem:s19], [sflag:$0x2], $0x200, $0x38;
	[tilespmem:$0x18600] =	vst v63  }
0x268: {  	_ =	swait.ge [sflag:s11], $0x200  }
0x269: {  	[sflag:s11] =	ssyncset.done $0x0  }
0x26a: {  	[sflag:s11] =	ssyncadd.s32 $0xFFFFFE00  }
0x26b: {  	_ =	sfence.sel $0x180000  }
0x26c: {  	[bflag:$0x0] =	sbarrier.arrive $0xFFFF  }
0x26d: {  	_ =	strace $0x90000047  }
0x26e: {  	s0 =	stileid.u32;
	[bflag:$0x2] =	sbarrier.arrive $0xFFFF  }
0x26f: {  	p0 =	sne.s32 s0, $0x0;
	s0 =	rddreg [dreg:$0x4]  }
0x270: {  	s0 =	sadd.s32 @!p0 $0x100000, s0  }
0x271: {  	[sflag:s0] =	ssyncadd.tile.s32 @!p0 $0x1;
	_ =	shalt  }
.Lfunc_end2:
_tile_overlayer_lowered:
.L_overlay_start_2:
0x272: {  	(tag) =	ssettag $0x2  }
0x273: {  	s0 =	rddreg [dreg:$0x0];
	s2 =	stileid.u32  }
0x274: {  	s1 =	rddreg [dreg:$0x1];
	p0 =	sne.s32 s2, $0x0  }
0x275: {  	s3 =	rddreg [dreg:$0x2];
	[bflag:$0x3] =	sbarrier.arrive $0xFFFF;
	s2 =	simm.s32 @!p0 $0x1C02  }
0x276: {  	[timem:s3], [sflag:s2] =	dma.local @!p0 [hbm:s0], s1  }
0x277: {  	s0 =	simm.s32 @!p0 $0x2  }
0x278: {  	_ =	swait.ge @!p0 [sflag:s0], s1  }
0x279: {  	s1 =	ssub.s32 @!p0 $0x0, s1;
	[sflag:s0] =	ssyncset.done @!p0 $0x0  }
0x27a: {  	[sflag:s0] =	ssyncadd.s32 @!p0 s1  }
0x27b: {  	[bflag:$0x3] =	sbarrier.arrive $0xFFFF  }
0x27c: {  	_ =	shalt  }

</sc_bundles>
